<compile_context>
chip_gen: v7x
topology: tpu7x:2x2x1
jax: 0.10.2.dev20260603
libtpu: 0.0.44.dev20260713+nightly
codegen_flags: <defaults>
</compile_context>

<pallas_src>
import functools

import jax
import jax.numpy as jnp
from jax import lax
from jax.experimental import pallas as pl
from jax.experimental.pallas import tpu as pltpu
from jax.experimental.pallas import tpu_sc as plsc

D_MODEL = 64
D_PAD = 128
BATCH = 16384
EPS = 1e-5

NUM_CORES = 2
NUM_SUBCORES = 16
NUM_WORKERS = NUM_CORES * NUM_SUBCORES
ROWS_PER_WORKER = BATCH // NUM_WORKERS
CHUNK = 128
NUM_CHUNKS = ROWS_PER_WORKER // CHUNK
ROW_UNROLL = 4
NVREG = D_MODEL // 16
MAX_FAM = 512


def _rsqrt(v):
    i = lax.bitcast_convert_type(v, jnp.int32)
    i = jnp.full_like(i, 0x5F3759DF) - lax.shift_right_arithmetic(i, 1)
    y = lax.bitcast_convert_type(i, jnp.float32)
    return y * (1.5 - 0.5 * v * y * y)


_GATHER_DNUMS = lax.GatherDimensionNumbers(
    offset_dims=(), collapsed_slice_dims=(0,), start_index_map=(0,))


def _shuffle(t, perm):
    return lax.gather(t, perm[:, None], dimension_numbers=_GATHER_DNUMS,
                      slice_sizes=(1,),
                      mode=lax.GatherScatterMode.PROMISE_IN_BOUNDS)


def _sc_kernel_body(gid_hbm, fid_hbm, gtab_hbm, ftab_hbm, gamma_hbm, beta_hbm,
                    out_hbm, idx_g, idx_f, rows_ga, rows_gb, ftab_v,
                    out_v0, out_v1, gamma_v, beta_v,
                    sem_ga, sem_gb, sem_ft, sem_o0, sem_o1):
    wid = lax.axis_index("s") * NUM_CORES + lax.axis_index("c")
    base = wid * ROWS_PER_WORKER

    cft = pltpu.async_copy(ftab_hbm, ftab_v, sem_ft)
    cfi = pltpu.async_copy(fid_hbm.at[pl.ds(base, ROWS_PER_WORKER)], idx_f,
                           sem_ft)
    pltpu.sync_copy(gid_hbm.at[pl.ds(base, ROWS_PER_WORKER)], idx_g)
    pltpu.sync_copy(gamma_hbm, gamma_v)
    pltpu.sync_copy(beta_hbm, beta_v)

    gvec = [gamma_v[pl.ds(c * 16, 16)] for c in range(NVREG)]
    bvec = [beta_v[pl.ds(c * 16, 16)] for c in range(NVREG)]

    lane = lax.iota(jnp.int32, 16)
    cols = [lane + c * 16 for c in range(NVREG)]

    def start_gathers(j, rg, sg):
        return pltpu.async_copy(
            gtab_hbm.at[idx_g.at[pl.ds(j * CHUNK, CHUNK)]], rg, sg)

    def compute(j, rows_g, out_v):
        @plsc.parallel_loop(0, CHUNK, step=1, unroll=ROW_UNROLL)
        def body(r):
            grp = idx_f[pl.ds(pl.multiple_of(j * CHUNK + (r & -16), 8), 16)]
            fidv = _shuffle(grp, jnp.full((16,), r & 15, dtype=jnp.int32))
            frow = lax.shift_right_logical(fidv, 1)
            fcol = (fidv & 1) * D_MODEL
            xs = []
            for c in range(NVREG):
                g = rows_g[r, pl.ds(c * 16, 16)]
                f = plsc.load_gather(ftab_v, [frow, fcol + cols[c]])
                xs.append(g + f)
            t = (xs[0] + xs[1]) + (xs[2] + xs[3])
            q = (xs[0] * xs[0] + xs[1] * xs[1]) + (xs[2] * xs[2] + xs[3] * xs[3])
            s_sum = jnp.sum(t)
            q_sum = jnp.sum(q)
            mean = s_sum * (1.0 / D_MODEL)
            var = q_sum * (1.0 / D_MODEL) - mean * mean
            rv = _rsqrt(var + EPS)
            a = rv
            b = -mean * rv
            for c in range(NVREG):
                out_v[r, pl.ds(c * 16, 16)] = (xs[c] * a + b) * gvec[c] + bvec[c]

    def start_out(j, out_v, so):
        return pltpu.async_copy(
            out_v, out_hbm.at[pl.ds(base + j * CHUNK, CHUNK)], so)

    g0 = start_gathers(0, rows_ga, sem_ga)
    g1 = start_gathers(1, rows_gb, sem_gb)
    cft.wait()
    cfi.wait()
    g0.wait()
    compute(0, rows_ga, out_v0)
    o0 = start_out(0, out_v0, sem_o0)
    g2 = start_gathers(2, rows_ga, sem_ga)
    g1.wait()
    compute(1, rows_gb, out_v1)
    o1 = start_out(1, out_v1, sem_o1)
    g3 = start_gathers(3, rows_gb, sem_gb)
    g2.wait()
    o0.wait()
    compute(2, rows_ga, out_v0)
    o2 = start_out(2, out_v0, sem_o0)
    g3.wait()
    o1.wait()
    compute(3, rows_gb, out_v1)
    o3 = start_out(3, out_v1, sem_o1)
    o2.wait()
    o3.wait()


@jax.jit
def _run(gid, fid, gtab_pad, ftab2, gamma, beta):
    mesh = plsc.VectorSubcoreMesh(core_axis_name="c", subcore_axis_name="s")
    k = functools.partial(
        pl.kernel,
        mesh=mesh,
        out_type=jax.ShapeDtypeStruct((BATCH, D_MODEL), jnp.float32),
        compiler_params=pltpu.CompilerParams(use_tc_tiling_on_sc=True,
                                             needs_layout_passes=False),
        scratch_types=[
            pltpu.VMEM((ROWS_PER_WORKER,), jnp.int32),
            pltpu.VMEM((ROWS_PER_WORKER,), jnp.int32),
            pltpu.VMEM((CHUNK, D_PAD), jnp.float32),
            pltpu.VMEM((CHUNK, D_PAD), jnp.float32),
            pltpu.VMEM((MAX_FAM // 2, D_PAD), jnp.float32),
            pltpu.VMEM((CHUNK, D_MODEL), jnp.float32),
            pltpu.VMEM((CHUNK, D_MODEL), jnp.float32),
            pltpu.VMEM((D_MODEL,), jnp.float32),
            pltpu.VMEM((D_MODEL,), jnp.float32),
            pltpu.SemaphoreType.DMA,
            pltpu.SemaphoreType.DMA,
            pltpu.SemaphoreType.DMA,
            pltpu.SemaphoreType.DMA,
            pltpu.SemaphoreType.DMA,
        ],
    )(_sc_kernel_body)
    return k(gid, fid, gtab_pad, ftab2, gamma, beta)


def kernel(game_id, game_family, game_table, family_table, gamma, beta):
    gtab_pad = jnp.pad(game_table, ((0, 0), (0, D_PAD - D_MODEL)))
    ftab2 = family_table.reshape(MAX_FAM // 2, D_PAD)
    return _run(game_id.astype(jnp.int32), game_family.astype(jnp.int32),
                gtab_pad, ftab2, gamma, beta)

# --- scband reference (transcript-rebuilt; emitter-appended) ---
"""Pipeline reference for scband-game-embedding-73933567034203 (READ-ONLY COPY).

The authoritative reference and input builder live on the scoring server;
editing this copy changes nothing except your own understanding.
"""

import jax, jax.numpy as jnp
import numpy as np

D_MODEL = 64
MAX_GAMES = 4096
MAX_FAMILIES = 512
BATCH = 16384
EPS = 1e-5


def setup_inputs(seed: int = 0) -> dict:
    key = jax.random.key(seed)
    k1, k2, k3, k4 = jax.random.split(key, 4)
    game_id = jax.random.randint(k1, (BATCH,), 0, MAX_GAMES, dtype=jnp.int64 if jax.config.jax_enable_x64 else jnp.int32)
    game_family = jax.random.randint(k2, (BATCH,), 0, MAX_FAMILIES, dtype=jnp.int64 if jax.config.jax_enable_x64 else jnp.int32)
    game_table = jax.random.normal(k3, (MAX_GAMES, D_MODEL), dtype=jnp.float32)
    family_table = jax.random.normal(k4, (MAX_FAMILIES, D_MODEL), dtype=jnp.float32)
    gamma = jnp.ones((D_MODEL,), dtype=jnp.float32)
    beta = jnp.zeros((D_MODEL,), dtype=jnp.float32)
    return {
        "game_id": game_id,
        "game_family": game_family,
        "game_table": game_table,
        "family_table": family_table,
        "gamma": gamma,
        "beta": beta,
    }


def _layer_norm(x, gamma, beta):
    mean = jnp.mean(x, axis=-1, keepdims=True)
    var = jnp.mean(jnp.square(x - mean), axis=-1, keepdims=True)
    xhat = (x - mean) / jnp.sqrt(var + EPS)
    return xhat * gamma + beta


def reference(game_id, game_family, game_table, family_table, gamma, beta):
    gid = jnp.clip(game_id, 0, MAX_GAMES - 1)
    fid = jnp.clip(game_family, 0, MAX_FAMILIES - 1)
    g = jnp.take(game_table, gid, axis=0)
    f = jnp.take(family_table, fid, axis=0)
    return _layer_norm(g + f, gamma, beta)

if __name__ == "__main__":
    import jax
    _d = setup_inputs()
    print(jax.jit(kernel)(*tuple(_d.values())))

</pallas_src>

<mosaic_0001>
#map = affine_map<(d0, d1) -> (0)>
#map1 = affine_map<(d0, d1) -> (0, 0)>
module attributes {stable_mosaic.version = 14 : i64} {
  func.func @_sc_kernel_body(%arg0: i32, %arg1: i32, %arg2: memref<16384xi32, #tpu.memory_space<hbm>>, %arg3: memref<16384xi32, #tpu.memory_space<hbm>>, %arg4: memref<4096x128xf32, #tpu.memory_space<hbm>>, %arg5: memref<256x128xf32, #tpu.memory_space<hbm>>, %arg6: memref<64xf32, #tpu.memory_space<hbm>>, %arg7: memref<64xf32, #tpu.memory_space<hbm>>, %arg8: memref<16384x64xf32, #tpu.memory_space<hbm>>, %arg9: memref<512xi32, #tpu.memory_space<vmem>>, %arg10: memref<512xi32, #tpu.memory_space<vmem>>, %arg11: memref<128x128xf32, #tpu.memory_space<vmem>>, %arg12: memref<128x128xf32, #tpu.memory_space<vmem>>, %arg13: memref<256x128xf32, #tpu.memory_space<vmem>>, %arg14: memref<128x64xf32, #tpu.memory_space<vmem>>, %arg15: memref<128x64xf32, #tpu.memory_space<vmem>>, %arg16: memref<64xf32, #tpu.memory_space<vmem>>, %arg17: memref<64xf32, #tpu.memory_space<vmem>>, %arg18: memref<!tpu.dma_semaphore, #tpu.memory_space<semaphore_mem>>, %arg19: memref<!tpu.dma_semaphore, #tpu.memory_space<semaphore_mem>>, %arg20: memref<!tpu.dma_semaphore, #tpu.memory_space<semaphore_mem>>, %arg21: memref<!tpu.dma_semaphore, #tpu.memory_space<semaphore_mem>>, %arg22: memref<!tpu.dma_semaphore, #tpu.memory_space<semaphore_mem>>) attributes {dimension_semantics = [#tpu.dimension_semantics<core_parallel>, #tpu.dimension_semantics<subcore_parallel>], iteration_bounds = array<i64: 2, 16>, scalar_prefetch = 0 : i64, scratch_operands = 14 : i64, tpu.core_type = #tpu.core_type<sc_vector_subcore>, window_params = [{transform_indices = #map}, {transform_indices = #map}, {transform_indices = #map1}, {transform_indices = #map1}, {transform_indices = #map}, {transform_indices = #map}, {transform_indices = #map1}]} {
    %mul3A = arith.constant 2 : i32
    %mul3A_0 = arith.muli %arg1, %mul3A : i32
    %add3A = arith.addi %mul3A_0, %arg0 : i32
    %mul3A_1 = arith.constant 512 : i32
    %mul3A_2 = arith.muli %add3A, %mul3A_1 : i32
    tpu.enqueue_dma source(%arg5 : memref<256x128xf32, #tpu.memory_space<hbm>>) target(%arg13 : memref<256x128xf32, #tpu.memory_space<vmem>>) target_semaphore(%arg20 : memref<!tpu.dma_semaphore, #tpu.memory_space<semaphore_mem>>)
    %dma_start3A = tpu.memref_slice %arg3[%mul3A_2] : memref<16384xi32, #tpu.memory_space<hbm>> -> memref<512xi32, #tpu.memory_space<hbm>>
    %dma_start3A_3 = tpu.memref_slice %arg3[%mul3A_2] : memref<16384xi32, #tpu.memory_space<hbm>> -> memref<512xi32, #tpu.memory_space<hbm>>
    tpu.enqueue_dma source(%dma_start3A_3 : memref<512xi32, #tpu.memory_space<hbm>>) target(%arg10 : memref<512xi32, #tpu.memory_space<vmem>>) target_semaphore(%arg20 : memref<!tpu.dma_semaphore, #tpu.memory_space<semaphore_mem>>)
    "tpu.region"() ({
      %run_scoped3A = tpu.sem_alloc : memref<!tpu.dma_semaphore, #tpu.memory_space<semaphore_mem>>
      %dma_start3A_123 = tpu.memref_slice %arg2[%mul3A_2] : memref<16384xi32, #tpu.memory_space<hbm>> -> memref<512xi32, #tpu.memory_space<hbm>>
      %dma_start3A_124 = tpu.memref_slice %arg2[%mul3A_2] : memref<16384xi32, #tpu.memory_space<hbm>> -> memref<512xi32, #tpu.memory_space<hbm>>
      tpu.enqueue_dma source(%dma_start3A_124 : memref<512xi32, #tpu.memory_space<hbm>>) target(%arg9 : memref<512xi32, #tpu.memory_space<vmem>>) target_semaphore(%run_scoped3A : memref<!tpu.dma_semaphore, #tpu.memory_space<semaphore_mem>>)
      %dma_wait3A_125 = tpu.memref_slice %arg2[%mul3A_2] : memref<16384xi32, #tpu.memory_space<hbm>> -> memref<512xi32, #tpu.memory_space<hbm>>
      %dma_wait3A_126 = tpu.memref_slice %arg2[%mul3A_2] : memref<16384xi32, #tpu.memory_space<hbm>> -> memref<512xi32, #tpu.memory_space<hbm>>
      tpu.wait_dma2 semaphore(%run_scoped3A : memref<!tpu.dma_semaphore, #tpu.memory_space<semaphore_mem>>) src(%dma_wait3A_126 : memref<512xi32, #tpu.memory_space<hbm>>) dst(%arg9 : memref<512xi32, #tpu.memory_space<vmem>>)
      tpu.yield
    }) : () -> ()
    "tpu.region"() ({
      %run_scoped3A = tpu.sem_alloc : memref<!tpu.dma_semaphore, #tpu.memory_space<semaphore_mem>>
      tpu.enqueue_dma source(%arg6 : memref<64xf32, #tpu.memory_space<hbm>>) target(%arg16 : memref<64xf32, #tpu.memory_space<vmem>>) target_semaphore(%run_scoped3A : memref<!tpu.dma_semaphore, #tpu.memory_space<semaphore_mem>>)
      tpu.wait_dma2 semaphore(%run_scoped3A : memref<!tpu.dma_semaphore, #tpu.memory_space<semaphore_mem>>) src(%arg6 : memref<64xf32, #tpu.memory_space<hbm>>) dst(%arg16 : memref<64xf32, #tpu.memory_space<vmem>>)
      tpu.yield
    }) : () -> ()
    "tpu.region"() ({
      %run_scoped3A = tpu.sem_alloc : memref<!tpu.dma_semaphore, #tpu.memory_space<semaphore_mem>>
      tpu.enqueue_dma source(%arg7 : memref<64xf32, #tpu.memory_space<hbm>>) target(%arg17 : memref<64xf32, #tpu.memory_space<vmem>>) target_semaphore(%run_scoped3A : memref<!tpu.dma_semaphore, #tpu.memory_space<semaphore_mem>>)
      tpu.wait_dma2 semaphore(%run_scoped3A : memref<!tpu.dma_semaphore, #tpu.memory_space<semaphore_mem>>) src(%arg7 : memref<64xf32, #tpu.memory_space<hbm>>) dst(%arg17 : memref<64xf32, #tpu.memory_space<vmem>>)
      tpu.yield
    }) : () -> ()
    %get3A = arith.constant 0 : index
    %get3A_4 = tpu.vector_load %arg16[%get3A] {strides = array<i32>} : memref<64xf32, #tpu.memory_space<vmem>>, vector<16xf32>,
    %get3A_5 = arith.constant 16 : index
    %get3A_6 = tpu.vector_load %arg16[%get3A_5] {strides = array<i32>} : memref<64xf32, #tpu.memory_space<vmem>>, vector<16xf32>,
    %get3A_7 = arith.constant 32 : index
    %get3A_8 = tpu.vector_load %arg16[%get3A_7] {strides = array<i32>} : memref<64xf32, #tpu.memory_space<vmem>>, vector<16xf32>,
    %get3A_9 = arith.constant 48 : index
    %get3A_10 = tpu.vector_load %arg16[%get3A_9] {strides = array<i32>} : memref<64xf32, #tpu.memory_space<vmem>>, vector<16xf32>,
    %get3A_11 = arith.constant 0 : index
    %get3A_12 = tpu.vector_load %arg17[%get3A_11] {strides = array<i32>} : memref<64xf32, #tpu.memory_space<vmem>>, vector<16xf32>,
    %get3A_13 = arith.constant 16 : index
    %get3A_14 = tpu.vector_load %arg17[%get3A_13] {strides = array<i32>} : memref<64xf32, #tpu.memory_space<vmem>>, vector<16xf32>,
    %get3A_15 = arith.constant 32 : index
    %get3A_16 = tpu.vector_load %arg17[%get3A_15] {strides = array<i32>} : memref<64xf32, #tpu.memory_space<vmem>>, vector<16xf32>,
    %get3A_17 = arith.constant 48 : index
    %get3A_18 = tpu.vector_load %arg17[%get3A_17] {strides = array<i32>} : memref<64xf32, #tpu.memory_space<vmem>>, vector<16xf32>,
    %iota3A = tpu.iota {dimensions = array<i32: 0>} : vector<16xi32>
    %add3A_19 = arith.constant 0 : i32
    %add3A_20 = vector.broadcast %add3A_19 : i32 to vector<16xi32>
    %add3A_21 = arith.addi %iota3A, %add3A_20 : vector<16xi32>
    %add3A_22 = arith.constant 16 : i32
    %add3A_23 = vector.broadcast %add3A_22 : i32 to vector<16xi32>
    %add3A_24 = arith.addi %iota3A, %add3A_23 : vector<16xi32>
    %add3A_25 = arith.constant 32 : i32
    %add3A_26 = vector.broadcast %add3A_25 : i32 to vector<16xi32>
    %add3A_27 = arith.addi %iota3A, %add3A_26 : vector<16xi32>
    %add3A_28 = arith.constant 48 : i32
    %add3A_29 = vector.broadcast %add3A_28 : i32 to vector<16xi32>
    %add3A_30 = arith.addi %iota3A, %add3A_29 : vector<16xi32>
    %dma_start3A_31 = arith.constant 0 : i32
    %dma_start3A_32 = tpu.memref_slice %arg9[%dma_start3A_31] : memref<512xi32, #tpu.memory_space<vmem>> -> memref<128xi32, #tpu.memory_space<vmem>>
    %dma_start3A_33 = arith.constant 0 : i32
    %dma_start3A_34 = arith.constant 0 : i32
    %dma_start3A_35 = tpu.memref_slice %arg4[%dma_start3A_33, %dma_start3A_34] : memref<4096x128xf32, #tpu.memory_space<hbm>> -> memref<4096x128xf32, #tpu.memory_space<hbm>>
    tpu.enqueue_indirect_dma source(%dma_start3A_35 : memref<4096x128xf32, #tpu.memory_space<hbm>>) target(%arg11 : memref<128x128xf32, #tpu.memory_space<vmem>>) offsets(%dma_start3A_32 : memref<128xi32, #tpu.memory_space<vmem>>) semaphore(%arg18 : memref<!tpu.dma_semaphore, #tpu.memory_space<semaphore_mem>>)
    %dma_start3A_36 = arith.constant 128 : i32
    %dma_start3A_37 = tpu.memref_slice %arg9[%dma_start3A_36] : memref<512xi32, #tpu.memory_space<vmem>> -> memref<128xi32, #tpu.memory_space<vmem>>
    %dma_start3A_38 = arith.constant 0 : i32
    %dma_start3A_39 = arith.constant 0 : i32
    %dma_start3A_40 = tpu.memref_slice %arg4[%dma_start3A_38, %dma_start3A_39] : memref<4096x128xf32, #tpu.memory_space<hbm>> -> memref<4096x128xf32, #tpu.memory_space<hbm>>
    tpu.enqueue_indirect_dma source(%dma_start3A_40 : memref<4096x128xf32, #tpu.memory_space<hbm>>) target(%arg12 : memref<128x128xf32, #tpu.memory_space<vmem>>) offsets(%dma_start3A_37 : memref<128xi32, #tpu.memory_space<vmem>>) semaphore(%arg19 : memref<!tpu.dma_semaphore, #tpu.memory_space<semaphore_mem>>)
    tpu.wait_dma2 semaphore(%arg20 : memref<!tpu.dma_semaphore, #tpu.memory_space<semaphore_mem>>) src(%arg5 : memref<256x128xf32, #tpu.memory_space<hbm>>) dst(%arg13 : memref<256x128xf32, #tpu.memory_space<vmem>>)
    %dma_wait3A = tpu.memref_slice %arg3[%mul3A_2] : memref<16384xi32, #tpu.memory_space<hbm>> -> memref<512xi32, #tpu.memory_space<hbm>>
    %dma_wait3A_41 = tpu.memref_slice %arg3[%mul3A_2] : memref<16384xi32, #tpu.memory_space<hbm>> -> memref<512xi32, #tpu.memory_space<hbm>>
    tpu.wait_dma2 semaphore(%arg20 : memref<!tpu.dma_semaphore, #tpu.memory_space<semaphore_mem>>) src(%dma_wait3A_41 : memref<512xi32, #tpu.memory_space<hbm>>) dst(%arg10 : memref<512xi32, #tpu.memory_space<vmem>>)
    %dma_wait3A_42 = arith.constant 0 : i32
    %dma_wait3A_43 = tpu.memref_slice %arg9[%dma_wait3A_42] : memref<512xi32, #tpu.memory_space<vmem>> -> memref<128xi32, #tpu.memory_space<vmem>>
    %dma_wait3A_44 = arith.constant 0 : i32
    %dma_wait3A_45 = arith.constant 0 : i32
    %dma_wait3A_46 = tpu.memref_slice %arg4[%dma_wait3A_44, %dma_wait3A_45] : memref<4096x128xf32, #tpu.memory_space<hbm>> -> memref<4096x128xf32, #tpu.memory_space<hbm>>
    tpu.wait_indirect_dma semaphore(%arg18 : memref<!tpu.dma_semaphore, #tpu.memory_space<semaphore_mem>>) src(%dma_wait3A_46 : memref<4096x128xf32, #tpu.memory_space<hbm>>) dst(%arg11 : memref<128x128xf32, #tpu.memory_space<vmem>>)
    %parallel_loop3A = arith.constant 0 : i32
    %parallel_loop3A_47 = arith.constant 128 : i32
    %parallel_loop3A_48 = arith.constant 1 : i32
    scf.for %parallel_loop3A_123 = %parallel_loop3A to %parallel_loop3A_47 step %parallel_loop3A_48  : i32 {
      %parallel_loop3A_124 = arith.constant -16 : i32
      %parallel_loop3A_125 = arith.andi %parallel_loop3A_123, %parallel_loop3A_124 : i32
      %parallel_loop3A_126 = arith.constant 0 : i32
      %parallel_loop3A_127 = arith.addi %parallel_loop3A_126, %parallel_loop3A_125 : i32
      %parallel_loop3A_128 = tpu.assume_multiple %parallel_loop3A_127, 8 : i32
      %parallel_loop3A_129 = arith.index_cast %parallel_loop3A_128 : i32 to index
      %parallel_loop3A_130 = tpu.vector_load %arg10[%parallel_loop3A_129] {strides = array<i32>} : memref<512xi32, #tpu.memory_space<vmem>>, vector<16xi32>,
      %parallel_loop3A_131 = arith.constant 15 : i32
      %parallel_loop3A_132 = arith.andi %parallel_loop3A_123, %parallel_loop3A_131 : i32
      %parallel_loop3A_133 = vector.broadcast %parallel_loop3A_132 : i32 to vector<16xi32>
      %parallel_loop3A_134 = vector.shape_cast %parallel_loop3A_133 : vector<16xi32> to vector<16x1xi32>
      %parallel_loop3A_135 = vector.shape_cast %parallel_loop3A_134 : vector<16x1xi32> to vector<16xi32>
      %parallel_loop3A_136 = tpu.dynamic_gather %parallel_loop3A_130[%parallel_loop3A_135] in [0] : vector<16xi32>, vector<16xi32> -> vector<16xi32>
      %parallel_loop3A_137 = arith.constant 1 : i32
      %parallel_loop3A_138 = vector.broadcast %parallel_loop3A_137 : i32 to vector<16xi32>
      %parallel_loop3A_139 = arith.shrui %parallel_loop3A_136, %parallel_loop3A_138 : vector<16xi32>
      %parallel_loop3A_140 = arith.constant 1 : i32
      %parallel_loop3A_141 = vector.broadcast %parallel_loop3A_140 : i32 to vector<16xi32>
      %parallel_loop3A_142 = arith.andi %parallel_loop3A_136, %parallel_loop3A_141 : vector<16xi32>
      %parallel_loop3A_143 = arith.constant 64 : i32
      %parallel_loop3A_144 = vector.broadcast %parallel_loop3A_143 : i32 to vector<16xi32>
      %parallel_loop3A_145 = arith.muli %parallel_loop3A_142, %parallel_loop3A_144 : vector<16xi32>
      %parallel_loop3A_146 = arith.index_cast %parallel_loop3A_123 : i32 to index
      %parallel_loop3A_147 = arith.constant 0 : index
      %parallel_loop3A_148 = tpu.vector_load %arg11[%parallel_loop3A_146, %parallel_loop3A_147] {strides = array<i32>} : memref<128x128xf32, #tpu.memory_space<vmem>>, vector<16xf32>,
      %parallel_loop3A_149 = arith.addi %parallel_loop3A_145, %add3A_21 : vector<16xi32>
      %parallel_loop3A_150 = tpu.vector_load_idx %arg13[%parallel_loop3A_139, %parallel_loop3A_149] : memref<256x128xf32, #tpu.memory_space<vmem>>[vector<16xi32>, vector<16xi32>], vector<16xf32>,
      %parallel_loop3A_151 = arith.addf %parallel_loop3A_148, %parallel_loop3A_150 : vector<16xf32>
      %parallel_loop3A_152 = arith.index_cast %parallel_loop3A_123 : i32 to index
      %parallel_loop3A_153 = arith.constant 16 : index
      %parallel_loop3A_154 = tpu.vector_load %arg11[%parallel_loop3A_152, %parallel_loop3A_153] {strides = array<i32>} : memref<128x128xf32, #tpu.memory_space<vmem>>, vector<16xf32>,
      %parallel_loop3A_155 = arith.addi %parallel_loop3A_145, %add3A_24 : vector<16xi32>
      %parallel_loop3A_156 = tpu.vector_load_idx %arg13[%parallel_loop3A_139, %parallel_loop3A_155] : memref<256x128xf32, #tpu.memory_space<vmem>>[vector<16xi32>, vector<16xi32>], vector<16xf32>,
      %parallel_loop3A_157 = arith.addf %parallel_loop3A_154, %parallel_loop3A_156 : vector<16xf32>
      %parallel_loop3A_158 = arith.index_cast %parallel_loop3A_123 : i32 to index
      %parallel_loop3A_159 = arith.constant 32 : index
      %parallel_loop3A_160 = tpu.vector_load %arg11[%parallel_loop3A_158, %parallel_loop3A_159] {strides = array<i32>} : memref<128x128xf32, #tpu.memory_space<vmem>>, vector<16xf32>,
      %parallel_loop3A_161 = arith.addi %parallel_loop3A_145, %add3A_27 : vector<16xi32>
      %parallel_loop3A_162 = tpu.vector_load_idx %arg13[%parallel_loop3A_139, %parallel_loop3A_161] : memref<256x128xf32, #tpu.memory_space<vmem>>[vector<16xi32>, vector<16xi32>], vector<16xf32>,
      %parallel_loop3A_163 = arith.addf %parallel_loop3A_160, %parallel_loop3A_162 : vector<16xf32>
      %parallel_loop3A_164 = arith.index_cast %parallel_loop3A_123 : i32 to index
      %parallel_loop3A_165 = arith.constant 48 : index
      %parallel_loop3A_166 = tpu.vector_load %arg11[%parallel_loop3A_164, %parallel_loop3A_165] {strides = array<i32>} : memref<128x128xf32, #tpu.memory_space<vmem>>, vector<16xf32>,
      %parallel_loop3A_167 = arith.addi %parallel_loop3A_145, %add3A_30 : vector<16xi32>
      %parallel_loop3A_168 = tpu.vector_load_idx %arg13[%parallel_loop3A_139, %parallel_loop3A_167] : memref<256x128xf32, #tpu.memory_space<vmem>>[vector<16xi32>, vector<16xi32>], vector<16xf32>,
      %parallel_loop3A_169 = arith.addf %parallel_loop3A_166, %parallel_loop3A_168 : vector<16xf32>
      %parallel_loop3A_170 = arith.addf %parallel_loop3A_151, %parallel_loop3A_157 : vector<16xf32>
      %parallel_loop3A_171 = arith.addf %parallel_loop3A_163, %parallel_loop3A_169 : vector<16xf32>
      %parallel_loop3A_172 = arith.addf %parallel_loop3A_170, %parallel_loop3A_171 : vector<16xf32>
      %parallel_loop3A_173 = arith.mulf %parallel_loop3A_151, %parallel_loop3A_151 : vector<16xf32>
      %parallel_loop3A_174 = arith.mulf %parallel_loop3A_157, %parallel_loop3A_157 : vector<16xf32>
      %parallel_loop3A_175 = arith.addf %parallel_loop3A_173, %parallel_loop3A_174 : vector<16xf32>
      %parallel_loop3A_176 = arith.mulf %parallel_loop3A_163, %parallel_loop3A_163 : vector<16xf32>
      %parallel_loop3A_177 = arith.mulf %parallel_loop3A_169, %parallel_loop3A_169 : vector<16xf32>
      %parallel_loop3A_178 = arith.addf %parallel_loop3A_176, %parallel_loop3A_177 : vector<16xf32>
      %parallel_loop3A_179 = arith.addf %parallel_loop3A_175, %parallel_loop3A_178 : vector<16xf32>
      %parallel_loop3A_180 = arith.constant true
      %parallel_loop3A_181 = vector.broadcast %parallel_loop3A_180 : i1 to vector<16xi1>
      %parallel_loop3A_182 = tpu.scan <sum>, %parallel_loop3A_172 masked %parallel_loop3A_181 : vector<16xf32>, vector<16xi1> -> vector<16xf32>
      %parallel_loop3A_183 = vector.extract %parallel_loop3A_182[15] : f32 from vector<16xf32>
      %parallel_loop3A_184 = arith.constant true
      %parallel_loop3A_185 = vector.broadcast %parallel_loop3A_184 : i1 to vector<16xi1>
      %parallel_loop3A_186 = tpu.scan <sum>, %parallel_loop3A_179 masked %parallel_loop3A_185 : vector<16xf32>, vector<16xi1> -> vector<16xf32>
      %parallel_loop3A_187 = vector.extract %parallel_loop3A_186[15] : f32 from vector<16xf32>
      %parallel_loop3A_188 = arith.constant 1.562500e-02 : f32
      %parallel_loop3A_189 = arith.mulf %parallel_loop3A_183, %parallel_loop3A_188 : f32
      %parallel_loop3A_190 = arith.constant 1.562500e-02 : f32
      %parallel_loop3A_191 = arith.mulf %parallel_loop3A_187, %parallel_loop3A_190 : f32
      %parallel_loop3A_192 = arith.mulf %parallel_loop3A_189, %parallel_loop3A_189 : f32
      %parallel_loop3A_193 = arith.subf %parallel_loop3A_191, %parallel_loop3A_192 : f32
      %parallel_loop3A_194 = arith.constant 9.99999974E-6 : f32
      %parallel_loop3A_195 = arith.addf %parallel_loop3A_193, %parallel_loop3A_194 : f32
      %parallel_loop3A_196 = arith.bitcast %parallel_loop3A_195 : f32 to i32
      %parallel_loop3A_197 = arith.constant 1 : i32
      %parallel_loop3A_198 = arith.shrsi %parallel_loop3A_196, %parallel_loop3A_197 : i32
      %parallel_loop3A_199 = arith.constant 1597463007 : i32
      %parallel_loop3A_200 = arith.subi %parallel_loop3A_199, %parallel_loop3A_198 : i32
      %parallel_loop3A_201 = arith.bitcast %parallel_loop3A_200 : i32 to f32
      %parallel_loop3A_202 = arith.constant 5.000000e-01 : f32
      %parallel_loop3A_203 = arith.mulf %parallel_loop3A_202, %parallel_loop3A_195 : f32
      %parallel_loop3A_204 = arith.mulf %parallel_loop3A_203, %parallel_loop3A_201 : f32
      %parallel_loop3A_205 = arith.mulf %parallel_loop3A_204, %parallel_loop3A_201 : f32
      %parallel_loop3A_206 = arith.constant 1.500000e+00 : f32
      %parallel_loop3A_207 = arith.subf %parallel_loop3A_206, %parallel_loop3A_205 : f32
      %parallel_loop3A_208 = arith.mulf %parallel_loop3A_201, %parallel_loop3A_207 : f32
      %parallel_loop3A_209 = arith.constant 0.000000e+00 : f32
      %parallel_loop3A_210 = arith.subf %parallel_loop3A_209, %parallel_loop3A_189 : f32
      %parallel_loop3A_211 = arith.mulf %parallel_loop3A_210, %parallel_loop3A_208 : f32
      %parallel_loop3A_212 = vector.broadcast %parallel_loop3A_208 : f32 to vector<16xf32>
      %parallel_loop3A_213 = arith.mulf %parallel_loop3A_151, %parallel_loop3A_212 : vector<16xf32>
      %parallel_loop3A_214 = vector.broadcast %parallel_loop3A_211 : f32 to vector<16xf32>
      %parallel_loop3A_215 = arith.addf %parallel_loop3A_213, %parallel_loop3A_214 : vector<16xf32>
      %parallel_loop3A_216 = arith.mulf %parallel_loop3A_215, %get3A_4 : vector<16xf32>
      %parallel_loop3A_217 = arith.addf %parallel_loop3A_216, %get3A_12 : vector<16xf32>
      %parallel_loop3A_218 = arith.index_cast %parallel_loop3A_123 : i32 to index
      %parallel_loop3A_219 = arith.constant 0 : index
      %parallel_loop3A_220 = tpu.vector_load %arg14[%parallel_loop3A_218, %parallel_loop3A_219] {strides = array<i32>} : memref<128x64xf32, #tpu.memory_space<vmem>>, vector<16xf32>,
      tpu.vector_store %arg14[%parallel_loop3A_218, %parallel_loop3A_219], %parallel_loop3A_217 {strides = array<i32>} : memref<128x64xf32, #tpu.memory_space<vmem>>, vector<16xf32>,
      %parallel_loop3A_221 = vector.broadcast %parallel_loop3A_208 : f32 to vector<16xf32>
      %parallel_loop3A_222 = arith.mulf %parallel_loop3A_157, %parallel_loop3A_221 : vector<16xf32>
      %parallel_loop3A_223 = vector.broadcast %parallel_loop3A_211 : f32 to vector<16xf32>
      %parallel_loop3A_224 = arith.addf %parallel_loop3A_222, %parallel_loop3A_223 : vector<16xf32>
      %parallel_loop3A_225 = arith.mulf %parallel_loop3A_224, %get3A_6 : vector<16xf32>
      %parallel_loop3A_226 = arith.addf %parallel_loop3A_225, %get3A_14 : vector<16xf32>
      %parallel_loop3A_227 = arith.index_cast %parallel_loop3A_123 : i32 to index
      %parallel_loop3A_228 = arith.constant 16 : index
      %parallel_loop3A_229 = tpu.vector_load %arg14[%parallel_loop3A_227, %parallel_loop3A_228] {strides = array<i32>} : memref<128x64xf32, #tpu.memory_space<vmem>>, vector<16xf32>,
      tpu.vector_store %arg14[%parallel_loop3A_227, %parallel_loop3A_228], %parallel_loop3A_226 {strides = array<i32>} : memref<128x64xf32, #tpu.memory_space<vmem>>, vector<16xf32>,
      %parallel_loop3A_230 = vector.broadcast %parallel_loop3A_208 : f32 to vector<16xf32>
      %parallel_loop3A_231 = arith.mulf %parallel_loop3A_163, %parallel_loop3A_230 : vector<16xf32>
      %parallel_loop3A_232 = vector.broadcast %parallel_loop3A_211 : f32 to vector<16xf32>
      %parallel_loop3A_233 = arith.addf %parallel_loop3A_231, %parallel_loop3A_232 : vector<16xf32>
      %parallel_loop3A_234 = arith.mulf %parallel_loop3A_233, %get3A_8 : vector<16xf32>
      %parallel_loop3A_235 = arith.addf %parallel_loop3A_234, %get3A_16 : vector<16xf32>
      %parallel_loop3A_236 = arith.index_cast %parallel_loop3A_123 : i32 to index
      %parallel_loop3A_237 = arith.constant 32 : index
      %parallel_loop3A_238 = tpu.vector_load %arg14[%parallel_loop3A_236, %parallel_loop3A_237] {strides = array<i32>} : memref<128x64xf32, #tpu.memory_space<vmem>>, vector<16xf32>,
      tpu.vector_store %arg14[%parallel_loop3A_236, %parallel_loop3A_237], %parallel_loop3A_235 {strides = array<i32>} : memref<128x64xf32, #tpu.memory_space<vmem>>, vector<16xf32>,
      %parallel_loop3A_239 = vector.broadcast %parallel_loop3A_208 : f32 to vector<16xf32>
      %parallel_loop3A_240 = arith.mulf %parallel_loop3A_169, %parallel_loop3A_239 : vector<16xf32>
      %parallel_loop3A_241 = vector.broadcast %parallel_loop3A_211 : f32 to vector<16xf32>
      %parallel_loop3A_242 = arith.addf %parallel_loop3A_240, %parallel_loop3A_241 : vector<16xf32>
      %parallel_loop3A_243 = arith.mulf %parallel_loop3A_242, %get3A_10 : vector<16xf32>
      %parallel_loop3A_244 = arith.addf %parallel_loop3A_243, %get3A_18 : vector<16xf32>
      %parallel_loop3A_245 = arith.index_cast %parallel_loop3A_123 : i32 to index
      %parallel_loop3A_246 = arith.constant 48 : index
      %parallel_loop3A_247 = tpu.vector_load %arg14[%parallel_loop3A_245, %parallel_loop3A_246] {strides = array<i32>} : memref<128x64xf32, #tpu.memory_space<vmem>>, vector<16xf32>,
      tpu.vector_store %arg14[%parallel_loop3A_245, %parallel_loop3A_246], %parallel_loop3A_244 {strides = array<i32>} : memref<128x64xf32, #tpu.memory_space<vmem>>, vector<16xf32>,
    } {sc.loop_unroll_factor = 4 : i64, sc.parallel_access}
    %add3A_49 = arith.constant 0 : i32
    %add3A_50 = arith.addi %mul3A_2, %add3A_49 : i32
    %dma_start3A_51 = arith.constant 0 : i32
    %dma_start3A_52 = tpu.memref_slice %arg8[%add3A_50, %dma_start3A_51] : memref<16384x64xf32, #tpu.memory_space<hbm>> -> memref<128x64xf32, #tpu.memory_space<hbm>>
    %dma_start3A_53 = arith.constant 0 : i32
    %dma_start3A_54 = tpu.memref_slice %arg8[%add3A_50, %dma_start3A_53] : memref<16384x64xf32, #tpu.memory_space<hbm>> -> memref<128x64xf32, #tpu.memory_space<hbm>>
    tpu.enqueue_dma source(%arg14 : memref<128x64xf32, #tpu.memory_space<vmem>>) target(%dma_start3A_54 : memref<128x64xf32, #tpu.memory_space<hbm>>) target_semaphore(%arg21 : memref<!tpu.dma_semaphore, #tpu.memory_space<semaphore_mem>>)
    %dma_start3A_55 = arith.constant 256 : i32
    %dma_start3A_56 = tpu.memref_slice %arg9[%dma_start3A_55] : memref<512xi32, #tpu.memory_space<vmem>> -> memref<128xi32, #tpu.memory_space<vmem>>
    %dma_start3A_57 = arith.constant 0 : i32
    %dma_start3A_58 = arith.constant 0 : i32
    %dma_start3A_59 = tpu.memref_slice %arg4[%dma_start3A_57, %dma_start3A_58] : memref<4096x128xf32, #tpu.memory_space<hbm>> -> memref<4096x128xf32, #tpu.memory_space<hbm>>
    tpu.enqueue_indirect_dma source(%dma_start3A_59 : memref<4096x128xf32, #tpu.memory_space<hbm>>) target(%arg11 : memref<128x128xf32, #tpu.memory_space<vmem>>) offsets(%dma_start3A_56 : memref<128xi32, #tpu.memory_space<vmem>>) semaphore(%arg18 : memref<!tpu.dma_semaphore, #tpu.memory_space<semaphore_mem>>)
    %dma_wait3A_60 = arith.constant 128 : i32
    %dma_wait3A_61 = tpu.memref_slice %arg9[%dma_wait3A_60] : memref<512xi32, #tpu.memory_space<vmem>> -> memref<128xi32, #tpu.memory_space<vmem>>
    %dma_wait3A_62 = arith.constant 0 : i32
    %dma_wait3A_63 = arith.constant 0 : i32
    %dma_wait3A_64 = tpu.memref_slice %arg4[%dma_wait3A_62, %dma_wait3A_63] : memref<4096x128xf32, #tpu.memory_space<hbm>> -> memref<4096x128xf32, #tpu.memory_space<hbm>>
    tpu.wait_indirect_dma semaphore(%arg19 : memref<!tpu.dma_semaphore, #tpu.memory_space<semaphore_mem>>) src(%dma_wait3A_64 : memref<4096x128xf32, #tpu.memory_space<hbm>>) dst(%arg12 : memref<128x128xf32, #tpu.memory_space<vmem>>)
    %parallel_loop3A_65 = arith.constant 0 : i32
    %parallel_loop3A_66 = arith.constant 128 : i32
    %parallel_loop3A_67 = arith.constant 1 : i32
    scf.for %parallel_loop3A_123 = %parallel_loop3A_65 to %parallel_loop3A_66 step %parallel_loop3A_67  : i32 {
      %parallel_loop3A_124 = arith.constant -16 : i32
      %parallel_loop3A_125 = arith.andi %parallel_loop3A_123, %parallel_loop3A_124 : i32
      %parallel_loop3A_126 = arith.constant 128 : i32
      %parallel_loop3A_127 = arith.addi %parallel_loop3A_126, %parallel_loop3A_125 : i32
      %parallel_loop3A_128 = tpu.assume_multiple %parallel_loop3A_127, 8 : i32
      %parallel_loop3A_129 = arith.index_cast %parallel_loop3A_128 : i32 to index
      %parallel_loop3A_130 = tpu.vector_load %arg10[%parallel_loop3A_129] {strides = array<i32>} : memref<512xi32, #tpu.memory_space<vmem>>, vector<16xi32>,
      %parallel_loop3A_131 = arith.constant 15 : i32
      %parallel_loop3A_132 = arith.andi %parallel_loop3A_123, %parallel_loop3A_131 : i32
      %parallel_loop3A_133 = vector.broadcast %parallel_loop3A_132 : i32 to vector<16xi32>
      %parallel_loop3A_134 = vector.shape_cast %parallel_loop3A_133 : vector<16xi32> to vector<16x1xi32>
      %parallel_loop3A_135 = vector.shape_cast %parallel_loop3A_134 : vector<16x1xi32> to vector<16xi32>
      %parallel_loop3A_136 = tpu.dynamic_gather %parallel_loop3A_130[%parallel_loop3A_135] in [0] : vector<16xi32>, vector<16xi32> -> vector<16xi32>
      %parallel_loop3A_137 = arith.constant 1 : i32
      %parallel_loop3A_138 = vector.broadcast %parallel_loop3A_137 : i32 to vector<16xi32>
      %parallel_loop3A_139 = arith.shrui %parallel_loop3A_136, %parallel_loop3A_138 : vector<16xi32>
      %parallel_loop3A_140 = arith.constant 1 : i32
      %parallel_loop3A_141 = vector.broadcast %parallel_loop3A_140 : i32 to vector<16xi32>
      %parallel_loop3A_142 = arith.andi %parallel_loop3A_136, %parallel_loop3A_141 : vector<16xi32>
      %parallel_loop3A_143 = arith.constant 64 : i32
      %parallel_loop3A_144 = vector.broadcast %parallel_loop3A_143 : i32 to vector<16xi32>
      %parallel_loop3A_145 = arith.muli %parallel_loop3A_142, %parallel_loop3A_144 : vector<16xi32>
      %parallel_loop3A_146 = arith.index_cast %parallel_loop3A_123 : i32 to index
      %parallel_loop3A_147 = arith.constant 0 : index
      %parallel_loop3A_148 = tpu.vector_load %arg12[%parallel_loop3A_146, %parallel_loop3A_147] {strides = array<i32>} : memref<128x128xf32, #tpu.memory_space<vmem>>, vector<16xf32>,
      %parallel_loop3A_149 = arith.addi %parallel_loop3A_145, %add3A_21 : vector<16xi32>
      %parallel_loop3A_150 = tpu.vector_load_idx %arg13[%parallel_loop3A_139, %parallel_loop3A_149] : memref<256x128xf32, #tpu.memory_space<vmem>>[vector<16xi32>, vector<16xi32>], vector<16xf32>,
      %parallel_loop3A_151 = arith.addf %parallel_loop3A_148, %parallel_loop3A_150 : vector<16xf32>
      %parallel_loop3A_152 = arith.index_cast %parallel_loop3A_123 : i32 to index
      %parallel_loop3A_153 = arith.constant 16 : index
      %parallel_loop3A_154 = tpu.vector_load %arg12[%parallel_loop3A_152, %parallel_loop3A_153] {strides = array<i32>} : memref<128x128xf32, #tpu.memory_space<vmem>>, vector<16xf32>,
      %parallel_loop3A_155 = arith.addi %parallel_loop3A_145, %add3A_24 : vector<16xi32>
      %parallel_loop3A_156 = tpu.vector_load_idx %arg13[%parallel_loop3A_139, %parallel_loop3A_155] : memref<256x128xf32, #tpu.memory_space<vmem>>[vector<16xi32>, vector<16xi32>], vector<16xf32>,
      %parallel_loop3A_157 = arith.addf %parallel_loop3A_154, %parallel_loop3A_156 : vector<16xf32>
      %parallel_loop3A_158 = arith.index_cast %parallel_loop3A_123 : i32 to index
      %parallel_loop3A_159 = arith.constant 32 : index
      %parallel_loop3A_160 = tpu.vector_load %arg12[%parallel_loop3A_158, %parallel_loop3A_159] {strides = array<i32>} : memref<128x128xf32, #tpu.memory_space<vmem>>, vector<16xf32>,
      %parallel_loop3A_161 = arith.addi %parallel_loop3A_145, %add3A_27 : vector<16xi32>
      %parallel_loop3A_162 = tpu.vector_load_idx %arg13[%parallel_loop3A_139, %parallel_loop3A_161] : memref<256x128xf32, #tpu.memory_space<vmem>>[vector<16xi32>, vector<16xi32>], vector<16xf32>,
      %parallel_loop3A_163 = arith.addf %parallel_loop3A_160, %parallel_loop3A_162 : vector<16xf32>
      %parallel_loop3A_164 = arith.index_cast %parallel_loop3A_123 : i32 to index
      %parallel_loop3A_165 = arith.constant 48 : index
      %parallel_loop3A_166 = tpu.vector_load %arg12[%parallel_loop3A_164, %parallel_loop3A_165] {strides = array<i32>} : memref<128x128xf32, #tpu.memory_space<vmem>>, vector<16xf32>,
      %parallel_loop3A_167 = arith.addi %parallel_loop3A_145, %add3A_30 : vector<16xi32>
      %parallel_loop3A_168 = tpu.vector_load_idx %arg13[%parallel_loop3A_139, %parallel_loop3A_167] : memref<256x128xf32, #tpu.memory_space<vmem>>[vector<16xi32>, vector<16xi32>], vector<16xf32>,
      %parallel_loop3A_169 = arith.addf %parallel_loop3A_166, %parallel_loop3A_168 : vector<16xf32>
      %parallel_loop3A_170 = arith.addf %parallel_loop3A_151, %parallel_loop3A_157 : vector<16xf32>
      %parallel_loop3A_171 = arith.addf %parallel_loop3A_163, %parallel_loop3A_169 : vector<16xf32>
      %parallel_loop3A_172 = arith.addf %parallel_loop3A_170, %parallel_loop3A_171 : vector<16xf32>
      %parallel_loop3A_173 = arith.mulf %parallel_loop3A_151, %parallel_loop3A_151 : vector<16xf32>
      %parallel_loop3A_174 = arith.mulf %parallel_loop3A_157, %parallel_loop3A_157 : vector<16xf32>
      %parallel_loop3A_175 = arith.addf %parallel_loop3A_173, %parallel_loop3A_174 : vector<16xf32>
      %parallel_loop3A_176 = arith.mulf %parallel_loop3A_163, %parallel_loop3A_163 : vector<16xf32>
      %parallel_loop3A_177 = arith.mulf %parallel_loop3A_169, %parallel_loop3A_169 : vector<16xf32>
      %parallel_loop3A_178 = arith.addf %parallel_loop3A_176, %parallel_loop3A_177 : vector<16xf32>
      %parallel_loop3A_179 = arith.addf %parallel_loop3A_175, %parallel_loop3A_178 : vector<16xf32>
      %parallel_loop3A_180 = arith.constant true
      %parallel_loop3A_181 = vector.broadcast %parallel_loop3A_180 : i1 to vector<16xi1>
      %parallel_loop3A_182 = tpu.scan <sum>, %parallel_loop3A_172 masked %parallel_loop3A_181 : vector<16xf32>, vector<16xi1> -> vector<16xf32>
      %parallel_loop3A_183 = vector.extract %parallel_loop3A_182[15] : f32 from vector<16xf32>
      %parallel_loop3A_184 = arith.constant true
      %parallel_loop3A_185 = vector.broadcast %parallel_loop3A_184 : i1 to vector<16xi1>
      %parallel_loop3A_186 = tpu.scan <sum>, %parallel_loop3A_179 masked %parallel_loop3A_185 : vector<16xf32>, vector<16xi1> -> vector<16xf32>
      %parallel_loop3A_187 = vector.extract %parallel_loop3A_186[15] : f32 from vector<16xf32>
      %parallel_loop3A_188 = arith.constant 1.562500e-02 : f32
      %parallel_loop3A_189 = arith.mulf %parallel_loop3A_183, %parallel_loop3A_188 : f32
      %parallel_loop3A_190 = arith.constant 1.562500e-02 : f32
      %parallel_loop3A_191 = arith.mulf %parallel_loop3A_187, %parallel_loop3A_190 : f32
      %parallel_loop3A_192 = arith.mulf %parallel_loop3A_189, %parallel_loop3A_189 : f32
      %parallel_loop3A_193 = arith.subf %parallel_loop3A_191, %parallel_loop3A_192 : f32
      %parallel_loop3A_194 = arith.constant 9.99999974E-6 : f32
      %parallel_loop3A_195 = arith.addf %parallel_loop3A_193, %parallel_loop3A_194 : f32
      %parallel_loop3A_196 = arith.bitcast %parallel_loop3A_195 : f32 to i32
      %parallel_loop3A_197 = arith.constant 1 : i32
      %parallel_loop3A_198 = arith.shrsi %parallel_loop3A_196, %parallel_loop3A_197 : i32
      %parallel_loop3A_199 = arith.constant 1597463007 : i32
      %parallel_loop3A_200 = arith.subi %parallel_loop3A_199, %parallel_loop3A_198 : i32
      %parallel_loop3A_201 = arith.bitcast %parallel_loop3A_200 : i32 to f32
      %parallel_loop3A_202 = arith.constant 5.000000e-01 : f32
      %parallel_loop3A_203 = arith.mulf %parallel_loop3A_202, %parallel_loop3A_195 : f32
      %parallel_loop3A_204 = arith.mulf %parallel_loop3A_203, %parallel_loop3A_201 : f32
      %parallel_loop3A_205 = arith.mulf %parallel_loop3A_204, %parallel_loop3A_201 : f32
      %parallel_loop3A_206 = arith.constant 1.500000e+00 : f32
      %parallel_loop3A_207 = arith.subf %parallel_loop3A_206, %parallel_loop3A_205 : f32
      %parallel_loop3A_208 = arith.mulf %parallel_loop3A_201, %parallel_loop3A_207 : f32
      %parallel_loop3A_209 = arith.constant 0.000000e+00 : f32
      %parallel_loop3A_210 = arith.subf %parallel_loop3A_209, %parallel_loop3A_189 : f32
      %parallel_loop3A_211 = arith.mulf %parallel_loop3A_210, %parallel_loop3A_208 : f32
      %parallel_loop3A_212 = vector.broadcast %parallel_loop3A_208 : f32 to vector<16xf32>
      %parallel_loop3A_213 = arith.mulf %parallel_loop3A_151, %parallel_loop3A_212 : vector<16xf32>
      %parallel_loop3A_214 = vector.broadcast %parallel_loop3A_211 : f32 to vector<16xf32>
      %parallel_loop3A_215 = arith.addf %parallel_loop3A_213, %parallel_loop3A_214 : vector<16xf32>
      %parallel_loop3A_216 = arith.mulf %parallel_loop3A_215, %get3A_4 : vector<16xf32>
      %parallel_loop3A_217 = arith.addf %parallel_loop3A_216, %get3A_12 : vector<16xf32>
      %parallel_loop3A_218 = arith.index_cast %parallel_loop3A_123 : i32 to index
      %parallel_loop3A_219 = arith.constant 0 : index
      %parallel_loop3A_220 = tpu.vector_load %arg15[%parallel_loop3A_218, %parallel_loop3A_219] {strides = array<i32>} : memref<128x64xf32, #tpu.memory_space<vmem>>, vector<16xf32>,
      tpu.vector_store %arg15[%parallel_loop3A_218, %parallel_loop3A_219], %parallel_loop3A_217 {strides = array<i32>} : memref<128x64xf32, #tpu.memory_space<vmem>>, vector<16xf32>,
      %parallel_loop3A_221 = vector.broadcast %parallel_loop3A_208 : f32 to vector<16xf32>
      %parallel_loop3A_222 = arith.mulf %parallel_loop3A_157, %parallel_loop3A_221 : vector<16xf32>
      %parallel_loop3A_223 = vector.broadcast %parallel_loop3A_211 : f32 to vector<16xf32>
      %parallel_loop3A_224 = arith.addf %parallel_loop3A_222, %parallel_loop3A_223 : vector<16xf32>
      %parallel_loop3A_225 = arith.mulf %parallel_loop3A_224, %get3A_6 : vector<16xf32>
      %parallel_loop3A_226 = arith.addf %parallel_loop3A_225, %get3A_14 : vector<16xf32>
      %parallel_loop3A_227 = arith.index_cast %parallel_loop3A_123 : i32 to index
      %parallel_loop3A_228 = arith.constant 16 : index
      %parallel_loop3A_229 = tpu.vector_load %arg15[%parallel_loop3A_227, %parallel_loop3A_228] {strides = array<i32>} : memref<128x64xf32, #tpu.memory_space<vmem>>, vector<16xf32>,
      tpu.vector_store %arg15[%parallel_loop3A_227, %parallel_loop3A_228], %parallel_loop3A_226 {strides = array<i32>} : memref<128x64xf32, #tpu.memory_space<vmem>>, vector<16xf32>,
      %parallel_loop3A_230 = vector.broadcast %parallel_loop3A_208 : f32 to vector<16xf32>
      %parallel_loop3A_231 = arith.mulf %parallel_loop3A_163, %parallel_loop3A_230 : vector<16xf32>
      %parallel_loop3A_232 = vector.broadcast %parallel_loop3A_211 : f32 to vector<16xf32>
      %parallel_loop3A_233 = arith.addf %parallel_loop3A_231, %parallel_loop3A_232 : vector<16xf32>
      %parallel_loop3A_234 = arith.mulf %parallel_loop3A_233, %get3A_8 : vector<16xf32>
      %parallel_loop3A_235 = arith.addf %parallel_loop3A_234, %get3A_16 : vector<16xf32>
      %parallel_loop3A_236 = arith.index_cast %parallel_loop3A_123 : i32 to index
      %parallel_loop3A_237 = arith.constant 32 : index
      %parallel_loop3A_238 = tpu.vector_load %arg15[%parallel_loop3A_236, %parallel_loop3A_237] {strides = array<i32>} : memref<128x64xf32, #tpu.memory_space<vmem>>, vector<16xf32>,
      tpu.vector_store %arg15[%parallel_loop3A_236, %parallel_loop3A_237], %parallel_loop3A_235 {strides = array<i32>} : memref<128x64xf32, #tpu.memory_space<vmem>>, vector<16xf32>,
      %parallel_loop3A_239 = vector.broadcast %parallel_loop3A_208 : f32 to vector<16xf32>
      %parallel_loop3A_240 = arith.mulf %parallel_loop3A_169, %parallel_loop3A_239 : vector<16xf32>
      %parallel_loop3A_241 = vector.broadcast %parallel_loop3A_211 : f32 to vector<16xf32>
      %parallel_loop3A_242 = arith.addf %parallel_loop3A_240, %parallel_loop3A_241 : vector<16xf32>
      %parallel_loop3A_243 = arith.mulf %parallel_loop3A_242, %get3A_10 : vector<16xf32>
      %parallel_loop3A_244 = arith.addf %parallel_loop3A_243, %get3A_18 : vector<16xf32>
      %parallel_loop3A_245 = arith.index_cast %parallel_loop3A_123 : i32 to index
      %parallel_loop3A_246 = arith.constant 48 : index
      %parallel_loop3A_247 = tpu.vector_load %arg15[%parallel_loop3A_245, %parallel_loop3A_246] {strides = array<i32>} : memref<128x64xf32, #tpu.memory_space<vmem>>, vector<16xf32>,
      tpu.vector_store %arg15[%parallel_loop3A_245, %parallel_loop3A_246], %parallel_loop3A_244 {strides = array<i32>} : memref<128x64xf32, #tpu.memory_space<vmem>>, vector<16xf32>,
    } {sc.loop_unroll_factor = 4 : i64, sc.parallel_access}
    %add3A_68 = arith.constant 128 : i32
    %add3A_69 = arith.addi %mul3A_2, %add3A_68 : i32
    %dma_start3A_70 = arith.constant 0 : i32
    %dma_start3A_71 = tpu.memref_slice %arg8[%add3A_69, %dma_start3A_70] : memref<16384x64xf32, #tpu.memory_space<hbm>> -> memref<128x64xf32, #tpu.memory_space<hbm>>
    %dma_start3A_72 = arith.constant 0 : i32
    %dma_start3A_73 = tpu.memref_slice %arg8[%add3A_69, %dma_start3A_72] : memref<16384x64xf32, #tpu.memory_space<hbm>> -> memref<128x64xf32, #tpu.memory_space<hbm>>
    tpu.enqueue_dma source(%arg15 : memref<128x64xf32, #tpu.memory_space<vmem>>) target(%dma_start3A_73 : memref<128x64xf32, #tpu.memory_space<hbm>>) target_semaphore(%arg22 : memref<!tpu.dma_semaphore, #tpu.memory_space<semaphore_mem>>)
    %dma_start3A_74 = arith.constant 384 : i32
    %dma_start3A_75 = tpu.memref_slice %arg9[%dma_start3A_74] : memref<512xi32, #tpu.memory_space<vmem>> -> memref<128xi32, #tpu.memory_space<vmem>>
    %dma_start3A_76 = arith.constant 0 : i32
    %dma_start3A_77 = arith.constant 0 : i32
    %dma_start3A_78 = tpu.memref_slice %arg4[%dma_start3A_76, %dma_start3A_77] : memref<4096x128xf32, #tpu.memory_space<hbm>> -> memref<4096x128xf32, #tpu.memory_space<hbm>>
    tpu.enqueue_indirect_dma source(%dma_start3A_78 : memref<4096x128xf32, #tpu.memory_space<hbm>>) target(%arg12 : memref<128x128xf32, #tpu.memory_space<vmem>>) offsets(%dma_start3A_75 : memref<128xi32, #tpu.memory_space<vmem>>) semaphore(%arg19 : memref<!tpu.dma_semaphore, #tpu.memory_space<semaphore_mem>>)
    %dma_wait3A_79 = arith.constant 256 : i32
    %dma_wait3A_80 = tpu.memref_slice %arg9[%dma_wait3A_79] : memref<512xi32, #tpu.memory_space<vmem>> -> memref<128xi32, #tpu.memory_space<vmem>>
    %dma_wait3A_81 = arith.constant 0 : i32
    %dma_wait3A_82 = arith.constant 0 : i32
    %dma_wait3A_83 = tpu.memref_slice %arg4[%dma_wait3A_81, %dma_wait3A_82] : memref<4096x128xf32, #tpu.memory_space<hbm>> -> memref<4096x128xf32, #tpu.memory_space<hbm>>
    tpu.wait_indirect_dma semaphore(%arg18 : memref<!tpu.dma_semaphore, #tpu.memory_space<semaphore_mem>>) src(%dma_wait3A_83 : memref<4096x128xf32, #tpu.memory_space<hbm>>) dst(%arg11 : memref<128x128xf32, #tpu.memory_space<vmem>>)
    %dma_wait3A_84 = arith.constant 0 : i32
    %dma_wait3A_85 = tpu.memref_slice %arg8[%add3A_50, %dma_wait3A_84] : memref<16384x64xf32, #tpu.memory_space<hbm>> -> memref<128x64xf32, #tpu.memory_space<hbm>>
    %dma_wait3A_86 = arith.constant 0 : i32
    %dma_wait3A_87 = tpu.memref_slice %arg8[%add3A_50, %dma_wait3A_86] : memref<16384x64xf32, #tpu.memory_space<hbm>> -> memref<128x64xf32, #tpu.memory_space<hbm>>
    tpu.wait_dma2 semaphore(%arg21 : memref<!tpu.dma_semaphore, #tpu.memory_space<semaphore_mem>>) src(%arg14 : memref<128x64xf32, #tpu.memory_space<vmem>>) dst(%dma_wait3A_87 : memref<128x64xf32, #tpu.memory_space<hbm>>)
    %parallel_loop3A_88 = arith.constant 0 : i32
    %parallel_loop3A_89 = arith.constant 128 : i32
    %parallel_loop3A_90 = arith.constant 1 : i32
    scf.for %parallel_loop3A_123 = %parallel_loop3A_88 to %parallel_loop3A_89 step %parallel_loop3A_90  : i32 {
      %parallel_loop3A_124 = arith.constant -16 : i32
      %parallel_loop3A_125 = arith.andi %parallel_loop3A_123, %parallel_loop3A_124 : i32
      %parallel_loop3A_126 = arith.constant 256 : i32
      %parallel_loop3A_127 = arith.addi %parallel_loop3A_126, %parallel_loop3A_125 : i32
      %parallel_loop3A_128 = tpu.assume_multiple %parallel_loop3A_127, 8 : i32
      %parallel_loop3A_129 = arith.index_cast %parallel_loop3A_128 : i32 to index
      %parallel_loop3A_130 = tpu.vector_load %arg10[%parallel_loop3A_129] {strides = array<i32>} : memref<512xi32, #tpu.memory_space<vmem>>, vector<16xi32>,
      %parallel_loop3A_131 = arith.constant 15 : i32
      %parallel_loop3A_132 = arith.andi %parallel_loop3A_123, %parallel_loop3A_131 : i32
      %parallel_loop3A_133 = vector.broadcast %parallel_loop3A_132 : i32 to vector<16xi32>
      %parallel_loop3A_134 = vector.shape_cast %parallel_loop3A_133 : vector<16xi32> to vector<16x1xi32>
      %parallel_loop3A_135 = vector.shape_cast %parallel_loop3A_134 : vector<16x1xi32> to vector<16xi32>
      %parallel_loop3A_136 = tpu.dynamic_gather %parallel_loop3A_130[%parallel_loop3A_135] in [0] : vector<16xi32>, vector<16xi32> -> vector<16xi32>
      %parallel_loop3A_137 = arith.constant 1 : i32
      %parallel_loop3A_138 = vector.broadcast %parallel_loop3A_137 : i32 to vector<16xi32>
      %parallel_loop3A_139 = arith.shrui %parallel_loop3A_136, %parallel_loop3A_138 : vector<16xi32>
      %parallel_loop3A_140 = arith.constant 1 : i32
      %parallel_loop3A_141 = vector.broadcast %parallel_loop3A_140 : i32 to vector<16xi32>
      %parallel_loop3A_142 = arith.andi %parallel_loop3A_136, %parallel_loop3A_141 : vector<16xi32>
      %parallel_loop3A_143 = arith.constant 64 : i32
      %parallel_loop3A_144 = vector.broadcast %parallel_loop3A_143 : i32 to vector<16xi32>
      %parallel_loop3A_145 = arith.muli %parallel_loop3A_142, %parallel_loop3A_144 : vector<16xi32>
      %parallel_loop3A_146 = arith.index_cast %parallel_loop3A_123 : i32 to index
      %parallel_loop3A_147 = arith.constant 0 : index
      %parallel_loop3A_148 = tpu.vector_load %arg11[%parallel_loop3A_146, %parallel_loop3A_147] {strides = array<i32>} : memref<128x128xf32, #tpu.memory_space<vmem>>, vector<16xf32>,
      %parallel_loop3A_149 = arith.addi %parallel_loop3A_145, %add3A_21 : vector<16xi32>
      %parallel_loop3A_150 = tpu.vector_load_idx %arg13[%parallel_loop3A_139, %parallel_loop3A_149] : memref<256x128xf32, #tpu.memory_space<vmem>>[vector<16xi32>, vector<16xi32>], vector<16xf32>,
      %parallel_loop3A_151 = arith.addf %parallel_loop3A_148, %parallel_loop3A_150 : vector<16xf32>
      %parallel_loop3A_152 = arith.index_cast %parallel_loop3A_123 : i32 to index
      %parallel_loop3A_153 = arith.constant 16 : index
      %parallel_loop3A_154 = tpu.vector_load %arg11[%parallel_loop3A_152, %parallel_loop3A_153] {strides = array<i32>} : memref<128x128xf32, #tpu.memory_space<vmem>>, vector<16xf32>,
      %parallel_loop3A_155 = arith.addi %parallel_loop3A_145, %add3A_24 : vector<16xi32>
      %parallel_loop3A_156 = tpu.vector_load_idx %arg13[%parallel_loop3A_139, %parallel_loop3A_155] : memref<256x128xf32, #tpu.memory_space<vmem>>[vector<16xi32>, vector<16xi32>], vector<16xf32>,
      %parallel_loop3A_157 = arith.addf %parallel_loop3A_154, %parallel_loop3A_156 : vector<16xf32>
      %parallel_loop3A_158 = arith.index_cast %parallel_loop3A_123 : i32 to index
      %parallel_loop3A_159 = arith.constant 32 : index
      %parallel_loop3A_160 = tpu.vector_load %arg11[%parallel_loop3A_158, %parallel_loop3A_159] {strides = array<i32>} : memref<128x128xf32, #tpu.memory_space<vmem>>, vector<16xf32>,
      %parallel_loop3A_161 = arith.addi %parallel_loop3A_145, %add3A_27 : vector<16xi32>
      %parallel_loop3A_162 = tpu.vector_load_idx %arg13[%parallel_loop3A_139, %parallel_loop3A_161] : memref<256x128xf32, #tpu.memory_space<vmem>>[vector<16xi32>, vector<16xi32>], vector<16xf32>,
      %parallel_loop3A_163 = arith.addf %parallel_loop3A_160, %parallel_loop3A_162 : vector<16xf32>
      %parallel_loop3A_164 = arith.index_cast %parallel_loop3A_123 : i32 to index
      %parallel_loop3A_165 = arith.constant 48 : index
      %parallel_loop3A_166 = tpu.vector_load %arg11[%parallel_loop3A_164, %parallel_loop3A_165] {strides = array<i32>} : memref<128x128xf32, #tpu.memory_space<vmem>>, vector<16xf32>,
      %parallel_loop3A_167 = arith.addi %parallel_loop3A_145, %add3A_30 : vector<16xi32>
      %parallel_loop3A_168 = tpu.vector_load_idx %arg13[%parallel_loop3A_139, %parallel_loop3A_167] : memref<256x128xf32, #tpu.memory_space<vmem>>[vector<16xi32>, vector<16xi32>], vector<16xf32>,
      %parallel_loop3A_169 = arith.addf %parallel_loop3A_166, %parallel_loop3A_168 : vector<16xf32>
      %parallel_loop3A_170 = arith.addf %parallel_loop3A_151, %parallel_loop3A_157 : vector<16xf32>
      %parallel_loop3A_171 = arith.addf %parallel_loop3A_163, %parallel_loop3A_169 : vector<16xf32>
      %parallel_loop3A_172 = arith.addf %parallel_loop3A_170, %parallel_loop3A_171 : vector<16xf32>
      %parallel_loop3A_173 = arith.mulf %parallel_loop3A_151, %parallel_loop3A_151 : vector<16xf32>
      %parallel_loop3A_174 = arith.mulf %parallel_loop3A_157, %parallel_loop3A_157 : vector<16xf32>
      %parallel_loop3A_175 = arith.addf %parallel_loop3A_173, %parallel_loop3A_174 : vector<16xf32>
      %parallel_loop3A_176 = arith.mulf %parallel_loop3A_163, %parallel_loop3A_163 : vector<16xf32>
      %parallel_loop3A_177 = arith.mulf %parallel_loop3A_169, %parallel_loop3A_169 : vector<16xf32>
      %parallel_loop3A_178 = arith.addf %parallel_loop3A_176, %parallel_loop3A_177 : vector<16xf32>
      %parallel_loop3A_179 = arith.addf %parallel_loop3A_175, %parallel_loop3A_178 : vector<16xf32>
      %parallel_loop3A_180 = arith.constant true
      %parallel_loop3A_181 = vector.broadcast %parallel_loop3A_180 : i1 to vector<16xi1>
      %parallel_loop3A_182 = tpu.scan <sum>, %parallel_loop3A_172 masked %parallel_loop3A_181 : vector<16xf32>, vector<16xi1> -> vector<16xf32>
      %parallel_loop3A_183 = vector.extract %parallel_loop3A_182[15] : f32 from vector<16xf32>
      %parallel_loop3A_184 = arith.constant true
      %parallel_loop3A_185 = vector.broadcast %parallel_loop3A_184 : i1 to vector<16xi1>
      %parallel_loop3A_186 = tpu.scan <sum>, %parallel_loop3A_179 masked %parallel_loop3A_185 : vector<16xf32>, vector<16xi1> -> vector<16xf32>
      %parallel_loop3A_187 = vector.extract %parallel_loop3A_186[15] : f32 from vector<16xf32>
      %parallel_loop3A_188 = arith.constant 1.562500e-02 : f32
      %parallel_loop3A_189 = arith.mulf %parallel_loop3A_183, %parallel_loop3A_188 : f32
      %parallel_loop3A_190 = arith.constant 1.562500e-02 : f32
      %parallel_loop3A_191 = arith.mulf %parallel_loop3A_187, %parallel_loop3A_190 : f32
      %parallel_loop3A_192 = arith.mulf %parallel_loop3A_189, %parallel_loop3A_189 : f32
      %parallel_loop3A_193 = arith.subf %parallel_loop3A_191, %parallel_loop3A_192 : f32
      %parallel_loop3A_194 = arith.constant 9.99999974E-6 : f32
      %parallel_loop3A_195 = arith.addf %parallel_loop3A_193, %parallel_loop3A_194 : f32
      %parallel_loop3A_196 = arith.bitcast %parallel_loop3A_195 : f32 to i32
      %parallel_loop3A_197 = arith.constant 1 : i32
      %parallel_loop3A_198 = arith.shrsi %parallel_loop3A_196, %parallel_loop3A_197 : i32
      %parallel_loop3A_199 = arith.constant 1597463007 : i32
      %parallel_loop3A_200 = arith.subi %parallel_loop3A_199, %parallel_loop3A_198 : i32
      %parallel_loop3A_201 = arith.bitcast %parallel_loop3A_200 : i32 to f32
      %parallel_loop3A_202 = arith.constant 5.000000e-01 : f32
      %parallel_loop3A_203 = arith.mulf %parallel_loop3A_202, %parallel_loop3A_195 : f32
      %parallel_loop3A_204 = arith.mulf %parallel_loop3A_203, %parallel_loop3A_201 : f32
      %parallel_loop3A_205 = arith.mulf %parallel_loop3A_204, %parallel_loop3A_201 : f32
      %parallel_loop3A_206 = arith.constant 1.500000e+00 : f32
      %parallel_loop3A_207 = arith.subf %parallel_loop3A_206, %parallel_loop3A_205 : f32
      %parallel_loop3A_208 = arith.mulf %parallel_loop3A_201, %parallel_loop3A_207 : f32
      %parallel_loop3A_209 = arith.constant 0.000000e+00 : f32
      %parallel_loop3A_210 = arith.subf %parallel_loop3A_209, %parallel_loop3A_189 : f32
      %parallel_loop3A_211 = arith.mulf %parallel_loop3A_210, %parallel_loop3A_208 : f32
      %parallel_loop3A_212 = vector.broadcast %parallel_loop3A_208 : f32 to vector<16xf32>
      %parallel_loop3A_213 = arith.mulf %parallel_loop3A_151, %parallel_loop3A_212 : vector<16xf32>
      %parallel_loop3A_214 = vector.broadcast %parallel_loop3A_211 : f32 to vector<16xf32>
      %parallel_loop3A_215 = arith.addf %parallel_loop3A_213, %parallel_loop3A_214 : vector<16xf32>
      %parallel_loop3A_216 = arith.mulf %parallel_loop3A_215, %get3A_4 : vector<16xf32>
      %parallel_loop3A_217 = arith.addf %parallel_loop3A_216, %get3A_12 : vector<16xf32>
      %parallel_loop3A_218 = arith.index_cast %parallel_loop3A_123 : i32 to index
      %parallel_loop3A_219 = arith.constant 0 : index
      %parallel_loop3A_220 = tpu.vector_load %arg14[%parallel_loop3A_218, %parallel_loop3A_219] {strides = array<i32>} : memref<128x64xf32, #tpu.memory_space<vmem>>, vector<16xf32>,
      tpu.vector_store %arg14[%parallel_loop3A_218, %parallel_loop3A_219], %parallel_loop3A_217 {strides = array<i32>} : memref<128x64xf32, #tpu.memory_space<vmem>>, vector<16xf32>,
      %parallel_loop3A_221 = vector.broadcast %parallel_loop3A_208 : f32 to vector<16xf32>
      %parallel_loop3A_222 = arith.mulf %parallel_loop3A_157, %parallel_loop3A_221 : vector<16xf32>
      %parallel_loop3A_223 = vector.broadcast %parallel_loop3A_211 : f32 to vector<16xf32>
      %parallel_loop3A_224 = arith.addf %parallel_loop3A_222, %parallel_loop3A_223 : vector<16xf32>
      %parallel_loop3A_225 = arith.mulf %parallel_loop3A_224, %get3A_6 : vector<16xf32>
      %parallel_loop3A_226 = arith.addf %parallel_loop3A_225, %get3A_14 : vector<16xf32>
      %parallel_loop3A_227 = arith.index_cast %parallel_loop3A_123 : i32 to index
      %parallel_loop3A_228 = arith.constant 16 : index
      %parallel_loop3A_229 = tpu.vector_load %arg14[%parallel_loop3A_227, %parallel_loop3A_228] {strides = array<i32>} : memref<128x64xf32, #tpu.memory_space<vmem>>, vector<16xf32>,
      tpu.vector_store %arg14[%parallel_loop3A_227, %parallel_loop3A_228], %parallel_loop3A_226 {strides = array<i32>} : memref<128x64xf32, #tpu.memory_space<vmem>>, vector<16xf32>,
      %parallel_loop3A_230 = vector.broadcast %parallel_loop3A_208 : f32 to vector<16xf32>
      %parallel_loop3A_231 = arith.mulf %parallel_loop3A_163, %parallel_loop3A_230 : vector<16xf32>
      %parallel_loop3A_232 = vector.broadcast %parallel_loop3A_211 : f32 to vector<16xf32>
      %parallel_loop3A_233 = arith.addf %parallel_loop3A_231, %parallel_loop3A_232 : vector<16xf32>
      %parallel_loop3A_234 = arith.mulf %parallel_loop3A_233, %get3A_8 : vector<16xf32>
      %parallel_loop3A_235 = arith.addf %parallel_loop3A_234, %get3A_16 : vector<16xf32>
      %parallel_loop3A_236 = arith.index_cast %parallel_loop3A_123 : i32 to index
      %parallel_loop3A_237 = arith.constant 32 : index
      %parallel_loop3A_238 = tpu.vector_load %arg14[%parallel_loop3A_236, %parallel_loop3A_237] {strides = array<i32>} : memref<128x64xf32, #tpu.memory_space<vmem>>, vector<16xf32>,
      tpu.vector_store %arg14[%parallel_loop3A_236, %parallel_loop3A_237], %parallel_loop3A_235 {strides = array<i32>} : memref<128x64xf32, #tpu.memory_space<vmem>>, vector<16xf32>,
      %parallel_loop3A_239 = vector.broadcast %parallel_loop3A_208 : f32 to vector<16xf32>
      %parallel_loop3A_240 = arith.mulf %parallel_loop3A_169, %parallel_loop3A_239 : vector<16xf32>
      %parallel_loop3A_241 = vector.broadcast %parallel_loop3A_211 : f32 to vector<16xf32>
      %parallel_loop3A_242 = arith.addf %parallel_loop3A_240, %parallel_loop3A_241 : vector<16xf32>
      %parallel_loop3A_243 = arith.mulf %parallel_loop3A_242, %get3A_10 : vector<16xf32>
      %parallel_loop3A_244 = arith.addf %parallel_loop3A_243, %get3A_18 : vector<16xf32>
      %parallel_loop3A_245 = arith.index_cast %parallel_loop3A_123 : i32 to index
      %parallel_loop3A_246 = arith.constant 48 : index
      %parallel_loop3A_247 = tpu.vector_load %arg14[%parallel_loop3A_245, %parallel_loop3A_246] {strides = array<i32>} : memref<128x64xf32, #tpu.memory_space<vmem>>, vector<16xf32>,
      tpu.vector_store %arg14[%parallel_loop3A_245, %parallel_loop3A_246], %parallel_loop3A_244 {strides = array<i32>} : memref<128x64xf32, #tpu.memory_space<vmem>>, vector<16xf32>,
    } {sc.loop_unroll_factor = 4 : i64, sc.parallel_access}
    %add3A_91 = arith.constant 256 : i32
    %add3A_92 = arith.addi %mul3A_2, %add3A_91 : i32
    %dma_start3A_93 = arith.constant 0 : i32
    %dma_start3A_94 = tpu.memref_slice %arg8[%add3A_92, %dma_start3A_93] : memref<16384x64xf32, #tpu.memory_space<hbm>> -> memref<128x64xf32, #tpu.memory_space<hbm>>
    %dma_start3A_95 = arith.constant 0 : i32
    %dma_start3A_96 = tpu.memref_slice %arg8[%add3A_92, %dma_start3A_95] : memref<16384x64xf32, #tpu.memory_space<hbm>> -> memref<128x64xf32, #tpu.memory_space<hbm>>
    tpu.enqueue_dma source(%arg14 : memref<128x64xf32, #tpu.memory_space<vmem>>) target(%dma_start3A_96 : memref<128x64xf32, #tpu.memory_space<hbm>>) target_semaphore(%arg21 : memref<!tpu.dma_semaphore, #tpu.memory_space<semaphore_mem>>)
    %dma_wait3A_97 = arith.constant 384 : i32
    %dma_wait3A_98 = tpu.memref_slice %arg9[%dma_wait3A_97] : memref<512xi32, #tpu.memory_space<vmem>> -> memref<128xi32, #tpu.memory_space<vmem>>
    %dma_wait3A_99 = arith.constant 0 : i32
    %dma_wait3A_100 = arith.constant 0 : i32
    %dma_wait3A_101 = tpu.memref_slice %arg4[%dma_wait3A_99, %dma_wait3A_100] : memref<4096x128xf32, #tpu.memory_space<hbm>> -> memref<4096x128xf32, #tpu.memory_space<hbm>>
    tpu.wait_indirect_dma semaphore(%arg19 : memref<!tpu.dma_semaphore, #tpu.memory_space<semaphore_mem>>) src(%dma_wait3A_101 : memref<4096x128xf32, #tpu.memory_space<hbm>>) dst(%arg12 : memref<128x128xf32, #tpu.memory_space<vmem>>)
    %dma_wait3A_102 = arith.constant 0 : i32
    %dma_wait3A_103 = tpu.memref_slice %arg8[%add3A_69, %dma_wait3A_102] : memref<16384x64xf32, #tpu.memory_space<hbm>> -> memref<128x64xf32, #tpu.memory_space<hbm>>
    %dma_wait3A_104 = arith.constant 0 : i32
    %dma_wait3A_105 = tpu.memref_slice %arg8[%add3A_69, %dma_wait3A_104] : memref<16384x64xf32, #tpu.memory_space<hbm>> -> memref<128x64xf32, #tpu.memory_space<hbm>>
    tpu.wait_dma2 semaphore(%arg22 : memref<!tpu.dma_semaphore, #tpu.memory_space<semaphore_mem>>) src(%arg15 : memref<128x64xf32, #tpu.memory_space<vmem>>) dst(%dma_wait3A_105 : memref<128x64xf32, #tpu.memory_space<hbm>>)
    %parallel_loop3A_106 = arith.constant 0 : i32
    %parallel_loop3A_107 = arith.constant 128 : i32
    %parallel_loop3A_108 = arith.constant 1 : i32
    scf.for %parallel_loop3A_123 = %parallel_loop3A_106 to %parallel_loop3A_107 step %parallel_loop3A_108  : i32 {
      %parallel_loop3A_124 = arith.constant -16 : i32
      %parallel_loop3A_125 = arith.andi %parallel_loop3A_123, %parallel_loop3A_124 : i32
      %parallel_loop3A_126 = arith.constant 384 : i32
      %parallel_loop3A_127 = arith.addi %parallel_loop3A_126, %parallel_loop3A_125 : i32
      %parallel_loop3A_128 = tpu.assume_multiple %parallel_loop3A_127, 8 : i32
      %parallel_loop3A_129 = arith.index_cast %parallel_loop3A_128 : i32 to index
      %parallel_loop3A_130 = tpu.vector_load %arg10[%parallel_loop3A_129] {strides = array<i32>} : memref<512xi32, #tpu.memory_space<vmem>>, vector<16xi32>,
      %parallel_loop3A_131 = arith.constant 15 : i32
      %parallel_loop3A_132 = arith.andi %parallel_loop3A_123, %parallel_loop3A_131 : i32
      %parallel_loop3A_133 = vector.broadcast %parallel_loop3A_132 : i32 to vector<16xi32>
      %parallel_loop3A_134 = vector.shape_cast %parallel_loop3A_133 : vector<16xi32> to vector<16x1xi32>
      %parallel_loop3A_135 = vector.shape_cast %parallel_loop3A_134 : vector<16x1xi32> to vector<16xi32>
      %parallel_loop3A_136 = tpu.dynamic_gather %parallel_loop3A_130[%parallel_loop3A_135] in [0] : vector<16xi32>, vector<16xi32> -> vector<16xi32>
      %parallel_loop3A_137 = arith.constant 1 : i32
      %parallel_loop3A_138 = vector.broadcast %parallel_loop3A_137 : i32 to vector<16xi32>
      %parallel_loop3A_139 = arith.shrui %parallel_loop3A_136, %parallel_loop3A_138 : vector<16xi32>
      %parallel_loop3A_140 = arith.constant 1 : i32
      %parallel_loop3A_141 = vector.broadcast %parallel_loop3A_140 : i32 to vector<16xi32>
      %parallel_loop3A_142 = arith.andi %parallel_loop3A_136, %parallel_loop3A_141 : vector<16xi32>
      %parallel_loop3A_143 = arith.constant 64 : i32
      %parallel_loop3A_144 = vector.broadcast %parallel_loop3A_143 : i32 to vector<16xi32>
      %parallel_loop3A_145 = arith.muli %parallel_loop3A_142, %parallel_loop3A_144 : vector<16xi32>
      %parallel_loop3A_146 = arith.index_cast %parallel_loop3A_123 : i32 to index
      %parallel_loop3A_147 = arith.constant 0 : index
      %parallel_loop3A_148 = tpu.vector_load %arg12[%parallel_loop3A_146, %parallel_loop3A_147] {strides = array<i32>} : memref<128x128xf32, #tpu.memory_space<vmem>>, vector<16xf32>,
      %parallel_loop3A_149 = arith.addi %parallel_loop3A_145, %add3A_21 : vector<16xi32>
      %parallel_loop3A_150 = tpu.vector_load_idx %arg13[%parallel_loop3A_139, %parallel_loop3A_149] : memref<256x128xf32, #tpu.memory_space<vmem>>[vector<16xi32>, vector<16xi32>], vector<16xf32>,
      %parallel_loop3A_151 = arith.addf %parallel_loop3A_148, %parallel_loop3A_150 : vector<16xf32>
      %parallel_loop3A_152 = arith.index_cast %parallel_loop3A_123 : i32 to index
      %parallel_loop3A_153 = arith.constant 16 : index
      %parallel_loop3A_154 = tpu.vector_load %arg12[%parallel_loop3A_152, %parallel_loop3A_153] {strides = array<i32>} : memref<128x128xf32, #tpu.memory_space<vmem>>, vector<16xf32>,
      %parallel_loop3A_155 = arith.addi %parallel_loop3A_145, %add3A_24 : vector<16xi32>
      %parallel_loop3A_156 = tpu.vector_load_idx %arg13[%parallel_loop3A_139, %parallel_loop3A_155] : memref<256x128xf32, #tpu.memory_space<vmem>>[vector<16xi32>, vector<16xi32>], vector<16xf32>,
      %parallel_loop3A_157 = arith.addf %parallel_loop3A_154, %parallel_loop3A_156 : vector<16xf32>
      %parallel_loop3A_158 = arith.index_cast %parallel_loop3A_123 : i32 to index
      %parallel_loop3A_159 = arith.constant 32 : index
      %parallel_loop3A_160 = tpu.vector_load %arg12[%parallel_loop3A_158, %parallel_loop3A_159] {strides = array<i32>} : memref<128x128xf32, #tpu.memory_space<vmem>>, vector<16xf32>,
      %parallel_loop3A_161 = arith.addi %parallel_loop3A_145, %add3A_27 : vector<16xi32>
      %parallel_loop3A_162 = tpu.vector_load_idx %arg13[%parallel_loop3A_139, %parallel_loop3A_161] : memref<256x128xf32, #tpu.memory_space<vmem>>[vector<16xi32>, vector<16xi32>], vector<16xf32>,
      %parallel_loop3A_163 = arith.addf %parallel_loop3A_160, %parallel_loop3A_162 : vector<16xf32>
      %parallel_loop3A_164 = arith.index_cast %parallel_loop3A_123 : i32 to index
      %parallel_loop3A_165 = arith.constant 48 : index
      %parallel_loop3A_166 = tpu.vector_load %arg12[%parallel_loop3A_164, %parallel_loop3A_165] {strides = array<i32>} : memref<128x128xf32, #tpu.memory_space<vmem>>, vector<16xf32>,
      %parallel_loop3A_167 = arith.addi %parallel_loop3A_145, %add3A_30 : vector<16xi32>
      %parallel_loop3A_168 = tpu.vector_load_idx %arg13[%parallel_loop3A_139, %parallel_loop3A_167] : memref<256x128xf32, #tpu.memory_space<vmem>>[vector<16xi32>, vector<16xi32>], vector<16xf32>,
      %parallel_loop3A_169 = arith.addf %parallel_loop3A_166, %parallel_loop3A_168 : vector<16xf32>
      %parallel_loop3A_170 = arith.addf %parallel_loop3A_151, %parallel_loop3A_157 : vector<16xf32>
      %parallel_loop3A_171 = arith.addf %parallel_loop3A_163, %parallel_loop3A_169 : vector<16xf32>
      %parallel_loop3A_172 = arith.addf %parallel_loop3A_170, %parallel_loop3A_171 : vector<16xf32>
      %parallel_loop3A_173 = arith.mulf %parallel_loop3A_151, %parallel_loop3A_151 : vector<16xf32>
      %parallel_loop3A_174 = arith.mulf %parallel_loop3A_157, %parallel_loop3A_157 : vector<16xf32>
      %parallel_loop3A_175 = arith.addf %parallel_loop3A_173, %parallel_loop3A_174 : vector<16xf32>
      %parallel_loop3A_176 = arith.mulf %parallel_loop3A_163, %parallel_loop3A_163 : vector<16xf32>
      %parallel_loop3A_177 = arith.mulf %parallel_loop3A_169, %parallel_loop3A_169 : vector<16xf32>
      %parallel_loop3A_178 = arith.addf %parallel_loop3A_176, %parallel_loop3A_177 : vector<16xf32>
      %parallel_loop3A_179 = arith.addf %parallel_loop3A_175, %parallel_loop3A_178 : vector<16xf32>
      %parallel_loop3A_180 = arith.constant true
      %parallel_loop3A_181 = vector.broadcast %parallel_loop3A_180 : i1 to vector<16xi1>
      %parallel_loop3A_182 = tpu.scan <sum>, %parallel_loop3A_172 masked %parallel_loop3A_181 : vector<16xf32>, vector<16xi1> -> vector<16xf32>
      %parallel_loop3A_183 = vector.extract %parallel_loop3A_182[15] : f32 from vector<16xf32>
      %parallel_loop3A_184 = arith.constant true
      %parallel_loop3A_185 = vector.broadcast %parallel_loop3A_184 : i1 to vector<16xi1>
      %parallel_loop3A_186 = tpu.scan <sum>, %parallel_loop3A_179 masked %parallel_loop3A_185 : vector<16xf32>, vector<16xi1> -> vector<16xf32>
      %parallel_loop3A_187 = vector.extract %parallel_loop3A_186[15] : f32 from vector<16xf32>
      %parallel_loop3A_188 = arith.constant 1.562500e-02 : f32
      %parallel_loop3A_189 = arith.mulf %parallel_loop3A_183, %parallel_loop3A_188 : f32
      %parallel_loop3A_190 = arith.constant 1.562500e-02 : f32
      %parallel_loop3A_191 = arith.mulf %parallel_loop3A_187, %parallel_loop3A_190 : f32
      %parallel_loop3A_192 = arith.mulf %parallel_loop3A_189, %parallel_loop3A_189 : f32
      %parallel_loop3A_193 = arith.subf %parallel_loop3A_191, %parallel_loop3A_192 : f32
      %parallel_loop3A_194 = arith.constant 9.99999974E-6 : f32
      %parallel_loop3A_195 = arith.addf %parallel_loop3A_193, %parallel_loop3A_194 : f32
      %parallel_loop3A_196 = arith.bitcast %parallel_loop3A_195 : f32 to i32
      %parallel_loop3A_197 = arith.constant 1 : i32
      %parallel_loop3A_198 = arith.shrsi %parallel_loop3A_196, %parallel_loop3A_197 : i32
      %parallel_loop3A_199 = arith.constant 1597463007 : i32
      %parallel_loop3A_200 = arith.subi %parallel_loop3A_199, %parallel_loop3A_198 : i32
      %parallel_loop3A_201 = arith.bitcast %parallel_loop3A_200 : i32 to f32
      %parallel_loop3A_202 = arith.constant 5.000000e-01 : f32
      %parallel_loop3A_203 = arith.mulf %parallel_loop3A_202, %parallel_loop3A_195 : f32
      %parallel_loop3A_204 = arith.mulf %parallel_loop3A_203, %parallel_loop3A_201 : f32
      %parallel_loop3A_205 = arith.mulf %parallel_loop3A_204, %parallel_loop3A_201 : f32
      %parallel_loop3A_206 = arith.constant 1.500000e+00 : f32
      %parallel_loop3A_207 = arith.subf %parallel_loop3A_206, %parallel_loop3A_205 : f32
      %parallel_loop3A_208 = arith.mulf %parallel_loop3A_201, %parallel_loop3A_207 : f32
      %parallel_loop3A_209 = arith.constant 0.000000e+00 : f32
      %parallel_loop3A_210 = arith.subf %parallel_loop3A_209, %parallel_loop3A_189 : f32
      %parallel_loop3A_211 = arith.mulf %parallel_loop3A_210, %parallel_loop3A_208 : f32
      %parallel_loop3A_212 = vector.broadcast %parallel_loop3A_208 : f32 to vector<16xf32>
      %parallel_loop3A_213 = arith.mulf %parallel_loop3A_151, %parallel_loop3A_212 : vector<16xf32>
      %parallel_loop3A_214 = vector.broadcast %parallel_loop3A_211 : f32 to vector<16xf32>
      %parallel_loop3A_215 = arith.addf %parallel_loop3A_213, %parallel_loop3A_214 : vector<16xf32>
      %parallel_loop3A_216 = arith.mulf %parallel_loop3A_215, %get3A_4 : vector<16xf32>
      %parallel_loop3A_217 = arith.addf %parallel_loop3A_216, %get3A_12 : vector<16xf32>
      %parallel_loop3A_218 = arith.index_cast %parallel_loop3A_123 : i32 to index
      %parallel_loop3A_219 = arith.constant 0 : index
      %parallel_loop3A_220 = tpu.vector_load %arg15[%parallel_loop3A_218, %parallel_loop3A_219] {strides = array<i32>} : memref<128x64xf32, #tpu.memory_space<vmem>>, vector<16xf32>,
      tpu.vector_store %arg15[%parallel_loop3A_218, %parallel_loop3A_219], %parallel_loop3A_217 {strides = array<i32>} : memref<128x64xf32, #tpu.memory_space<vmem>>, vector<16xf32>,
      %parallel_loop3A_221 = vector.broadcast %parallel_loop3A_208 : f32 to vector<16xf32>
      %parallel_loop3A_222 = arith.mulf %parallel_loop3A_157, %parallel_loop3A_221 : vector<16xf32>
      %parallel_loop3A_223 = vector.broadcast %parallel_loop3A_211 : f32 to vector<16xf32>
      %parallel_loop3A_224 = arith.addf %parallel_loop3A_222, %parallel_loop3A_223 : vector<16xf32>
      %parallel_loop3A_225 = arith.mulf %parallel_loop3A_224, %get3A_6 : vector<16xf32>
      %parallel_loop3A_226 = arith.addf %parallel_loop3A_225, %get3A_14 : vector<16xf32>
      %parallel_loop3A_227 = arith.index_cast %parallel_loop3A_123 : i32 to index
      %parallel_loop3A_228 = arith.constant 16 : index
      %parallel_loop3A_229 = tpu.vector_load %arg15[%parallel_loop3A_227, %parallel_loop3A_228] {strides = array<i32>} : memref<128x64xf32, #tpu.memory_space<vmem>>, vector<16xf32>,
      tpu.vector_store %arg15[%parallel_loop3A_227, %parallel_loop3A_228], %parallel_loop3A_226 {strides = array<i32>} : memref<128x64xf32, #tpu.memory_space<vmem>>, vector<16xf32>,
      %parallel_loop3A_230 = vector.broadcast %parallel_loop3A_208 : f32 to vector<16xf32>
      %parallel_loop3A_231 = arith.mulf %parallel_loop3A_163, %parallel_loop3A_230 : vector<16xf32>
      %parallel_loop3A_232 = vector.broadcast %parallel_loop3A_211 : f32 to vector<16xf32>
      %parallel_loop3A_233 = arith.addf %parallel_loop3A_231, %parallel_loop3A_232 : vector<16xf32>
      %parallel_loop3A_234 = arith.mulf %parallel_loop3A_233, %get3A_8 : vector<16xf32>
      %parallel_loop3A_235 = arith.addf %parallel_loop3A_234, %get3A_16 : vector<16xf32>
      %parallel_loop3A_236 = arith.index_cast %parallel_loop3A_123 : i32 to index
      %parallel_loop3A_237 = arith.constant 32 : index
      %parallel_loop3A_238 = tpu.vector_load %arg15[%parallel_loop3A_236, %parallel_loop3A_237] {strides = array<i32>} : memref<128x64xf32, #tpu.memory_space<vmem>>, vector<16xf32>,
      tpu.vector_store %arg15[%parallel_loop3A_236, %parallel_loop3A_237], %parallel_loop3A_235 {strides = array<i32>} : memref<128x64xf32, #tpu.memory_space<vmem>>, vector<16xf32>,
      %parallel_loop3A_239 = vector.broadcast %parallel_loop3A_208 : f32 to vector<16xf32>
      %parallel_loop3A_240 = arith.mulf %parallel_loop3A_169, %parallel_loop3A_239 : vector<16xf32>
      %parallel_loop3A_241 = vector.broadcast %parallel_loop3A_211 : f32 to vector<16xf32>
      %parallel_loop3A_242 = arith.addf %parallel_loop3A_240, %parallel_loop3A_241 : vector<16xf32>
      %parallel_loop3A_243 = arith.mulf %parallel_loop3A_242, %get3A_10 : vector<16xf32>
      %parallel_loop3A_244 = arith.addf %parallel_loop3A_243, %get3A_18 : vector<16xf32>
      %parallel_loop3A_245 = arith.index_cast %parallel_loop3A_123 : i32 to index
      %parallel_loop3A_246 = arith.constant 48 : index
      %parallel_loop3A_247 = tpu.vector_load %arg15[%parallel_loop3A_245, %parallel_loop3A_246] {strides = array<i32>} : memref<128x64xf32, #tpu.memory_space<vmem>>, vector<16xf32>,
      tpu.vector_store %arg15[%parallel_loop3A_245, %parallel_loop3A_246], %parallel_loop3A_244 {strides = array<i32>} : memref<128x64xf32, #tpu.memory_space<vmem>>, vector<16xf32>,
    } {sc.loop_unroll_factor = 4 : i64, sc.parallel_access}
    %add3A_109 = arith.constant 384 : i32
    %add3A_110 = arith.addi %mul3A_2, %add3A_109 : i32
    %dma_start3A_111 = arith.constant 0 : i32
    %dma_start3A_112 = tpu.memref_slice %arg8[%add3A_110, %dma_start3A_111] : memref<16384x64xf32, #tpu.memory_space<hbm>> -> memref<128x64xf32, #tpu.memory_space<hbm>>
    %dma_start3A_113 = arith.constant 0 : i32
    %dma_start3A_114 = tpu.memref_slice %arg8[%add3A_110, %dma_start3A_113] : memref<16384x64xf32, #tpu.memory_space<hbm>> -> memref<128x64xf32, #tpu.memory_space<hbm>>
    tpu.enqueue_dma source(%arg15 : memref<128x64xf32, #tpu.memory_space<vmem>>) target(%dma_start3A_114 : memref<128x64xf32, #tpu.memory_space<hbm>>) target_semaphore(%arg22 : memref<!tpu.dma_semaphore, #tpu.memory_space<semaphore_mem>>)
    %dma_wait3A_115 = arith.constant 0 : i32
    %dma_wait3A_116 = tpu.memref_slice %arg8[%add3A_92, %dma_wait3A_115] : memref<16384x64xf32, #tpu.memory_space<hbm>> -> memref<128x64xf32, #tpu.memory_space<hbm>>
    %dma_wait3A_117 = arith.constant 0 : i32
    %dma_wait3A_118 = tpu.memref_slice %arg8[%add3A_92, %dma_wait3A_117] : memref<16384x64xf32, #tpu.memory_space<hbm>> -> memref<128x64xf32, #tpu.memory_space<hbm>>
    tpu.wait_dma2 semaphore(%arg21 : memref<!tpu.dma_semaphore, #tpu.memory_space<semaphore_mem>>) src(%arg14 : memref<128x64xf32, #tpu.memory_space<vmem>>) dst(%dma_wait3A_118 : memref<128x64xf32, #tpu.memory_space<hbm>>)
    %dma_wait3A_119 = arith.constant 0 : i32
    %dma_wait3A_120 = tpu.memref_slice %arg8[%add3A_110, %dma_wait3A_119] : memref<16384x64xf32, #tpu.memory_space<hbm>> -> memref<128x64xf32, #tpu.memory_space<hbm>>
    %dma_wait3A_121 = arith.constant 0 : i32
    %dma_wait3A_122 = tpu.memref_slice %arg8[%add3A_110, %dma_wait3A_121] : memref<16384x64xf32, #tpu.memory_space<hbm>> -> memref<128x64xf32, #tpu.memory_space<hbm>>
    tpu.wait_dma2 semaphore(%arg22 : memref<!tpu.dma_semaphore, #tpu.memory_space<semaphore_mem>>) src(%arg15 : memref<128x64xf32, #tpu.memory_space<vmem>>) dst(%dma_wait3A_122 : memref<128x64xf32, #tpu.memory_space<hbm>>)
    return
  }
}

</mosaic_0001>

<sc_bundles>
// kernel: _run.3.cloned.1.call-start
scs
__scs_entry_jumppad:
0x0: {  	(pc) =	sbr.rel $0x88, $3  }
0x1: {  	(tag) =	ssettag $0x0;
	lr =	simm.s32 $0x1  }
0x2: {  	[smem:$0x3F9B] =	sst lr;
	_ =	strace $0xD0000000  }
0x3: {  	_ = 	snop  }
0x4: {  	_ = 	snop  }
0x5: {  	_ = 	snop  }
0x6: {  	_ = 	snop  }
0x7: {  	_ = 	snop  }
__scs_overlays_trampoline_lowered:
0x8: {  	[smem:$0x3FAA] =	sst s0  }
0x9: {  	[smem:$0x3FAB] =	sst s1  }
0xa: {  	[smem:$0x3FAC] =	sst s2  }
0xb: {  	[smem:$0x3FAD] =	sst s3  }
0xc: {  	[smem:$0x3FAE] =	sst s4  }
0xd: {  	[smem:$0x3FAF] =	sst s5  }
0xe: {  	[smem:$0x3FB0] =	sst s6  }
0xf: {  	[smem:$0x3FB1] =	sst s7  }
0x10: {  	[smem:$0x3FB2] =	sst s8  }
0x11: {  	[smem:$0x3FB3] =	sst s9;
	s0 =	simm.s32 @!p0 $0x0  }
0x12: {  	s1 =	sld [smem:$0x3F99];
	s0 =	simm.s32 @p0 $0x1  }
0x13: {  	[smem:$0x3FB4] =	sst s0;
	s0 =	simm.s32 @!p1 $0x0  }
0x14: {  	s2 =	sld [smem:$0x3F98];
	s0 =	simm.s32 @p1 $0x1  }
0x15: {  	[smem:$0x3FB5] =	sst s0;
	s0 =	simm.s32 @!p2 $0x0  }
0x16: {  	s3 =	sld [smem:$0x3FDB];
	s0 =	simm.s32 @p2 $0x1  }
0x17: {  	s4 =	simm.s32 $0x1BF5;
	[smem:$0x3FB7] =	sst s0  }
0x18: {  	s0 =	sld [smem:$0x3F9A];
	_ =	swait.ge [sflag:s4], $0x0  }
0x19: {  	s7 =	sld [smem:$0x3F9B]  }
0x1a: {  	s8 =	sadd.s32 $0xFFFFE003, lr  }
0x1b: {  	s9 =	sadd.s32 $0xFFFFFEF7, lr;
	s5 =	simm.s32 $0xFFFFFFFF;
	p2 =	slt.u32 s8, $0xFFFFF086  }
0x1c: {  	p1 =	slt.u32 s9, $0xF7A;
	s5 =	simm.s32 @!p2 $0x0  }
0x1d: {  	s5 =	simm.s32 @p1 $0x1;
	p0 =	seq.s32 s7, s2  }
0x1e: {  	s7 =	smul.u32 @!p0 $0xF7A, s2;
	p2 =	seq.s32 @!p0 s5, $0x0  }
0x1f: {  	s9 =	smul.u32 $0xF7A, s1;
	s8 =	simm.s32 @!p0 $0x1BF5;
	p2 =	por !p2, p0  }
0x20: {  	[sflag:s8] =	ssyncset.s32 @!p0 $0xFFFFF086;
	s6 =	sadd.s32 @!p0 s3, s7;
	s7 =	simm.s32 @!p0 $0x108  }
0x21: {  	s3 =	sadd.s32 s3, s9;
	s6 =	sadd.s32 @!p0 $0x88, s6;
	s7 =	simm.s32 @p2 $0x1082  }
0x22: {  	[simem:s7], [sflag:s8] =	dma.local @!p0 [hbm:s6], $0xF7A  }
0x23: {  	s9 =	sor.u32 $0xD0000000, s2;
	s6 =	simm.s32 $0x108;
	_ =	swait.ge @!p0 [sflag:s8], $0x0  }
0x24: {  	s3 =	sadd.s32 $0x88, s3;
	s6 =	simm.s32 @!p1 $0x1082;
	[sflag:s4] =	ssyncset.s32 $0xFFFFF086  }
0x25: {  	[simem:s6], [sflag:s4] =	dma.local [hbm:s3], $0xF7A  }
0x26: {  	[smem:$0x3F9B] =	sst s1;
	(tag) =	ssettag s2;
	_ =	strace s9  }
0x27: {  	s1 =	sld [smem:$0x3FAB]  }
0x28: {  	s2 =	sld [smem:$0x3FAC]  }
0x29: {  	s4 =	sld [smem:$0x3FAE]  }
0x2a: {  	p0 =	seq.s32 s5, $0x0;
	s5 =	sld [smem:$0x3FAF]  }
0x2b: {  	s6 =	sld [smem:$0x3FB0]  }
0x2c: {  	s7 =	sld [smem:$0x3FB1]  }
0x2d: {  	s3 =	simm.s32 $0x108;
	s8 =	sld [smem:$0x3FB2]  }
0x2e: {  	s3 =	simm.s32 @!p0 $0x1082;
	s9 =	sld [smem:$0x3FB3]  }
0x2f: {  	lr =	sadd.s32 s0, s3;
	s0 =	sld [smem:$0x3FAA]  }
0x30: {  	s3 =	sld [smem:$0x3FAD]  }
0x31: {  	[smem:$0x3FB6] =	sst s10  }
0x32: {  	s10 =	sld [smem:$0x3FB4];
	_ =	sdelay $0x3  }
0x33: {  	p0 =	seq.s32 s10, $0x1;
	s10 =	sld [smem:$0x3FB6];
	_ =	sdelay $0x3  }
0x34: {  	[smem:$0x3FB6] =	sst s10  }
0x35: {  	s10 =	sld [smem:$0x3FB5];
	_ =	sdelay $0x3  }
0x36: {  	p1 =	seq.s32 s10, $0x1;
	s10 =	sld [smem:$0x3FB6];
	_ =	sdelay $0x3  }
0x37: {  	[smem:$0x3FB6] =	sst s10  }
0x38: {  	s10 =	sld [smem:$0x3FB7]  }
0x39: {  	_ = 	snop;
	(pc) =	sbr.ind lr, $3  }
0x3a: {  	_ = 	snop  }
0x3b: {  	_ = 	snop  }
0x3c: {  	p2 =	seq.s32 s10, $0x1;
	s10 =	sld [smem:$0x3FB6]  }
0x3d: {  	_ =	shalt  }
0x3e: {  	_ =	shalt  }
0x3f: {  	_ =	shalt  }
0x40: {  	_ =	shalt  }
0x41: {  	_ =	shalt  }
0x42: {  	_ =	shalt  }
0x43: {  	_ =	shalt  }
0x44: {  	_ =	shalt  }
0x45: {  	_ =	shalt  }
0x46: {  	_ =	shalt  }
0x47: {  	_ =	shalt  }
0x48: {  	_ =	shalt  }
0x49: {  	_ =	shalt  }
0x4a: {  	_ =	shalt  }
0x4b: {  	_ =	shalt  }
0x4c: {  	_ =	shalt  }
0x4d: {  	_ =	shalt  }
0x4e: {  	_ =	shalt  }
0x4f: {  	_ =	shalt  }
0x50: {  	_ =	shalt  }
0x51: {  	_ =	shalt  }
0x52: {  	_ =	shalt  }
0x53: {  	_ =	shalt  }
0x54: {  	_ =	shalt  }
0x55: {  	_ =	shalt  }
0x56: {  	_ =	shalt  }
0x57: {  	_ =	shalt  }
0x58: {  	_ =	shalt  }
0x59: {  	_ =	shalt  }
0x5a: {  	_ =	shalt  }
0x5b: {  	_ =	shalt  }
0x5c: {  	_ =	shalt  }
0x5d: {  	_ =	shalt  }
0x5e: {  	_ =	shalt  }
0x5f: {  	_ =	shalt  }
0x60: {  	_ =	shalt  }
0x61: {  	_ =	shalt  }
0x62: {  	_ =	shalt  }
0x63: {  	_ =	shalt  }
0x64: {  	_ =	shalt  }
0x65: {  	_ =	shalt  }
0x66: {  	_ =	shalt  }
0x67: {  	_ =	shalt  }
0x68: {  	_ =	shalt  }
0x69: {  	_ =	shalt  }
0x6a: {  	_ =	shalt  }
0x6b: {  	_ =	shalt  }
0x6c: {  	_ =	shalt  }
0x6d: {  	_ =	shalt  }
0x6e: {  	_ =	shalt  }
0x6f: {  	_ =	shalt  }
0x70: {  	_ =	shalt  }
0x71: {  	_ =	shalt  }
0x72: {  	_ =	shalt  }
0x73: {  	_ =	shalt  }
0x74: {  	_ =	shalt  }
0x75: {  	_ =	shalt  }
0x76: {  	_ =	shalt  }
0x77: {  	_ =	shalt  }
0x78: {  	_ =	shalt  }
0x79: {  	_ =	shalt  }
0x7a: {  	_ =	shalt  }
0x7b: {  	_ =	shalt  }
0x7c: {  	_ =	shalt  }
0x7d: {  	_ =	shalt  }
0x7e: {  	_ =	shalt  }
0x7f: {  	_ =	shalt  }
0x80: {  	_ =	shalt  }
0x81: {  	_ =	shalt  }
0x82: {  	_ =	shalt  }
0x83: {  	_ =	shalt  }
0x84: {  	_ =	shalt  }
0x85: {  	_ =	shalt  }
0x86: {  	_ =	shalt  }
0x87: {  	_ =	shalt  }
.Lfunc_end0:
.L_simem_size_0:
called_computation_lowered:
.L_overlay_start_0:
0x88: {  	s2 =	sld [smem:$0x3FD9]  }
0x89: {  	s3 =	sld [smem:$0x3FFE];
	_ =	sdelay $0x1  }
0x8a: {  	s1 =	srdreg.scid  }
0x8b: {  	s0 =	sand.u32 $0x1, s1  }
0x8c: {  	s17 =	sshll.u32 s0, $0xA;
	s2 =	sadd.s32 s3, s2  }
0x8d: {  	s2 =	sadd.s32 s2, s17  }
0x8e: {  	[smem:$0x3FC2] =	sst s2  }
0x8f: {  	_ = 	snop  }
0x90: {  	s2 =	sld [smem:$0x3FC9]  }
0x91: {  	s18 =	sld [smem:$0x3FC8]  }
0x92: {  	s4 =	sld [smem:$0x3FC7]  }
0x93: {  	s5 =	sld [smem:$0x3FC6]  }
0x94: {  	s6 =	sld [smem:$0x3FC5]  }
0x95: {  	s7 =	sld [smem:$0x3FC4];
	(tm) =	ssettm $0x1  }
0x96: {  	s8 =	sld [smem:$0x3FFB];
	_ =	sdelay $0x3  }
0x97: {  	_ =	strace s8  }
0x98: {  	s8 =	sld [smem:$0x3FFC];
	_ =	sdelay $0x3  }
0x99: {  	_ =	strace s8  }
0x9a: {  	s8 =	sld [smem:$0x3FFD];
	_ =	sdelay $0x3  }
0x9b: {  	_ =	strace s8  }
0x9c: {  	_ =	strace $0x8FFFFFFF  }
0x9d: {  	s19 =	sld [smem:$0x3FDB];
	_ =	sdelay $0x1  }
0x9e: {  	s9 =	simm.s32 $_scs_section_size  }
0x9f: {  	s10 =	simm.s32 $_size__tile_overlayer_lowered;
	s11 =	simm.s32 $_tile_overlayer_lowered  }
0xa0: {  	s22 =	simm.s32 $0x1BFF;
	s21 =	sshll.u32 s11, $0x1;
	s8 =	sadd.s32 s9, s19  }
0xa1: {  	s12 =	simm.s32 $0x0;
	s20 =	sshll.u32 s10, $0x1;
	s10 =	sadd.s32 s21, s8  }
0xa2: {  	[timem:s12], [sflag:s22] =	dma.local [hbm:s10], s20  }
0xa3: {  	_ =	swait.ge [sflag:s22], s20  }
0xa4: {  	s9 =	ssub.s32 $0x0, s20;
	[sflag:s22] =	ssyncset.done $0x0  }
0xa5: {  	[sflag:s22] =	ssyncadd.s32 s9;
	_ =	sdelay $0x1  }
0xa6: {  	s23 =	simm.s32 $0x1B8B  }
0xa7: {  	_ =	swait.ge [sflag:s23], $0x1  }
0xa8: {  	[sflag:s23] =	ssyncset.done $0x0  }
0xa9: {  	s25 =	simm.s32 $0x1B8E;
	s24 =	sld [smem:$0x3FFE];
	[sflag:s23] =	ssyncadd.s32 $0xFFFFFFFF  }
0xaa: {  	s26 =	simm.s32 $execute0_lowered;
	[smem:$0x3FD2] =	sst s25  }
0xab: {  	s10 =	sshll.u32 s26, $0x1;
	_ =	strace $0x80000046;
	[dreg:$0x1] =	wrdreg $0xFFFFFFFF  }
0xac: {  	s28 =	simm.s32 $_size_execute0_lowered;
	s8 =	sadd.s32 s8, s10;
	[dreg:$0x0] =	wrdreg $0x0  }
0xad: {  	s10 =	sshll.u32 s28, $0x1;
	[dreg:$0x2] =	wrdreg s8  }
0xae: {  	[dreg:$0x3] =	wrdreg s10  }
0xaf: {  	[dreg:$0x4] =	wrdreg $0xC0  }
0xb0: {  	_ =	task [dreg:s12], $0x5FFFF  }
0xb1: {  	[dreg:$0x1] =	wrdreg $0xFFFFFFFF  }
0xb2: {  	[dreg:$0x0] =	wrdreg $0x60  }
0xb3: {  	[dreg:$0x2] =	wrdreg s2  }
0xb4: {  	[dreg:$0x3] =	wrdreg s18  }
0xb5: {  	[dreg:$0x4] =	wrdreg s4  }
0xb6: {  	[dreg:$0x5] =	wrdreg s5  }
0xb7: {  	[dreg:$0x6] =	wrdreg s6  }
0xb8: {  	[dreg:$0x7] =	wrdreg s7  }
0xb9: {  	[dreg:$0x8] =	wrdreg s24  }
0xba: {  	[dreg:$0x9] =	wrdreg $0x9  }
0xbb: {  	_ =	task.clear_ibuf [dreg:s12], $0xAFFFF;
	_ =	strace $0x90000046  }
0xbc: {  	s29 =	simm.s32 $0x9;
	_ =	strace $0x80000048  }
0xbd: {  	_ =	swait.ge [sflag:s29], $0x1  }
0xbe: {  	[sflag:s29] =	ssyncadd.s32 $0xFFFFFFFF  }
0xbf: {  	_ =	strace $0x90000048  }
0xc0: {  	_ =	sfence  }
0xc1: {  	s30 =	sld [smem:$0x0];
	_ =	sdelay $0x2  }
0xc2: {  	s31 =	sshll.u32 s1, $0xD;
	s1 =	sshrl.u32 s1, $0x2  }
0xc3: {  	s3 =	sand.u32 $0x4000, s31;
	s1 =	sadd.s32 s1, s30  }
0xc4: {  	s0 =	sor.u32 s3, s0;
	s1 =	sshll.u32 s1, $0x11  }
0xc5: {  	s0 =	sor.u32 s1, s0  }
0xc6: {  	s0 =	sadd.s32 $0x8F2B, s0  }
0xc7: {  	[sflag:s0] =	ssyncadd.remote.s32 $0x1  }
0xc8: {  	_ =	sfence.sel $0xFFFF  }
0xc9: {  	[dreg:$0x0] =	wrdreg $0xFFFFFFFF;
	(pc) =	sbr.abs _section_cstart, $3  }
0xca: {  	[dreg:$0x1] =	wrdreg $0xFFFFFFFF  }
0xcb: {  	_ =	task.clear_ibuf [dreg:s12], $0x2FFFF;
	_ =	strace $0x9FFFFFFF  }
0xcc: {  	(tm) =	ssettm $0x7FFFFFFF  }
0xcd: {  	_ =	shalt  }
tec
execute0_lowered:
.L_overlay_start_1:
0x0: {  	(tag) =	ssettag $0x1  }
0x1: {  	s0 =	rddreg [dreg:$0x0]  }
0x2: {  	s2 =	rddreg [dreg:$0x1]  }
0x3: {  	s1 =	rddreg [dreg:$0x2]  }
0x4: {  	s3 =	rddreg [dreg:$0x6]  }
0x5: {  	s4 =	srdreg.scid;
	s6 =	simm.s32 $0x0;
	s5 =	stileid.u32  }
0x6: {  	s14 =	simm.s32 $0x8400;
	s16 =	simm.s32 $0x6;
	s19 =	simm.s32 $0x80  }
0x7: {  	s22 =	simm.s32 $0x3;
	s23 =	simm.s32 $0x1;
	s26 =	simm.s32 $0x2  }
0x8: {  	s30 =	simm.s32 $0x4;
	s31 =	simm.s32 $0x5;
	s4 =	sand.u32 $0x1, s4  }
0x9: {  	[smem:$0x7FF] =	sst s6;
	s5 =	sshll.u32 s5, $0xA;
	s7 =	sshll.u32 s4, $0x9  }
0xa: {  	_ =	strace $0x80000047;
	s4 =	ssub.s32 $0x2, s4;
	s5 =	sor.u32 s7, s5  }
0xb: {  	s8 =	sshrl.u32 s4, $0x1;
	s7 =	sshll.u32 s5, $0x4;
	s5 =	sshrl.u32 s5, $0x3  }
0xc: {  	s4 =	ssub.s32 s4, s8;
	s3 =	sadd.s32 s7, s3;
	s2 =	sadd.s32 s2, s5  }
0xd: {  	s0 =	sadd.s32 s0, s5;
	s13 =	smax.u32 s4, $0x1;
	[dreg:$0x8] =	wrdreg s2  }
0xe: {  	v0 =	vlaneseq.u32;
	[dreg:$0x9] =	wrdreg s0;
	s9 =	sadd.s32 $0x400, s3;
	s10 =	sadd.s32 $0xC00, s3  }
0xf: {  	v1 =	vor.u32 $0x10, v0;
	v2 =	vor.u32 $0x20, v0;
	v3 =	vor.u32 $0x30, v0;
	s11 =	sadd.s32 $0x1400, s3;
	s12 =	sadd.s32 $0x1C00, s3;
	s0 =	simm.s32 $0x0  }
.LBB2_1:
0x10: {  	s2 =	rddreg [dreg:$0x3]  }
0x11: {  	[tilespmem:s14], [sflag:$0x3] =	stream.linear.gather [hbm4b:s2+s6], $0x8000, $0x38;
	[tilespmem:$0x18500] =	vst v63  }
0x12: {  	s29 =	rddreg [dreg:$0x8];
	s3 =	simm.s32 $0x200  }
0x13: {  	[tilespmem:s3], [sflag:$0x3] =	stream.linear.gather [hbm4b:s29+s6], $0x200, $0x38;
	[tilespmem:$0x18500] =	vst v63  }
0x14: {  	s4 =	rddreg [dreg:$0x9]  }
0x15: {  	[tilespmem:s6], [sflag:$0x6] =	stream.linear.gather [hbm4b:s4+s6], $0x200, $0x38;
	[tilespmem:$0x18500] =	vst v63  }
0x16: {  	_ =	swait.ge [sflag:s16], $0x200  }
0x17: {  	[sflag:s16] =	ssyncset.done $0x0  }
0x18: {  	[sflag:s16] =	ssyncadd.s32 $0xFFFFFE00  }
0x19: {  	s7 =	simm.s32 $0x18400;
	s5 =	rddreg [dreg:$0x4]  }
0x1a: {  	[tilespmem:s7], [sflag:$0x6] =	stream.linear.gather [hbm4b:s5+s6], $0x80, $0x38;
	[tilespmem:$0x18500] =	vst v63  }
0x1b: {  	_ =	swait.ge [sflag:s16], $0x80  }
0x1c: {  	[sflag:s16] =	ssyncset.done $0x0  }
0x1d: {  	[sflag:s16] =	ssyncadd.s32 $0xFFFFFF80  }
0x1e: {  	s15 =	simm.s32 $0x18480;
	s8 =	rddreg [dreg:$0x5]  }
0x1f: {  	[tilespmem:s15], [sflag:$0x6] =	stream.linear.gather [hbm4b:s8+s6], $0x80, $0x38;
	[tilespmem:$0x18500] =	vst v63  }
0x20: {  	_ =	swait.ge [sflag:s16], $0x80  }
0x21: {  	[sflag:s16] =	ssyncset.done $0x0  }
0x22: {  	[sflag:s16] =	ssyncadd.s32 $0xFFFFFF80  }
0x23: {  	v11 =	vld [tilespmem:$0x18400]  }
0x24: {  	v7 =	vld [tilespmem:$0x18410]  }
0x25: {  	v10 =	vld [tilespmem:$0x18420]  }
0x26: {  	v6 =	vld [tilespmem:$0x18430]  }
0x27: {  	v9 =	vld [tilespmem:$0x18480]  }
0x28: {  	v4 =	vld [tilespmem:$0x18490]  }
0x29: {  	s17 =	simm.s32 $0x400;
	v8 =	vld [tilespmem:$0x184A0]  }
0x2a: {  	v5 =	vld [tilespmem:$0x184B0];
	[tilespmem:s17], [sflag:$0x1] =	stream.indirect.gather [hbm4b:s1+s19], $0x80, s6, s19, $0xb8  }
0x2b: {  	s18 =	simm.s32 $0x4400  }
0x2c: {  	[tilespmem:s18], [sflag:$0x2] =	stream.indirect.gather [hbm4b:s1+s19], $0x80, s19, s19, $0xb8;
	[tilespmem:$0x18500] =	vst v63  }
0x2d: {  	_ =	swait.ge [sflag:s22], $0x8000  }
0x2e: {  	[sflag:s22] =	ssyncset.done $0x0  }
0x2f: {  	[sflag:s22] =	ssyncadd.s32 $0xFFFF8000  }
0x30: {  	_ =	swait.ge [sflag:s22], $0x200  }
0x31: {  	[sflag:s22] =	ssyncset.done $0x0  }
0x32: {  	[sflag:s22] =	ssyncadd.s32 $0xFFFFFE00  }
0x33: {  	_ =	swait.ge [sflag:s23], $0x4000  }
0x34: {  	s20 =	simm.s32 $0x0;
	[sflag:s23] =	ssyncset.done $0x0  }
0x35: {  	s21 =	sand.u32 $0x70, s20;
	[sflag:s23] =	ssyncadd.s32 $0xFFFFC000  }
0x36: {  	s24 =	simm.s32 $0x500;
	v12 =	vld [tilespmem:s21+$0x200]  }
0x37: {  	v14 =	vld [tilespmem:s24+$0x0]  }
0x38: {  	v15 =	vld [tilespmem:s24+$0xB0]  }
0x39: {  	s3 =	sand.u32 $0xC, s20;
	v16 =	vld [tilespmem:s24+$0xA0]  }
0x3a: {  	s25 =	simm.s32 $0x1;
	v13 =	vmov s3;
	v18 =	vld [tilespmem:s24+$0x80]  }
0x3b: {  	s3 =	sand.u32 $0xD, s25;
	v21 =	vld [tilespmem:s24+$0x90];
	v13 =	vperm.xlane v12, v13  }
0x3c: {  	v19 =	vmov s3;
	v23 =	vld [tilespmem:s24+$0xFFFFFF00]  }
0x3d: {  	v24 =	vld [tilespmem:s24+$0xFFFFFF10];
	v19 =	vperm.xlane v12, v19;
	v13 =	vshll.u32 v13, $0x6  }
0x3e: {  	s4 =	simm.s32 $0x3;
	v26 =	vld [tilespmem:s24+$0xFFFFFF20];
	v20 =	vor.u32 v3, v13  }
0x3f: {  	v17 =	vmov s4;
	v27 =	vld [tilespmem:s24+$0xFFFFFF30];
	v19 =	vshll.u32 v19, $0x6;
	v22 =	vor.u32 v0, v13  }
0x40: {  	v31 =	vld [tilespmem:s24+$0xFFFFFF90];
	v17 =	vperm.xlane v12, v17;
	v28 =	vor.u32 v0, v19  }
0x41: {  	v38 =	vld [tilespmem:s24+$0xFFFFFF80];
	v29 =	vor.u32 v2, v13  }
0x42: {  	s28 =	simm.s32 $0x2;
	v60 =	vld [tilespmem:s24+$0x30];
	v17 =	vshll.u32 v17, $0x6;
	v13 =	vor.u32 v1, v13  }
0x43: {  	s3 =	sand.u32 $0xE, s28;
	v25 =	vor.u32 v0, v17;
	v20 =	vld.idx.msk [tilespmem:v20+s14+$0x0], $0xffff  }
0x44: {  	v32 =	vmov s3;
	v30 =	vor.u32 v2, v17;
	v22 =	vld.idx.msk [tilespmem:v22+s14+$0x0], $0xffff  }
0x45: {  	v12 =	vperm.xlane v12, v32;
	v33 =	vor.u32 v1, v19;
	v36 =	vld.idx.msk [tilespmem:v28+s14+$0x0], $0xffff  }
0x46: {  	v28 =	vld.idx.msk [tilespmem:v29+s14+$0x0], $0xffff;
	v29 =	vor.u32 v1, v17  }
0x47: {  	v12 =	vshll.u32 v12, $0x6;
	v17 =	vor.u32 v3, v17;
	v13 =	vld.idx.msk [tilespmem:v13+s14+$0x0], $0xffff  }
0x48: {  	v37 =	vor.u32 v1, v12;
	v25 =	vld.idx.msk [tilespmem:v25+s14+$0x0], $0xffff  }
0x49: {  	v30 =	vld.idx.msk [tilespmem:v30+s14+$0x0], $0xffff  }
0x4a: {  	v39 =	vor.u32 v3, v12;
	v41 =	vor.u32 v2, v12;
	v40 =	vld.idx.msk [tilespmem:v33+s14+$0x0], $0xffff  }
0x4b: {  	v12 =	vor.u32 v0, v12;
	v32 =	vadd.f32 v20, v27;
	v35 =	vadd.f32 v22, v23;
	v20 =	vld.idx.msk [tilespmem:v29+s14+$0x0], $0xffff  }
0x4c: {  	v33 =	vadd.f32 v28, v26;
	v34 =	vadd.f32 v13, v24;
	v13 =	vld.idx.msk [tilespmem:v17+s14+$0x0], $0xffff  }
0x4d: {  	v37 =	vld.idx.msk [tilespmem:v37+s14+$0x0], $0xffff;
	v28 =	vadd.f32 v25, v18;
	v17 =	vmul.f32 v32, v32;
	v22 =	vmul.f32 v35, v35  }
0x4e: {  	v23 =	vld [tilespmem:s24+$0x20];
	v18 =	vor.u32 v3, v19;
	v24 =	vmul.f32 v33, v33;
	v27 =	vmul.f32 v34, v34  }
0x4f: {  	v26 =	vadd.f32 v30, v16;
	v16 =	vld.idx.msk [tilespmem:v39+s14+$0x0], $0xffff;
	v19 =	vor.u32 v2, v19  }
0x50: {  	v25 =	vld.idx.msk [tilespmem:v12+s14+$0x0], $0xffff;
	v17 =	vadd.f32 v17, v24;
	v22 =	vadd.f32 v27, v22  }
0x51: {  	v24 =	vld.idx.msk [tilespmem:v41+s14+$0x0], $0xffff;
	v29 =	vadd.f32 v20, v21;
	v27 =	vadd.f32 v13, v15  }
0x52: {  	v12 =	vmul.f32 v28, v28;
	v13 =	vld [tilespmem:s24+$0x10];
	v15 =	vadd.f32 v17, v22  }
0x53: {  	v30 =	vmul.f32 v26, v26;
	v18 =	vld.idx.msk [tilespmem:v18+s14+$0x0], $0xffff;
	v17 =	vadd.f32 v29, v28;
	v21 =	vadd.f32 v27, v26  }
0x54: {  	v36 =	vadd.f32 v36, v38;
	v19 =	vld.idx.msk [tilespmem:v19+s14+$0x0], $0xffff;
	v20 =	vmul.f32 v29, v29;
	v59 =	vmul.f32 v27, v27  }
0x55: {  	v39 =	vadd.f32 v40, v31;
	v22 =	vld [tilespmem:s24+$0xFFFFFFB0];
	(xrf2) =	vadd.scan.msk.f32 $0xffff, v15;
	v15 =	vadd.f32 v21, v17  }
0x56: {  	v12 =	vadd.f32 v20, v12;
	v17 =	vadd.f32 v59, v30;
	v21 =	vld [tilespmem:s24+$0xFFFFFFA0]  }
0x57: {  	v14 =	vadd.f32 v25, v14;
	(xrf2) =	vadd.scan.msk.f32 $0xffff, v15;
	v15 =	vadd.f32 v24, v23  }
0x58: {  	v17 =	vadd.f32 v17, v12;
	v12 =	vadd.f32 v37, v13  }
0x59: {  	v20 =	vmul.f32 v39, v39;
	v13 =	vadd.f32 v16, v60;
	v23 =	vmul.f32 v15, v15  }
0x5a: {  	v41 =	vadd.f32 v18, v22;
	(xrf2) =	vadd.scan.msk.f32 $0xffff, v17;
	v16 =	vmul.f32 v12, v12;
	v17 =	vmul.f32 v14, v14  }
0x5b: {  	v24 =	vadd.f32 v12, v14;
	v25 =	vmul.f32 v13, v13;
	v40 =	vadd.f32 v19, v21  }
0x5c: {  	v30 =	vmul.f32 v36, v36;
	v16 =	vadd.f32 v16, v17;
	v17 =	vadd.f32 v13, v15  }
0x5d: {  	v22 =	vmul.f32 v41, v41;
	v18 =	vadd.f32 v25, v23;
	v21 =	vmul.f32 v40, v40  }
0x5e: {  	v20 =	vadd.f32 v20, v30;
	v17 =	vadd.f32 v17, v24  }
0x5f: {  	v16 =	vadd.f32 v18, v16;
	v19, _, _ =	vpop (xrf2);
	v18 =	vadd.f32 v22, v21  }
0x60: {  	v21 =	vadd.f32 v41, v40;
	(v2sf) =	vpush v19, $0xF  }
0x61: {  	v19 =	vadd.f32 v39, v36;
	(xrf2) =	vadd.scan.msk.f32 $0xffff, v17;
	v17 =	vadd.f32 v18, v20;
	v22, _, _ =	vpop (xrf2)  }
0x62: {  	(v2sf) =	vpush v22, $0xF  }
0x63: {  	(xrf2) =	vadd.scan.msk.f32 $0xffff, v16;
	v16 =	vadd.f32 v21, v19  }
0x64: {  	(xrf2) =	vadd.scan.msk.f32 $0xffff, v17  }
0x65: {  	v17, _, _ =	vpop (xrf2);
	(xrf2) =	vadd.scan.msk.f32 $0xffff, v16  }
0x66: {  	(v2sf) =	vpush v17, $0xF  }
0x67: {  	v16 =	vadd.f32 v32, v33;
	v17 =	vadd.f32 v34, v35  }
0x68: {  	s5 =	simm.s32 $0x4  }
0x69: {  	s29 =	sand.u32 $0x70, s5;
	v16 =	vadd.f32 v16, v17  }
0x6a: {  	v17 =	vld [tilespmem:s29+$0x200];
	_ =	sdelay $0x1  }
0x6b: {  	v18, _, _ =	vpop (xrf2)  }
0x6c: {  	s2 =	simm.s32 $0x700;
	s3 =	sand.u32 $0xC, s5;
	(xrf2) =	vadd.scan.msk.f32 $0xffff, v16;
	v16, _, _ =	vpop (xrf2)  }
0x6d: {  	v42 =	vld [tilespmem:s2+$0xFFFFFF30];
	v19 =	vmov s3;
	(v2sf) =	vpush v18, $0xF;
	v18, _, _ =	vpop (xrf2)  }
0x6e: {  	v45 =	vld [tilespmem:s2+$0xFFFFFF90];
	(v2sf) =	vpush v16, $0xF;
	v19 =	vperm.xlane v17, v19;
	v16, _, _ =	vpop (xrf2)  }
0x6f: {  	v51 =	vld [tilespmem:s2+$0xFFFFFF80];
	s18 =	spop (v2sf);
	(v2sf) =	vpush v16, $0xF  }
0x70: {  	s7 =	simm.s32 $0x7;
	v30 =	vld [tilespmem:s2+$0xFFFFFF10];
	s15 =	spop (v2sf);
	(v2sf) =	vpush v18, $0xF;
	v18 =	vshll.u32 v19, $0x6  }
0x71: {  	v37 =	vld [tilespmem:s2+$0xFFFFFF20];
	v16 =	vmov s7;
	v22 =	vor.u32 v3, v18  }
0x72: {  	s4 =	simm.s32 $0x5;
	v60 =	vld [tilespmem:s2+$0x90];
	v16 =	vperm.xlane v17, v16;
	s17 =	smul.f32 $1.562500000e-02, s15;
	v23 =	vor.u32 v0, v18  }
0x73: {  	v25 =	vld [tilespmem:s2+$0xFFFFFF00];
	s3 =	sand.u32 $0xD, s4;
	v62 =	vor.u32 v2, v18  }
0x74: {  	v20 =	vld [tilespmem:s2+$0xA0];
	v19 =	vmov s3;
	v16 =	vshll.u32 v16, $0x6;
	v18 =	vor.u32 v1, v18;
	s8 =	smul.f32 s17, s17;
	s15 =	spop (v2sf)  }
0x75: {  	v21 =	vld [tilespmem:s2+$0x80];
	v19 =	vperm.xlane v17, v19;
	v31 =	vor.u32 v0, v16;
	s4 =	smul.f32 $1.562500000e-02, s15  }
0x76: {  	s20 =	simm.s32 $0x6;
	v44 =	vor.u32 v2, v16;
	v22 =	vld.idx.msk [tilespmem:v22+s14+$0x0], $0xffff  }
0x77: {  	v61, _, _ =	vpop (xrf2);
	v19 =	vshll.u32 v19, $0x6;
	s3 =	ssub.f32 s4, s8;
	v23 =	vld.idx.msk [tilespmem:v23+s14+$0x0], $0xffff;
	s4 =	sand.u32 $0xE, s20  }
0x78: {  	(v2sf) =	vpush v61, $0xF;
	v43 =	vor.u32 v0, v19;
	v38 =	vld.idx.msk [tilespmem:v62+s14+$0x0], $0xffff;
	v46 =	vmov s4  }
0x79: {  	v63 =	vor.u32 v1, v16;
	v49 =	vld.idx.msk [tilespmem:v18+s14+$0x0], $0xffff;
	v17 =	vperm.xlane v17, v46  }
0x7a: {  	v47 =	vor.u32 v1, v19;
	v31 =	vld.idx.msk [tilespmem:v31+s14+$0x0], $0xffff  }
0x7b: {  	v48 =	vor.u32 v3, v16;
	v44 =	vld.idx.msk [tilespmem:v44+s14+$0x0], $0xffff;
	v17 =	vshll.u32 v17, $0x6  }
0x7c: {  	v24 =	vld [tilespmem:s2+$0xB0];
	v55 =	vor.u32 v2, v19;
	v56 =	vor.u32 v3, v19;
	s3 =	sadd.f32 $9.999999740e-06, s3;
	v50 =	vor.u32 v0, v17  }
0x7d: {  	v43 =	vld.idx.msk [tilespmem:v43+s14+$0x0], $0xffff;
	v52 =	vor.u32 v1, v17;
	v53 =	vor.u32 v2, v17;
	v16 =	vadd.f32 v22, v42  }
0x7e: {  	v61 =	vld.idx.msk [tilespmem:v63+s14+$0x0], $0xffff;
	s21 =	sshra.s32 s3, $0x1;
	s3 =	smul.f32 $5.000000000e-01, s3;
	v54 =	vor.u32 v3, v17;
	v17 =	vadd.f32 v23, v25;
	v18 =	vadd.f32 v38, v37  }
0x7f: {  	s20 =	ssub.s32 $0x5F3759DF, s21;
	v42 =	vld.idx.msk [tilespmem:v47+s14+$0x0], $0xffff;
	v19 =	vadd.f32 v49, v30;
	v23 =	vadd.f32 v31, v21;
	v25 =	vmul.f32 v16, v16  }
0x80: {  	s15 =	spop (v2sf);
	v30 =	vld.idx.msk [tilespmem:v48+s14+$0x0], $0xffff;
	s24 =	smul.f32 s20, s3;
	v22 =	vadd.f32 v44, v20;
	v31 =	vmul.f32 v17, v17;
	v62 =	vmul.f32 v18, v18  }
0x81: {  	s18 =	smul.f32 $1.562500000e-02, s18;
	v38 =	vld [tilespmem:s2+$0x0];
	s3 =	spop (v2sf);
	v63 =	vadd.f32 v16, v18;
	v57 =	vmul.f32 v19, v19;
	v49 =	vadd.f32 v19, v17  }
0x82: {  	v44 =	vld [tilespmem:s2+$0x20];
	s25 =	spop (v2sf);
	s21 =	smul.f32 s20, s24;
	v20 =	vadd.f32 v43, v51;
	v43 =	vadd.f32 v25, v62  }
0x83: {  	s4 =	smul.f32 $1.562500000e-02, s25;
	s24 =	spop (v2sf);
	v25 =	vadd.f32 v61, v60;
	v31 =	vadd.f32 v57, v31;
	v61 =	vld [tilespmem:s2+$0x10]  }
0x84: {  	v58 =	vmul.f32 v23, v23;
	v37 =	vadd.f32 v63, v49;
	s24 =	smul.f32 $1.562500000e-02, s24;
	s21 =	ssub.f32 $1.500000000e+00, s21;
	v21 =	vadd.f32 v42, v45;
	v42 =	vld.idx.msk [tilespmem:v52+s14+$0x0], $0xffff  }
0x85: {  	s25 =	smul.f32 s4, s4;
	v51 =	vld.idx.msk [tilespmem:v53+s14+$0x0], $0xffff;
	v60 =	vmul.f32 v20, v20;
	v24 =	vadd.f32 v30, v24;
	v62 =	vmul.f32 v25, v25  }
0x86: {  	s29 =	ssub.f32 $0.0e+00, s17;
	v30 =	vld.idx.msk [tilespmem:v50+s14+$0x0], $0xffff;
	v48 =	vadd.f32 v25, v23;
	v31 =	vadd.f32 v43, v31;
	s20 =	smul.f32 s20, s21;
	v59 =	vmul.f32 v21, v21  }
0x87: {  	v47 =	vld.idx.msk [tilespmem:v56+s14+$0x0], $0xffff;
	s24 =	ssub.f32 s24, s25;
	s28 =	spop (v2sf);
	v57 =	vadd.f32 v24, v22;
	v45 =	vadd.f32 v62, v58  }
0x88: {  	v43 =	vld.idx.msk [tilespmem:v54+s14+$0x0], $0xffff;
	s17 =	smul.f32 $1.562500000e-02, s28;
	v46 =	vadd.f32 v59, v60;
	v63 =	vmul.f32 s20, v28;
	v58 =	vmul.f32 s20, v29  }
0x89: {  	(xrf2) =	vadd.scan.msk.f32 $0xffff, v31;
	s24 =	sadd.f32 $9.999999740e-06, s24;
	s29 =	smul.f32 s20, s29;
	v59 =	vmul.f32 v22, v22;
	v60 =	vmul.f32 v24, v24;
	v48 =	vadd.f32 v57, v48  }
0x8a: {  	v31 =	vld [tilespmem:s2+$0x30];
	v26 =	vmul.f32 s20, v26;
	s8 =	smul.f32 s17, s17;
	v28 =	vadd.f32 v51, v44;
	v29 =	vadd.f32 v42, v61  }
0x8b: {  	v52 =	vld [tilespmem:s2+$0xFFFFFFA0];
	v27 =	vmul.f32 s20, v27;
	v30 =	vadd.f32 v30, v38;
	s7 =	sshra.s32 s24, $0x1;
	s24 =	smul.f32 $5.000000000e-01, s24;
	v61 =	vadd.f32 s29, v63  }
0x8c: {  	s3 =	smul.f32 $1.562500000e-02, s3;
	v51 =	vld.idx.msk [tilespmem:v55+s14+$0x0], $0xffff;
	v44 =	vadd.f32 v60, v59;
	v49 =	vadd.f32 s29, v58;
	s21 =	ssub.s32 $0x5F3759DF, s7;
	s18 =	ssub.f32 s18, s8  }
0x8d: {  	v53 =	vld [tilespmem:s2+$0xFFFFFFB0];
	v38 =	vadd.f32 s29, v26;
	v56 =	vadd.f32 s29, v27;
	v62 =	vmul.f32 v29, v29;
	s24 =	smul.f32 s21, s24  }
0x8e: {  	s25 =	smul.f32 $1.562500000e-02, s15;
	(xrf2) =	vadd.scan.msk.f32 $0xffff, v48;
	v63 =	vmul.f32 v30, v30;
	v57 =	vadd.f32 v29, v30;
	v27 =	vmul.f32 v61, v11;
	s28 =	sadd.f32 $9.999999740e-06, s18  }
0x8f: {  	v50 =	vmul.f32 v28, v28;
	v26 =	vadd.f32 v44, v45;
	v31 =	vadd.f32 v43, v31;
	s24 =	smul.f32 s21, s24  }
0x90: {  	v58 =	vmul.f32 v49, v7;
	v59 =	vadd.f32 v62, v63;
	v60 =	vadd.f32 v27, v9;
	s18 =	sshra.s32 s28, $0x1;
	s15 =	smul.f32 $5.000000000e-01, s28  }
0x91: {  	s7 =	smul.f32 s25, s25;
	v61 =	vadd.f32 v31, v28;
	v62 =	vmul.f32 v31, v31;
	(xrf2) =	vadd.scan.msk.f32 $0xffff, v26;
	v26 =	vadd.f32 v51, v52;
	s24 =	ssub.f32 $1.500000000e+00, s24;
	s8 =	ssub.s32 $0x5F3759DF, s18  }
0x92: {  	s4 =	ssub.f32 $0.0e+00, s4;
	v27 =	vadd.f32 v47, v53;
	v43 =	vadd.f32 v58, v4;
	s15 =	smul.f32 s8, s15  }
0x93: {  	s3 =	ssub.f32 s3, s7;
	v63 =	vadd.f32 v62, v50;
	v42 =	vadd.f32 v61, v57;
	v52, _, _ =	vpop (xrf2);
	s20 =	smul.f32 s21, s24  }
0x94: {  	v53 =	vmul.f32 v26, v26;
	v54 =	vmul.f32 v27, v27;
	(v2sf) =	vpush v52, $0xF;
	s15 =	smul.f32 s8, s15  }
0x95: {  	v58 =	vadd.f32 v21, v20;
	s21 =	sadd.f32 $9.999999740e-06, s3;
	v44 =	vadd.f32 v63, v59;
	(xrf2) =	vadd.scan.msk.f32 $0xffff, v42;
	v41 =	vmul.f32 s20, v41;
	s18 =	smul.f32 s20, s4  }
0x96: {  	v55 =	vadd.f32 v54, v53;
	s3 =	simm.s32 $0x10500;
	v59 =	vadd.f32 v27, v26;
	v40 =	vmul.f32 s20, v40;
	s15 =	ssub.f32 $1.500000000e+00, s15  }
0x97: {  	[tilespmem:s3+$0x80] =	vst v60;
	v57 =	vmul.f32 s20, v36;
	v39 =	vmul.f32 s20, v39;
	s28 =	sshra.s32 s21, $0x1;
	s29 =	smul.f32 $5.000000000e-01, s21;
	v41 =	vadd.f32 s18, v41  }
0x98: {  	s17 =	ssub.f32 $0.0e+00, s17;
	v36 =	vmul.f32 v56, v6;
	v46 =	vadd.f32 v55, v46;
	v60, _, _ =	vpop (xrf2);
	(xrf2) =	vadd.scan.msk.f32 $0xffff, v44;
	v40 =	vadd.f32 s18, v40;
	s4 =	smul.f32 s8, s15;
	s15 =	ssub.s32 $0x5F3759DF, s28  }
0x99: {  	v45 =	vadd.f32 v59, v58;
	(v2sf) =	vpush v60, $0xF;
	v61 =	vmul.f32 v41, v6;
	s21 =	smul.f32 s15, s29  }
0x9a: {  	[tilespmem:s3+$0x90] =	vst v43;
	v42 =	vmul.f32 v40, v10;
	v40 =	vadd.f32 s18, v57;
	v62 =	vmul.f32 s4, v35;
	s20 =	smul.f32 s4, s17  }
0x9b: {  	(xrf2) =	vadd.scan.msk.f32 $0xffff, v46;
	v63, _, _ =	vpop (xrf2);
	v43 =	vmul.f32 s4, v33;
	v44 =	vmul.f32 s4, v32;
	v35 =	vadd.f32 v61, v5  }
0x9c: {  	v41 =	vmul.f32 s4, v34;
	s17 =	ssub.f32 $0.0e+00, s25;
	(v2sf) =	vpush v63, $0xF;
	s4 =	simm.s32 $0x10500;
	s25 =	smul.f32 s15, s21;
	v33 =	vadd.f32 s20, v62  }
.LBB2_2:
0x9d: {  	v32 =	vadd.f32 s20, v43;
	v34 =	vadd.f32 s20, v44;
	v40 =	vmul.f32 v40, v11;
	[tilespmem:s3+$0xFFFFFFB0] =	vst v35;
	s4 =	sadd.s32 $0x200, s4;
	s21 =	smov.u32 s5;
	s5 =	sadd.s32 $0x4, s5  }
0x9e: {  	v35 =	vadd.f32 s20, v41;
	v41 =	vadd.f32 v42, v8;
	s24 =	sand.u32 $0x70, s5;
	s29 =	sand.u32 $0xC, s5;
	p0 =	slt.u32 s5, $0x7C;
	(xrf2) =	vadd.scan.msk.f32 $0xffff, v45;
	v33 =	vmul.f32 v33, v11  }
0x9f: {  	v42 =	vld [tilespmem:s24+$0x200];
	v43, _, _ =	vpop (xrf2);
	v32 =	vmul.f32 v32, v10;
	v34 =	vmul.f32 v34, v6;
	v40 =	vadd.f32 v40, v9  }
0xa0: {  	v35 =	vmul.f32 v35, v7;
	(v2sf) =	vpush v43, $0xF;
	v33 =	vadd.f32 v33, v9;
	[tilespmem:s3+$0xFFFFFFA0] =	vst v41  }
0xa1: {  	s2 =	sadd.s32 $0x200, s2;
	s20 =	sadd.s32 $0x5, s21;
	(xrf2) =	vadd.scan.msk.f32 $0xffff, v37;
	v32 =	vadd.f32 v32, v8;
	v34 =	vadd.f32 v34, v5;
	[tilespmem:s3+$0xFFFFFF80] =	vst v40  }
0xa2: {  	v39 =	vadd.f32 s18, v39;
	s25 =	ssub.f32 $1.500000000e+00, s25;
	s20 =	sand.u32 $0xD, s20;
	s24 =	sadd.s32 $0x6, s21;
	v35 =	vadd.f32 v35, v4;
	v40 =	vmul.f32 v38, v10;
	v37, _, _ =	vpop (xrf2);
	[tilespmem:s3+$0xFFFFFF00] =	vst v33  }
0xa3: {  	s21 =	sadd.s32 $0x7, s21;
	v41 =	vmov s20;
	s20 =	sand.u32 $0xE, s24;
	v38 =	vmov s29;
	v33 =	vld [tilespmem:s2+$0x0];
	s18 =	spop (v2sf);
	(v2sf) =	vpush v37, $0xF  }
0xa4: {  	v37 =	vperm.xlane v42, v38;
	v41 =	vperm.xlane v42, v41;
	v38 =	vld [tilespmem:s2+$0xB0];
	s18 =	smul.f32 $1.562500000e-02, s18;
	[tilespmem:s3+$0xFFFFFF30] =	vst v34;
	v34 =	vadd.f32 v40, v8  }
0xa5: {  	s15 =	smul.f32 s15, s25;
	v43 =	vmov s21;
	v40 =	vmov s20;
	v44 =	vld [tilespmem:s2+$0xA0];
	v45, _, _ =	vpop (xrf2);
	[tilespmem:s3+$0xFFFFFF10] =	vst v35;
	v35 =	vmul.f32 v39, v7  }
0xa6: {  	v43 =	vperm.xlane v42, v43;
	v39 =	vshll.u32 v37, $0x6;
	v41 =	vshll.u32 v41, $0x6;
	v46 =	vld [tilespmem:s2+$0x80];
	[tilespmem:s3+$0xFFFFFF20] =	vst v32  }
0xa7: {  	v48 =	vmul.f32 s15, v13;
	v13 =	vmovc v31;
	s20 =	smul.f32 s15, s17;
	v32 =	vor.u32 v0, v39;
	v47 =	vor.u32 v3, v39;
	v37 =	vld [tilespmem:s2+$0x90];
	[tilespmem:s3+$0xA0] =	vst v34  }
0xa8: {  	v31 =	vperm.xlane v42, v40;
	v40 =	vshll.u32 v43, $0x6;
	v43 =	vmul.f32 s15, v15;
	v34 =	vld [tilespmem:s2+$0xFFFFFF00];
	v42, _, _ =	vpop (xrf2);
	s17 =	spop (v2sf)  }
0xa9: {  	v52 =	vmul.f32 s15, v12;
	v12 =	vmovc v29;
	v15 =	vmovc v28;
	v50 =	vor.u32 v1, v39;
	v51 =	vor.u32 v0, v40;
	v49 =	vld [tilespmem:s2+$0xFFFFFF10];
	s29 =	smul.f32 $1.562500000e-02, s17  }
0xaa: {  	v54 =	vmul.f32 s15, v14;
	v14 =	vmovc v30;
	v29 =	vor.u32 v2, v40;
	v53 =	vor.u32 v3, v40;
	v28 =	vld [tilespmem:s2+$0xFFFFFF20]  }
0xab: {  	v30 =	vor.u32 v2, v39;
	v55 =	vor.u32 v1, v41;
	v39 =	vld [tilespmem:s2+$0xFFFFFF30];
	s15 =	smul.f32 s29, s29;
	v56, _, _ =	vpop (xrf2);
	(v2sf) =	vpush v42, $0xF;
	s17 =	spop (v2sf)  }
0xac: {  	v31 =	vshll.u32 v31, $0x6;
	v42 =	vld.idx.msk [tilespmem:v47+s14+$0x0], $0xffff;
	v47 =	vor.u32 v0, v41;
	s17 =	smul.f32 $1.562500000e-02, s17;
	(v2sf) =	vpush v45, $0xF  }
0xad: {  	v57 =	vor.u32 v0, v31;
	v58 =	vor.u32 v1, v31;
	v45 =	vld.idx.msk [tilespmem:v32+s14+$0x0], $0xffff;
	v32 =	vadd.f32 s20, v43  }
0xae: {  	v48 =	vadd.f32 s20, v48;
	v59 =	vor.u32 v3, v31;
	v43 =	vor.u32 v2, v31;
	s15 =	ssub.f32 s17, s15  }
0xaf: {  	v54 =	vadd.f32 s20, v54;
	v60 =	vld [tilespmem:s2+$0xFFFFFF90];
	(v2sf) =	vpush v56, $0xF;
	s17 =	spop (v2sf);
	v56 =	vmul.f32 v32, v10  }
0xb0: {  	v52 =	vadd.f32 s20, v52;
	v48 =	vmul.f32 v48, v6;
	v31 =	vor.u32 v2, v41;
	v51 =	vld.idx.msk [tilespmem:v51+s14+$0x0], $0xffff;
	s17 =	smul.f32 $1.562500000e-02, s17  }
0xb1: {  	v35 =	vadd.f32 v35, v4;
	v54 =	vmul.f32 v54, v11;
	v41 =	vor.u32 v3, v41;
	s15 =	sadd.f32 $9.999999740e-06, s15;
	v47 =	vld.idx.msk [tilespmem:v47+s14+$0x0], $0xffff  }
0xb2: {  	v36 =	vadd.f32 v36, v5;
	v32 =	vadd.f32 v42, v39;
	v39 =	vmul.f32 v52, v7;
	v30 =	vld.idx.msk [tilespmem:v30+s14+$0x0], $0xffff;
	s20 =	smul.f32 s17, s17;
	s21 =	spop (v2sf)  }
0xb3: {  	v40 =	vor.u32 v1, v40;
	v42 =	vadd.f32 v54, v9;
	v52 =	vadd.f32 v56, v8;
	s24 =	sshra.s32 s15, $0x1;
	s15 =	smul.f32 $5.000000000e-01, s15;
	v29 =	vld.idx.msk [tilespmem:v29+s14+$0x0], $0xffff  }
0xb4: {  	v48 =	vadd.f32 v48, v5;
	s21 =	smul.f32 $1.562500000e-02, s21;
	s24 =	ssub.s32 $0x5F3759DF, s24;
	v39 =	vadd.f32 v39, v4;
	v50 =	vld.idx.msk [tilespmem:v50+s14+$0x0], $0xffff;
	[tilespmem:s3+$0xFFFFFF90] =	vst v35  }
0xb5: {  	s15 =	smul.f32 s24, s15;
	v54 =	vld [tilespmem:s2+$0xFFFFFF80];
	[tilespmem:s3+$0xB0] =	vst v36  }
0xb6: {  	v35 =	vadd.f32 v45, v34;
	s20 =	ssub.f32 s21, s20;
	v45 =	vld.idx.msk [tilespmem:v55+s14+$0x0], $0xffff;
	[tilespmem:s3+$0x0] =	vst v42  }
0xb7: {  	v46 =	vadd.f32 v51, v46;
	v42 =	vmul.f32 v32, v32;
	s15 =	smul.f32 s24, s15;
	[tilespmem:s3+$0x20] =	vst v52  }
0xb8: {  	v34 =	vadd.f32 v30, v28;
	s25 =	sadd.f32 $9.999999740e-06, s20;
	v28 =	vld.idx.msk [tilespmem:v40+s14+$0x0], $0xffff;
	[tilespmem:s3+$0x10] =	vst v39  }
0xb9: {  	v30 =	vmul.f32 v35, v35;
	v44 =	vadd.f32 v29, v44;
	s21 =	ssub.f32 $1.500000000e+00, s15;
	v39 =	vld [tilespmem:s2+$0x20];
	[tilespmem:s3+$0x30] =	vst v48;
	s3 =	smov.u32 s4  }
0xba: {  	v40 =	vadd.f32 v50, v49;
	s15 =	sshra.s32 s25, $0x1;
	v36 =	vadd.f32 v47, v54;
	v29 =	vld.idx.msk [tilespmem:v53+s14+$0x0], $0xffff;
	s20 =	spop (v2sf)  }
0xbb: {  	v48 =	vmul.f32 v34, v34;
	v50 =	vmul.f32 v46, v46;
	v47 =	vadd.f32 v32, v34;
	s15 =	ssub.s32 $0x5F3759DF, s15;
	v49 =	vld.idx.msk [tilespmem:v58+s14+$0x0], $0xffff;
	s20 =	smul.f32 $1.562500000e-02, s20;
	s28 =	spop (v2sf)  }
0xbc: {  	s7 =	ssub.f32 $0.0e+00, s29;
	v51 =	vadd.f32 v40, v35;
	v52 =	vmul.f32 v40, v40;
	v45 =	vadd.f32 v45, v60;
	v53 =	vld.idx.msk [tilespmem:v59+s14+$0x0], $0xffff;
	s28 =	smul.f32 $1.562500000e-02, s28  }
0xbd: {  	v42 =	vadd.f32 v42, v48;
	v43 =	vld.idx.msk [tilespmem:v43+s14+$0x0], $0xffff;
	s8 =	smul.f32 s20, s20  }
0xbe: {  	s21 =	smul.f32 s24, s21;
	v48 =	vmul.f32 v45, v45;
	v28 =	vadd.f32 v28, v37;
	v54 =	vld.idx.msk [tilespmem:v57+s14+$0x0], $0xffff;
	s24 =	spop (v2sf)  }
0xbf: {  	v37 =	vadd.f32 v47, v51;
	v30 =	vadd.f32 v52, v30;
	v47 =	vmul.f32 v36, v36;
	v51 =	vld [tilespmem:s2+$0x10];
	s29 =	smul.f32 $1.562500000e-02, s24;
	s8 =	ssub.f32 s28, s8  }
0xc0: {  	v52 =	vadd.f32 v29, v38;
	v38 =	vadd.f32 v28, v46;
	v29 =	vmul.f32 v28, v28;
	s24 =	smul.f32 s21, s7  }
0xc1: {  	v30 =	vadd.f32 v42, v30;
	v42 =	vadd.f32 v48, v47;
	v47 =	vmul.f32 s21, v23;
	v23 =	vmovc v46;
	s7 =	smul.f32 s29, s29;
	s8 =	sadd.f32 $9.999999740e-06, s8  }
0xc2: {  	v46 =	vadd.f32 v52, v44;
	v48 =	vadd.f32 v29, v50;
	v50 =	vmul.f32 s21, v25;
	v25 =	vmovc v28  }
0xc3: {  	v28 =	vadd.f32 v43, v39;
	v39 =	vmul.f32 v44, v44;
	v43 =	vmul.f32 v52, v52;
	v55 =	vld [tilespmem:s2+$0xFFFFFFB0];
	(xrf2) =	vadd.scan.msk.f32 $0xffff, v30;
	s7 =	ssub.f32 s18, s7;
	s18 =	sshra.s32 s8, $0x1;
	s8 =	smul.f32 $5.000000000e-01, s8  }
0xc4: {  	v47 =	vadd.f32 s24, v47;
	v29 =	vadd.f32 v49, v51;
	v49 =	vld [tilespmem:s2+$0x30];
	s18 =	ssub.s32 $0x5F3759DF, s18;
	v51 =	vmul.f32 s21, v22;
	v22 =	vmovc v44  }
0xc5: {  	s17 =	ssub.f32 $0.0e+00, s17;
	v30 =	vadd.f32 v54, v33;
	v33 =	vmul.f32 v28, v28;
	v39 =	vadd.f32 v43, v39;
	v41 =	vld.idx.msk [tilespmem:v41+s14+$0x0], $0xffff;
	s8 =	smul.f32 s18, s8  }
0xc6: {  	s7 =	sadd.f32 $9.999999740e-06, s7;
	v43 =	vld.idx.msk [tilespmem:v31+s14+$0x0], $0xffff;
	v44 =	vmul.f32 v29, v29;
	v31 =	vadd.f32 v46, v38;
	v38 =	vadd.f32 s24, v50  }
0xc7: {  	v47 =	vmul.f32 v47, v11;
	v50 =	vmul.f32 v30, v30;
	v39 =	vadd.f32 v39, v48;
	v46 =	vld [tilespmem:s2+$0xFFFFFFA0];
	s8 =	smul.f32 s18, s8  }
0xc8: {  	v48 =	vadd.f32 v29, v30;
	s28 =	sshra.s32 s7, $0x1;
	s7 =	smul.f32 $5.000000000e-01, s7;
	(xrf2) =	vadd.scan.msk.f32 $0xffff, v31;
	v54 =	vmul.f32 v38, v7;
	v38 =	vadd.f32 s24, v51  }
0xc9: {  	v44 =	vadd.f32 v44, v50;
	s28 =	ssub.s32 $0x5F3759DF, s28;
	v31 =	vadd.f32 v53, v49;
	s8 =	ssub.f32 $1.500000000e+00, s8;
	v49 =	vmul.f32 s21, v24;
	v24 =	vmovc v52  }
0xca: {  	v47 =	vadd.f32 v47, v9;
	s7 =	smul.f32 s28, s7;
	v50 =	vadd.f32 v54, v4  }
0xcb: {  	v51 =	vadd.f32 v31, v28;
	v52 =	vmul.f32 v31, v31;
	(xrf2) =	vadd.scan.msk.f32 $0xffff, v39;
	s8 =	smul.f32 s18, s8;
	s18 =	ssub.f32 $0.0e+00, s20;
	v49 =	vadd.f32 s24, v49  }
0xcc: {  	v41 =	vadd.f32 v41, v55;
	s7 =	smul.f32 s28, s7;
	v39 =	vadd.f32 v43, v46;
	[tilespmem:s4+$0x90] =	vst v50  }
0xcd: {  	v43 =	vadd.f32 v51, v48;
	v33 =	vadd.f32 v52, v33;
	v46, _, _ =	vpop (xrf2);
	s18 =	smul.f32 s8, s18;
	v48 =	vmul.f32 s8, v27;
	[tilespmem:s4+$0x80] =	vst v47  }
0xce: {  	v50 =	vmul.f32 v41, v41;
	s7 =	ssub.f32 $1.500000000e+00, s7;
	v27 =	vmovc v41;
	v47 =	vmul.f32 v39, v39;
	(v2sf) =	vpush v46, $0xF  }
0xcf: {  	v41 =	vmul.f32 s8, v26;
	v26 =	vmovc v39;
	v51 =	vadd.f32 v33, v44;
	(xrf2) =	vadd.scan.msk.f32 $0xffff, v43;
	v43 =	vadd.f32 s18, v48  }
0xd0: {  	v46 =	vmul.f32 s8, v20;
	v39 =	vmul.f32 s8, v21;
	s8 =	smul.f32 $5.000000000e-01, s25;
	v20 =	vmovc v36;
	v21 =	vmovc v45;
	v44 =	vadd.f32 v50, v47  }
0xd1: {  	v36 =	vmul.f32 v49, v6;
	v45 =	vadd.f32 v21, v20;
	s7 =	smul.f32 s28, s7;
	v47 =	vadd.f32 v27, v26  }
.Ltmp0:
0xd2: {  	s20 =	ssub.f32 $0.0e+00, s29;
	v43 =	vmul.f32 v43, v6;
	v44 =	vadd.f32 v44, v42;
	(xrf2) =	vadd.scan.msk.f32 $0xffff, v51;
	v33, _, _ =	vpop (xrf2);
	v42 =	vadd.f32 s18, v41;
	(pc) =	sbr.rel @p0 .LBB2_2-.Ltmp0, $4  }
0xd3: {  	s8 =	smul.f32 s15, s8;
	v45 =	vadd.f32 v47, v45;
	(v2sf) =	vpush v33, $0xF;
	v33 =	vmul.f32 s7, v17;
	v17 =	vmovc v35  }
0xd4: {  	s20 =	smul.f32 s7, s20;
	v41 =	vmul.f32 s7, v19;
	v19 =	vmovc v40;
	v35 =	vadd.f32 v43, v5;
	v42 =	vmul.f32 v42, v10  }
0xd5: {  	v40 =	vadd.f32 s18, v46;
	s25 =	smul.f32 s15, s8;
	v43 =	vmul.f32 s7, v18;
	(xrf2) =	vadd.scan.msk.f32 $0xffff, v44;
	v47, _, _ =	vpop (xrf2);
	v44 =	vmul.f32 s7, v16  }
0xd6: {  	v18 =	vmovc v34;
	v33 =	vadd.f32 s20, v33;
	v16 =	vmov v32;
	(v2sf) =	vpush v47, $0xF  }
0xd7: {  	_ = 	snop  }
0xd8: {  	(xrf2) =	vadd.scan.msk.f32 $0xffff, v45;
	_ =	sdelay $0x5  }
0xd9: {  	(xrf2) =	vadd.scan.msk.f32 $0xffff, v37  }
0xda: {  	v32, _, _ =	vpop (xrf2)  }
0xdb: {  	v34, _, _ =	vpop (xrf2)  }
0xdc: {  	(v2sf) =	vpush v32, $0xF;
	s2 =	spop (v2sf);
	v56, _, _ =	vpop (xrf2)  }
0xdd: {  	(v2sf) =	vpush v34, $0xF;
	v57, _, _ =	vpop (xrf2);
	s5 =	spop (v2sf)  }
0xde: {  	(v2sf) =	vpush v57, $0xF;
	s24 =	smul.f32 $1.562500000e-02, s5  }
0xdf: {  	(v2sf) =	vpush v56, $0xF  }
0xe0: {  	s5 =	smul.f32 s24, s24;
	s7 =	spop (v2sf)  }
0xe1: {  	s7 =	smul.f32 $1.562500000e-02, s7;
	_ =	sdelay $0x1  }
0xe2: {  	v58, _, _ =	vpop (xrf2);
	s5 =	ssub.f32 s7, s5  }
0xe3: {  	(v2sf) =	vpush v58, $0xF  }
0xe4: {  	s5 =	sadd.f32 $9.999999740e-06, s5;
	_ =	sdelay $0x1  }
0xe5: {  	s8 =	sshra.s32 s5, $0x1;
	s5 =	smul.f32 $5.000000000e-01, s5  }
0xe6: {  	s7 =	ssub.s32 $0x5F3759DF, s8  }
0xe7: {  	s5 =	smul.f32 s7, s5  }
0xe8: {  	s8 =	ssub.f32 $1.500000000e+00, s25;
	s25 =	smul.f32 $1.562500000e-02, s2  }
0xe9: {  	s2 =	spop (v2sf);
	s5 =	smul.f32 s7, s5  }
0xea: {  	s28 =	spop (v2sf);
	s8 =	smul.f32 s15, s8  }
0xeb: {  	s21 =	spop (v2sf);
	s5 =	ssub.f32 $1.500000000e+00, s5  }
0xec: {  	s21 =	smul.f32 $1.562500000e-02, s21;
	s29 =	spop (v2sf)  }
0xed: {  	s29 =	smul.f32 $1.562500000e-02, s29  }
0xee: {  	s15 =	smul.f32 s7, s5  }
0xef: {  	s5 =	smul.f32 s21, s21  }
0xf0: {  	s7 =	smul.f32 s8, s17  }
0xf1: {  	v59 =	vadd.f32 s20, v43;
	s17 =	ssub.f32 s29, s5;
	s29 =	spop (v2sf)  }
0xf2: {  	v60 =	vadd.f32 s20, v44;
	v61 =	vmul.f32 v40, v11;
	v62 =	vadd.f32 s20, v41;
	s5 =	smul.f32 $1.562500000e-02, s29  }
0xf3: {  	v63 =	vadd.f32 v42, v8;
	v39 =	vadd.f32 s18, v39;
	v38 =	vmul.f32 v38, v10;
	s2 =	smul.f32 $1.562500000e-02, s2;
	s17 =	sadd.f32 $9.999999740e-06, s17  }
0xf4: {  	v46 =	vadd.f32 v36, v5;
	v33 =	vmul.f32 v33, v11;
	v40 =	vmul.f32 v62, v7;
	s20 =	smul.f32 s5, s5  }
0xf5: {  	v37 =	vadd.f32 v61, v9;
	v43 =	vadd.f32 v38, v8;
	v44 =	vmul.f32 v39, v7;
	s29 =	sshra.s32 s17, $0x1;
	s17 =	smul.f32 $5.000000000e-01, s17  }
0xf6: {  	v32 =	vmul.f32 v59, v10;
	v33 =	vadd.f32 v33, v9;
	v40 =	vadd.f32 v40, v4;
	s28 =	smul.f32 $1.562500000e-02, s28;
	s20 =	ssub.f32 s25, s20;
	s18 =	ssub.s32 $0x5F3759DF, s29  }
0xf7: {  	v45 =	vadd.f32 v44, v4;
	v15 =	vmul.f32 s8, v15;
	v14 =	vmul.f32 s8, v14;
	s17 =	smul.f32 s18, s17  }
0xf8: {  	v32 =	vadd.f32 v32, v8;
	v34 =	vmul.f32 v60, v6;
	v12 =	vmul.f32 s8, v12;
	s25 =	smul.f32 s2, s2;
	s20 =	sadd.f32 $9.999999740e-06, s20  }
0xf9: {  	[tilespmem:s3+$0xFFFFFFB0] =	vst v35;
	s24 =	ssub.f32 $0.0e+00, s24;
	v13 =	vmul.f32 s8, v13;
	v15 =	vadd.f32 s7, v15;
	v14 =	vadd.f32 s7, v14;
	s17 =	smul.f32 s18, s17  }
0xfa: {  	[tilespmem:s3+$0xFFFFFFA0] =	vst v63;
	v12 =	vadd.f32 s7, v12;
	v23 =	vmul.f32 s15, v23;
	v25 =	vmul.f32 s15, v25;
	s29 =	sshra.s32 s20, $0x1;
	s20 =	smul.f32 $5.000000000e-01, s20  }
0xfb: {  	[tilespmem:s3+$0xB0] =	vst v46;
	v13 =	vadd.f32 s7, v13;
	s7 =	smul.f32 s15, s24;
	v22 =	vmul.f32 s15, v22;
	v24 =	vmul.f32 s15, v24;
	s8 =	ssub.s32 $0x5F3759DF, s29;
	s17 =	ssub.f32 $1.500000000e+00, s17  }
0xfc: {  	[tilespmem:s3+$0xFFFFFF80] =	vst v37;
	v34 =	vadd.f32 v34, v5;
	v15 =	vmul.f32 v15, v10;
	v14 =	vmul.f32 v14, v11;
	s25 =	ssub.f32 s28, s25;
	s20 =	smul.f32 s8, s20  }
0xfd: {  	[tilespmem:s3+$0xA0] =	vst v43;
	v12 =	vmul.f32 v12, v7;
	v23 =	vadd.f32 s7, v23;
	v25 =	vadd.f32 s7, v25;
	s28 =	ssub.f32 $0.0e+00, s21;
	s17 =	smul.f32 s18, s17  }
0xfe: {  	[tilespmem:s3+$0xFFFFFF00] =	vst v33;
	v13 =	vmul.f32 v13, v6;
	v22 =	vadd.f32 s7, v22;
	v14 =	vadd.f32 v14, v9;
	s20 =	smul.f32 s8, s20  }
0xff: {  	[tilespmem:s3+$0xFFFFFF10] =	vst v40;
	v15 =	vadd.f32 v15, v8;
	s29 =	sadd.f32 $9.999999740e-06, s25;
	s18 =	smul.f32 s17, s28;
	v27 =	vmul.f32 s17, v27;
	v26 =	vmul.f32 s17, v26  }
0x100: {  	v13 =	vadd.f32 v13, v5;
	v23 =	vmul.f32 v23, v11;
	[tilespmem:s3+$0x0] =	vst v14;
	v14 =	vadd.f32 s7, v24;
	s20 =	ssub.f32 $1.500000000e+00, s20  }
0x101: {  	v25 =	vmul.f32 v25, v7;
	[tilespmem:s3+$0x20] =	vst v15;
	s24 =	sshra.s32 s29, $0x1;
	s21 =	smul.f32 $5.000000000e-01, s29;
	v27 =	vadd.f32 s18, v27;
	v15 =	vadd.f32 s18, v26  }
0x102: {  	[tilespmem:s3+$0xFFFFFF90] =	vst v45;
	s5 =	ssub.f32 $0.0e+00, s5;
	v12 =	vadd.f32 v12, v4;
	v14 =	vmul.f32 v14, v6;
	s25 =	ssub.s32 $0x5F3759DF, s24;
	v20 =	vmul.f32 s17, v20;
	s8 =	smul.f32 s8, s20  }
0x103: {  	v23 =	vadd.f32 v23, v9;
	[tilespmem:s3+$0x30] =	vst v13;
	s15 =	smul.f32 s25, s21;
	v24 =	vmul.f32 v27, v6;
	v13 =	vmul.f32 v15, v10  }
0x104: {  	[tilespmem:s3+$0xFFFFFF20] =	vst v32;
	v25 =	vadd.f32 v25, v4;
	v17 =	vmul.f32 s8, v17;
	s5 =	smul.f32 s8, s5;
	v18 =	vmul.f32 s8, v18  }
0x105: {  	[tilespmem:s3+$0x10] =	vst v12;
	s28 =	smul.f32 s25, s15;
	v12 =	vmul.f32 s8, v16;
	v16 =	vadd.f32 s18, v20;
	v15 =	vadd.f32 v24, v5  }
0x106: {  	s4 =	sadd.s32 $0x200, s4;
	[tilespmem:s3+$0xFFFFFF30] =	vst v34;
	v19 =	vmul.f32 s8, v19;
	v17 =	vadd.f32 s5, v17;
	v18 =	vadd.f32 s5, v18  }
0x107: {  	[tilespmem:s4+$0x90] =	vst v25;
	s29 =	ssub.f32 $1.500000000e+00, s28;
	v13 =	vadd.f32 v13, v8;
	v12 =	vadd.f32 s5, v12;
	v16 =	vmul.f32 v16, v11  }
0x108: {  	[tilespmem:s4+$0x80] =	vst v23;
	v19 =	vadd.f32 s5, v19;
	v17 =	vmul.f32 v17, v11;
	v18 =	vmul.f32 v18, v10  }
0x109: {  	s2 =	ssub.f32 $0.0e+00, s2;
	v21 =	vmul.f32 s17, v21;
	s3 =	smul.f32 s25, s29;
	[tilespmem:s4+$0xFFFFFFB0] =	vst v15;
	v12 =	vmul.f32 v12, v6;
	v15 =	vadd.f32 v16, v9  }
0x10a: {  	[tilespmem:s4+$0xFFFFFFA0] =	vst v13;
	v16 =	vadd.f32 v17, v9;
	v17 =	vmul.f32 v19, v7;
	v13 =	vadd.f32 v18, v8  }
0x10b: {  	s2 =	smul.f32 s3, s2;
	v12 =	vadd.f32 v12, v5;
	[tilespmem:s4+$0xFFFFFF80] =	vst v15;
	v15 =	vadd.f32 s18, v21;
	v18 =	vmul.f32 s3, v30  }
0x10c: {  	v19 =	vmul.f32 s3, v28;
	[tilespmem:s4+$0xFFFFFF00] =	vst v16;
	v16 =	vadd.f32 v17, v4;
	v17 =	vmul.f32 v22, v10  }
0x10d: {  	[tilespmem:s4+$0xFFFFFF30] =	vst v12;
	v12 =	vmul.f32 v15, v7;
	v15 =	vmul.f32 s3, v29;
	v18 =	vadd.f32 s2, v18  }
0x10e: {  	v19 =	vadd.f32 s2, v19;
	v17 =	vadd.f32 v17, v8;
	[tilespmem:s4+$0xFFFFFF10] =	vst v16;
	v16 =	vmul.f32 s3, v31  }
0x10f: {  	v14 =	vadd.f32 v14, v5;
	[tilespmem:s4+$0xFFFFFF20] =	vst v13;
	v13 =	vadd.f32 s2, v15;
	v15 =	vmul.f32 v18, v11  }
0x110: {  	v12 =	vadd.f32 v12, v4;
	[tilespmem:s4+$0xA0] =	vst v17;
	v16 =	vadd.f32 s2, v16;
	v17 =	vmul.f32 v19, v10  }
0x111: {  	[tilespmem:s4+$0xB0] =	vst v14;
	v13 =	vmul.f32 v13, v7;
	v15 =	vadd.f32 v15, v9  }
0x112: {  	[tilespmem:s4+$0xFFFFFF90] =	vst v12;
	v12 =	vmul.f32 v16, v6;
	v16 =	vadd.f32 v17, v8  }
0x113: {  	v13 =	vadd.f32 v13, v4;
	[tilespmem:s4+$0x0] =	vst v15  }
0x114: {  	v12 =	vadd.f32 v12, v5;
	[tilespmem:s4+$0x20] =	vst v16  }
0x115: {  	[tilespmem:s4+$0x10] =	vst v13  }
0x116: {  	s3 =	simm.s32 $0x10400;
	[tilespmem:s4+$0x30] =	vst v12  }
0x117: {  	[hbm4b:s9+s6] =	stream.linear.scatter [tilespmem:s3], [sflag:$0x4], $0x4000, $0x38;
	[tilespmem:$0x18500] =	vst v63  }
0x118: {  	s5 =	simm.s32 $0x100;
	s4 =	simm.s32 $0x400  }
0x119: {  	[tilespmem:s4], [sflag:$0x1] =	stream.indirect.gather [hbm4b:s1+s19], $0x80, s5, s19, $0xb8;
	[tilespmem:$0x18500] =	vst v63  }
0x11a: {  	_ =	swait.ge [sflag:s26], $0x4000  }
0x11b: {  	s7 =	simm.s32 $0x0;
	[sflag:s26] =	ssyncset.done $0x0  }
0x11c: {  	s8 =	sand.u32 $0x70, s7;
	[sflag:s26] =	ssyncadd.s32 $0xFFFFC000  }
0x11d: {  	v12 =	vld [tilespmem:s8+$0x280]  }
0x11e: {  	s15 =	simm.s32 $0x4500  }
0x11f: {  	v14 =	vld [tilespmem:s15+$0x0]  }
0x120: {  	s3 =	sand.u32 $0xC, s7;
	v15 =	vld [tilespmem:s15+$0xB0]  }
0x121: {  	s17 =	simm.s32 $0x1;
	v13 =	vmov s3;
	v16 =	vld [tilespmem:s15+$0xA0]  }
0x122: {  	s3 =	sand.u32 $0xD, s17;
	v18 =	vld [tilespmem:s15+$0x80];
	v13 =	vperm.xlane v12, v13  }
0x123: {  	v19 =	vmov s3;
	v21 =	vld [tilespmem:s15+$0x90]  }
0x124: {  	v23 =	vld [tilespmem:s15+$0xFFFFFF00];
	v19 =	vperm.xlane v12, v19;
	v13 =	vshll.u32 v13, $0x6  }
0x125: {  	v24 =	vld [tilespmem:s15+$0xFFFFFF10];
	v20 =	vor.u32 v3, v13  }
0x126: {  	s18 =	simm.s32 $0x3;
	v26 =	vld [tilespmem:s15+$0xFFFFFF20];
	v19 =	vshll.u32 v19, $0x6;
	v22 =	vor.u32 v0, v13  }
0x127: {  	v17 =	vmov s18;
	v27 =	vld [tilespmem:s15+$0xFFFFFF30];
	v28 =	vor.u32 v0, v19  }
0x128: {  	v31 =	vld [tilespmem:s15+$0xFFFFFF90];
	v17 =	vperm.xlane v12, v17;
	v29 =	vor.u32 v2, v13  }
0x129: {  	v51 =	vld [tilespmem:s15+$0xFFFFFF80];
	v13 =	vor.u32 v1, v13  }
0x12a: {  	s20 =	simm.s32 $0x2;
	v17 =	vshll.u32 v17, $0x6;
	v20 =	vld.idx.msk [tilespmem:v20+s14+$0x0], $0xffff  }
0x12b: {  	s3 =	sand.u32 $0xE, s20;
	v25 =	vor.u32 v0, v17;
	v22 =	vld.idx.msk [tilespmem:v22+s14+$0x0], $0xffff  }
0x12c: {  	v47 =	vmov s3;
	v30 =	vor.u32 v2, v17;
	v49 =	vld.idx.msk [tilespmem:v28+s14+$0x0], $0xffff  }
0x12d: {  	v12 =	vperm.xlane v12, v47;
	v28 =	vld.idx.msk [tilespmem:v29+s14+$0x0], $0xffff;
	v29 =	vor.u32 v1, v17  }
0x12e: {  	v17 =	vor.u32 v3, v17;
	v13 =	vld.idx.msk [tilespmem:v13+s14+$0x0], $0xffff  }
0x12f: {  	v57 =	vld [tilespmem:s15+$0x30];
	v12 =	vshll.u32 v12, $0x6;
	v48 =	vor.u32 v1, v19  }
0x130: {  	v50 =	vor.u32 v1, v12;
	v25 =	vld.idx.msk [tilespmem:v25+s14+$0x0], $0xffff  }
0x131: {  	v52 =	vor.u32 v3, v12;
	v30 =	vld.idx.msk [tilespmem:v30+s14+$0x0], $0xffff  }
0x132: {  	v54 =	vor.u32 v2, v12;
	v32 =	vadd.f32 v20, v27;
	v35 =	vadd.f32 v22, v23;
	v20 =	vld.idx.msk [tilespmem:v29+s14+$0x0], $0xffff  }
0x133: {  	v12 =	vor.u32 v0, v12;
	v33 =	vadd.f32 v28, v26;
	v34 =	vadd.f32 v13, v24;
	v13 =	vld.idx.msk [tilespmem:v17+s14+$0x0], $0xffff  }
0x134: {  	v53 =	vld.idx.msk [tilespmem:v48+s14+$0x0], $0xffff;
	v17 =	vmul.f32 v32, v32;
	v22 =	vmul.f32 v35, v35  }
0x135: {  	v55 =	vld.idx.msk [tilespmem:v50+s14+$0x0], $0xffff;
	v24 =	vmul.f32 v33, v33;
	v26 =	vmul.f32 v34, v34  }
0x136: {  	v23 =	vld [tilespmem:s15+$0x20];
	v28 =	vadd.f32 v25, v18;
	v27 =	vadd.f32 v30, v16;
	v18 =	vor.u32 v3, v19  }
0x137: {  	v16 =	vld.idx.msk [tilespmem:v52+s14+$0x0], $0xffff;
	v17 =	vadd.f32 v17, v24;
	v22 =	vadd.f32 v26, v22  }
0x138: {  	v19 =	vor.u32 v2, v19;
	v25 =	vld.idx.msk [tilespmem:v12+s14+$0x0], $0xffff;
	v29 =	vadd.f32 v20, v21;
	v26 =	vadd.f32 v13, v15  }
0x139: {  	v12 =	vmul.f32 v28, v28;
	v24 =	vld.idx.msk [tilespmem:v54+s14+$0x0], $0xffff;
	v15 =	vadd.f32 v17, v22  }
0x13a: {  	v30 =	vmul.f32 v27, v27;
	v13 =	vld [tilespmem:s15+$0x10];
	v17 =	vadd.f32 v29, v28;
	v21 =	vadd.f32 v26, v27  }
0x13b: {  	v18 =	vld.idx.msk [tilespmem:v18+s14+$0x0], $0xffff;
	v20 =	vmul.f32 v29, v29;
	v56 =	vmul.f32 v26, v26  }
0x13c: {  	v37 =	vadd.f32 v49, v51;
	v22 =	vld [tilespmem:s15+$0xFFFFFFB0];
	(xrf2) =	vadd.scan.msk.f32 $0xffff, v15;
	v15 =	vadd.f32 v21, v17  }
0x13d: {  	v19 =	vld.idx.msk [tilespmem:v19+s14+$0x0], $0xffff;
	v12 =	vadd.f32 v20, v12;
	v17 =	vadd.f32 v56, v30  }
0x13e: {  	v39 =	vadd.f32 v53, v31;
	v14 =	vadd.f32 v25, v14;
	v21 =	vld [tilespmem:s15+$0xFFFFFFA0]  }
0x13f: {  	v17 =	vadd.f32 v17, v12;
	v12 =	vadd.f32 v55, v13  }
0x140: {  	v20 =	vmul.f32 v39, v39;
	(xrf2) =	vadd.scan.msk.f32 $0xffff, v15;
	v15 =	vadd.f32 v24, v23;
	v13 =	vadd.f32 v16, v57  }
0x141: {  	v41 =	vadd.f32 v18, v22;
	(xrf2) =	vadd.scan.msk.f32 $0xffff, v17;
	v16 =	vmul.f32 v12, v12;
	v17 =	vmul.f32 v14, v14  }
0x142: {  	v23 =	vmul.f32 v15, v15;
	v24 =	vadd.f32 v12, v14;
	v25 =	vmul.f32 v13, v13  }
0x143: {  	v30 =	vmul.f32 v37, v37;
	v40 =	vadd.f32 v19, v21;
	v16 =	vadd.f32 v16, v17  }
0x144: {  	v17 =	vadd.f32 v13, v15;
	v18 =	vadd.f32 v25, v23  }
0x145: {  	v20 =	vadd.f32 v20, v30;
	v22 =	vmul.f32 v41, v41;
	v21 =	vmul.f32 v40, v40  }
0x146: {  	v17 =	vadd.f32 v17, v24;
	v16 =	vadd.f32 v18, v16  }
0x147: {  	v19, _, _ =	vpop (xrf2);
	v18 =	vadd.f32 v22, v21;
	v21 =	vadd.f32 v41, v40  }
0x148: {  	(v2sf) =	vpush v19, $0xF;
	v19 =	vadd.f32 v39, v37  }
0x149: {  	(xrf2) =	vadd.scan.msk.f32 $0xffff, v17;
	v17 =	vadd.f32 v18, v20  }
0x14a: {  	(xrf2) =	vadd.scan.msk.f32 $0xffff, v16;
	v22, _, _ =	vpop (xrf2);
	v16 =	vadd.f32 v21, v19  }
0x14b: {  	(v2sf) =	vpush v22, $0xF;
	(xrf2) =	vadd.scan.msk.f32 $0xffff, v17  }
0x14c: {  	s5 =	simm.s32 $0x4;
	(xrf2) =	vadd.scan.msk.f32 $0xffff, v16  }
0x14d: {  	s21 =	sand.u32 $0x70, s5;
	v17, _, _ =	vpop (xrf2)  }
0x14e: {  	v18 =	vld [tilespmem:s21+$0x280];
	(v2sf) =	vpush v17, $0xF  }
0x14f: {  	v16 =	vadd.f32 v32, v33;
	v17 =	vadd.f32 v34, v35  }
0x150: {  	s25 =	simm.s32 $0x5  }
0x151: {  	s3 =	sand.u32 $0xD, s25;
	v16 =	vadd.f32 v16, v17  }
0x152: {  	s2 =	simm.s32 $0x4700;
	v19 =	vmov s3  }
0x153: {  	s24 =	sand.u32 $0xC, s5;
	v36 =	vld [tilespmem:s2+$0xFFFFFF00];
	v19 =	vperm.xlane v18, v19;
	(xrf2) =	vadd.scan.msk.f32 $0xffff, v16;
	v17, _, _ =	vpop (xrf2)  }
0x154: {  	v38 =	vld [tilespmem:s2+$0xFFFFFF20];
	v16 =	vmov s24;
	(v2sf) =	vpush v17, $0xF;
	v17, _, _ =	vpop (xrf2)  }
0x155: {  	v58 =	vld [tilespmem:s2+$0xFFFFFF30];
	v19 =	vshll.u32 v19, $0x6;
	v16 =	vperm.xlane v18, v16;
	v22, _, _ =	vpop (xrf2)  }
0x156: {  	v45 =	vld [tilespmem:s2+$0xFFFFFF90];
	v59 =	vor.u32 v0, v19;
	(v2sf) =	vpush v17, $0xF;
	v25, _, _ =	vpop (xrf2)  }
0x157: {  	s28 =	simm.s32 $0x7;
	v52 =	vld [tilespmem:s2+$0xFFFFFF80];
	v16 =	vshll.u32 v16, $0x6;
	s29 =	spop (v2sf);
	(v2sf) =	vpush v25, $0xF  }
0x158: {  	v24 =	vld [tilespmem:s2+$0xB0];
	v20 =	vmov s28;
	v23 =	vor.u32 v3, v16  }
0x159: {  	v21 =	vld [tilespmem:s2+$0xA0];
	v17 =	vperm.xlane v18, v20;
	v31 =	vor.u32 v0, v16  }
0x15a: {  	v20 =	vld [tilespmem:s2+$0x80];
	v60 =	vor.u32 v2, v16;
	s17 =	spop (v2sf);
	(v2sf) =	vpush v22, $0xF  }
0x15b: {  	v17 =	vshll.u32 v17, $0x6;
	v16 =	vor.u32 v1, v16;
	v43 =	vld.idx.msk [tilespmem:v59+s14+$0x0], $0xffff;
	s4 =	smul.f32 $1.562500000e-02, s17  }
0x15c: {  	v25 =	vld [tilespmem:s2+$0xFFFFFF10];
	v49 =	vor.u32 v3, v17  }
0x15d: {  	s21 =	simm.s32 $0x6;
	v46 =	vor.u32 v2, v17;
	v23 =	vld.idx.msk [tilespmem:v23+s14+$0x0], $0xffff;
	v61, _, _ =	vpop (xrf2);
	s18 =	smul.f32 s4, s4;
	s20 =	spop (v2sf)  }
0x15e: {  	s15 =	sand.u32 $0xE, s21;
	v22 =	vor.u32 v0, v17;
	v31 =	vld.idx.msk [tilespmem:v31+s14+$0x0], $0xffff;
	(v2sf) =	vpush v61, $0xF;
	s8 =	smul.f32 $1.562500000e-02, s20  }
0x15f: {  	v47 =	vmov s15;
	v48 =	vor.u32 v1, v19;
	v44 =	vld.idx.msk [tilespmem:v60+s14+$0x0], $0xffff  }
0x160: {  	v18 =	vperm.xlane v18, v47;
	v50 =	vld.idx.msk [tilespmem:v16+s14+$0x0], $0xffff;
	s7 =	ssub.f32 s8, s18  }
0x161: {  	v62 =	vor.u32 v1, v17;
	v60 =	vld.idx.msk [tilespmem:v49+s14+$0x0], $0xffff  }
0x162: {  	v56 =	vor.u32 v2, v19;
	v17 =	vshll.u32 v18, $0x6;
	v46 =	vld.idx.msk [tilespmem:v46+s14+$0x0], $0xffff;
	s7 =	sadd.f32 $9.999999740e-06, s7  }
0x163: {  	v51 =	vor.u32 v0, v17;
	v53 =	vor.u32 v1, v17;
	v54 =	vor.u32 v2, v17;
	v22 =	vld.idx.msk [tilespmem:v22+s14+$0x0], $0xffff  }
0x164: {  	v63 =	vld.idx.msk [tilespmem:v48+s14+$0x0], $0xffff;
	v55 =	vor.u32 v3, v17;
	v16 =	vadd.f32 v23, v58;
	v17 =	vadd.f32 v31, v36;
	s20 =	spop (v2sf);
	s24 =	sshra.s32 s7, $0x1;
	s7 =	smul.f32 $5.000000000e-01, s7  }
0x165: {  	v48 =	vld [tilespmem:s2+$0x90];
	v31 =	vor.u32 v3, v19;
	v18 =	vadd.f32 v44, v38;
	v19 =	vadd.f32 v50, v25;
	s15 =	spop (v2sf);
	s8 =	ssub.s32 $0x5F3759DF, s24  }
0x166: {  	v58 =	vld.idx.msk [tilespmem:v62+s14+$0x0], $0xffff;
	v24 =	vadd.f32 v60, v24;
	v57 =	vmul.f32 v16, v16;
	s7 =	smul.f32 s8, s7;
	s25 =	spop (v2sf)  }
0x167: {  	v30 =	vld [tilespmem:s2+$0x0];
	v59 =	vmul.f32 v17, v17;
	v61 =	vadd.f32 v16, v18;
	v62 =	vadd.f32 v19, v17;
	s3 =	smul.f32 $1.562500000e-02, s25  }
0x168: {  	v49 =	vld [tilespmem:s2+$0x20];
	v25 =	vmul.f32 v18, v18;
	v23 =	vadd.f32 v22, v20;
	v22 =	vadd.f32 v46, v21;
	s7 =	smul.f32 s8, s7  }
0x169: {  	s18 =	smul.f32 $1.562500000e-02, s29;
	v44 =	vld [tilespmem:s2+$0x10];
	v50 =	vmul.f32 v19, v19;
	v20 =	vadd.f32 v43, v52;
	v21 =	vadd.f32 v63, v45;
	s28 =	spop (v2sf)  }
0x16a: {  	v46 =	vld.idx.msk [tilespmem:v53+s14+$0x0], $0xffff;
	v63 =	vadd.f32 v57, v25;
	v36 =	vadd.f32 v61, v62;
	s29 =	smul.f32 s3, s3;
	s7 =	ssub.f32 $1.500000000e+00, s7  }
0x16b: {  	v25 =	vadd.f32 v58, v48;
	v58 =	vadd.f32 v50, v59;
	v48 =	vld.idx.msk [tilespmem:v51+s14+$0x0], $0xffff;
	v42 =	vmul.f32 v23, v23;
	s17 =	smul.f32 $1.562500000e-02, s28  }
0x16c: {  	s4 =	ssub.f32 $0.0e+00, s4;
	v53 =	vld.idx.msk [tilespmem:v54+s14+$0x0], $0xffff;
	v57 =	vmul.f32 v21, v21;
	v59 =	vmul.f32 v20, v20;
	v62 =	vadd.f32 v24, v22;
	s21 =	smul.f32 s8, s7  }
0x16d: {  	v52 =	vld [tilespmem:s2+$0xFFFFFFA0];
	v45 =	vadd.f32 v25, v23;
	v60 =	vmul.f32 v25, v25;
	v38 =	vadd.f32 v63, v58;
	s8 =	spop (v2sf);
	s25 =	ssub.f32 s17, s29  }
0x16e: {  	v50 =	vld.idx.msk [tilespmem:v55+s14+$0x0], $0xffff;
	v58 =	vmul.f32 v24, v24;
	v43 =	vadd.f32 v57, v59;
	v57 =	vmul.f32 v22, v22;
	s17 =	smul.f32 $1.562500000e-02, s8  }
0x16f: {  	v42 =	vadd.f32 v60, v42;
	(xrf2) =	vadd.scan.msk.f32 $0xffff, v38;
	s24 =	smul.f32 s21, s4;
	s28 =	sadd.f32 $9.999999740e-06, s25;
	v63 =	vmul.f32 s21, v29;
	v29 =	vadd.f32 v46, v44;
	v44 =	vld [tilespmem:s2+$0x30]  }
0x170: {  	v45 =	vadd.f32 v62, v45;
	v30 =	vadd.f32 v48, v30;
	v61 =	vmul.f32 s21, v28;
	v46 =	vld.idx.msk [tilespmem:v31+s14+$0x0], $0xffff;
	s7 =	smul.f32 s17, s17  }
0x171: {  	v28 =	vadd.f32 v53, v49;
	v31 =	vadd.f32 v58, v57;
	v49 =	vld.idx.msk [tilespmem:v56+s14+$0x0], $0xffff;
	s8 =	sshra.s32 s28, $0x1;
	s29 =	smul.f32 $5.000000000e-01, s28  }
0x172: {  	v54 =	vld [tilespmem:s2+$0xFFFFFFB0];
	s15 =	smul.f32 $1.562500000e-02, s15;
	v27 =	vmul.f32 s21, v27;
	v59 =	vadd.f32 s24, v61;
	v60 =	vmul.f32 v29, v29;
	s7 =	ssub.f32 s18, s7;
	s8 =	ssub.s32 $0x5F3759DF, s8  }
0x173: {  	v47 =	vadd.f32 s24, v63;
	v61 =	vmul.f32 v30, v30;
	v42 =	vadd.f32 v31, v42;
	s28 =	smul.f32 s8, s29  }
0x174: {  	(xrf2) =	vadd.scan.msk.f32 $0xffff, v45;
	s4 =	smul.f32 $1.562500000e-02, s20;
	v58 =	vmul.f32 s21, v26;
	v56 =	vadd.f32 v29, v30;
	v38 =	vadd.f32 s24, v27;
	s7 =	sadd.f32 $9.999999740e-06, s7  }
0x175: {  	v62 =	vmul.f32 v59, v11;
	v57 =	vadd.f32 v60, v61;
	v31 =	vadd.f32 v50, v44;
	s18 =	smul.f32 s8, s28  }
0x176: {  	v63 =	vmul.f32 v47, v7;
	v61 =	vadd.f32 s24, v58;
	v26 =	vadd.f32 v49, v52;
	s29 =	sshra.s32 s7, $0x1;
	s7 =	smul.f32 $5.000000000e-01, s7  }
0x177: {  	s20 =	smul.f32 s4, s4;
	v48 =	vmul.f32 v28, v28;
	(xrf2) =	vadd.scan.msk.f32 $0xffff, v42;
	v27 =	vadd.f32 v46, v54;
	v59 =	vadd.f32 v31, v28;
	s25 =	ssub.s32 $0x5F3759DF, s29;
	s18 =	ssub.f32 $1.500000000e+00, s18  }
0x178: {  	s3 =	ssub.f32 $0.0e+00, s3;
	v50 =	vadd.f32 v62, v9;
	v45 =	vadd.f32 v63, v4;
	v60 =	vmul.f32 v31, v31;
	s7 =	smul.f32 s25, s7  }
0x179: {  	s15 =	ssub.f32 s15, s20;
	v54, _, _ =	vpop (xrf2);
	v49 =	vmul.f32 v26, v26;
	v55 =	vmul.f32 v27, v27;
	v63 =	vadd.f32 v59, v56;
	s8 =	smul.f32 s8, s18  }
0x17a: {  	(v2sf) =	vpush v54, $0xF;
	v62 =	vadd.f32 v60, v48;
	s7 =	smul.f32 s25, s7  }
0x17b: {  	v58 =	vadd.f32 v21, v20;
	s15 =	sadd.f32 $9.999999740e-06, s15;
	v56 =	vadd.f32 v55, v49;
	(xrf2) =	vadd.scan.msk.f32 $0xffff, v63;
	v41 =	vmul.f32 s8, v41;
	s18 =	smul.f32 s8, s3  }
0x17c: {  	v59 =	vadd.f32 v27, v26;
	v44 =	vadd.f32 v62, v57;
	v40 =	vmul.f32 s8, v40;
	s7 =	ssub.f32 $1.500000000e+00, s7  }
0x17d: {  	s28 =	ssub.f32 $0.0e+00, s17;
	s24 =	smul.f32 $5.000000000e-01, s15;
	s15 =	sshra.s32 s15, $0x1;
	v46 =	vadd.f32 v56, v43;
	v57 =	vmul.f32 s8, v37;
	v41 =	vadd.f32 s18, v41  }
0x17e: {  	s15 =	ssub.s32 $0x5F3759DF, s15;
	v60, _, _ =	vpop (xrf2);
	s3 =	simm.s32 $0x14500;
	v39 =	vmul.f32 s8, v39;
	v37 =	vmul.f32 v61, v6;
	(xrf2) =	vadd.scan.msk.f32 $0xffff, v44;
	v40 =	vadd.f32 s18, v40;
	s7 =	smul.f32 s25, s7  }
0x17f: {  	s29 =	smul.f32 s15, s24;
	(v2sf) =	vpush v60, $0xF;
	[tilespmem:s3+$0x90] =	vst v45;
	v45 =	vadd.f32 v59, v58;
	v61 =	vmul.f32 v41, v6  }
0x180: {  	v42 =	vmul.f32 v40, v10;
	v40 =	vadd.f32 s18, v57;
	v62 =	vmul.f32 s7, v35;
	s20 =	smul.f32 s7, s28  }
0x181: {  	v63, _, _ =	vpop (xrf2);
	(xrf2) =	vadd.scan.msk.f32 $0xffff, v46;
	v43 =	vmul.f32 s7, v33;
	v44 =	vmul.f32 s7, v32;
	v35 =	vadd.f32 v61, v5  }
0x182: {  	s17 =	ssub.f32 $0.0e+00, s4;
	s4 =	simm.s32 $0x14500;
	[tilespmem:s3+$0x80] =	vst v50;
	s25 =	smul.f32 s15, s29;
	(v2sf) =	vpush v63, $0xF;
	v41 =	vmul.f32 s7, v34;
	v33 =	vadd.f32 s20, v62  }
.LBB2_4:
0x183: {  	v32 =	vadd.f32 s20, v43;
	v34 =	vadd.f32 s20, v44;
	v40 =	vmul.f32 v40, v11;
	[tilespmem:s3+$0xFFFFFFB0] =	vst v35;
	s4 =	sadd.s32 $0x200, s4;
	s7 =	smov.u32 s5;
	s5 =	sadd.s32 $0x4, s5  }
0x184: {  	v35 =	vadd.f32 s20, v41;
	v41 =	vadd.f32 v42, v8;
	s8 =	sand.u32 $0x70, s5;
	s21 =	sand.u32 $0xC, s5;
	p0 =	slt.u32 s5, $0x7C;
	(xrf2) =	vadd.scan.msk.f32 $0xffff, v45;
	v33 =	vmul.f32 v33, v11  }
0x185: {  	v42 =	vld [tilespmem:s8+$0x280];
	v43, _, _ =	vpop (xrf2);
	v32 =	vmul.f32 v32, v10;
	v34 =	vmul.f32 v34, v6;
	v40 =	vadd.f32 v40, v9  }
0x186: {  	v35 =	vmul.f32 v35, v7;
	(v2sf) =	vpush v43, $0xF;
	v33 =	vadd.f32 v33, v9;
	[tilespmem:s3+$0xFFFFFFA0] =	vst v41  }
0x187: {  	s2 =	sadd.s32 $0x200, s2;
	s8 =	sadd.s32 $0x5, s7;
	(xrf2) =	vadd.scan.msk.f32 $0xffff, v36;
	v32 =	vadd.f32 v32, v8;
	v34 =	vadd.f32 v34, v5;
	[tilespmem:s3+$0xFFFFFF80] =	vst v40  }
0x188: {  	v39 =	vadd.f32 s18, v39;
	s24 =	ssub.f32 $1.500000000e+00, s25;
	s20 =	sadd.s32 $0x6, s7;
	s8 =	sand.u32 $0xD, s8;
	v35 =	vadd.f32 v35, v4;
	v40 =	vmul.f32 v38, v10;
	v36, _, _ =	vpop (xrf2);
	[tilespmem:s3+$0xFFFFFF00] =	vst v33  }
0x189: {  	s7 =	sadd.s32 $0x7, s7;
	v38 =	vmov s21;
	v41 =	vmov s8;
	s8 =	sand.u32 $0xE, s20;
	v33 =	vld [tilespmem:s2+$0x0];
	s18 =	spop (v2sf);
	(v2sf) =	vpush v36, $0xF  }
0x18a: {  	v36 =	vperm.xlane v42, v38;
	v41 =	vperm.xlane v42, v41;
	v38 =	vld [tilespmem:s2+$0xB0];
	s18 =	smul.f32 $1.562500000e-02, s18;
	[tilespmem:s3+$0xFFFFFF30] =	vst v34;
	v34 =	vadd.f32 v40, v8  }
0x18b: {  	v43 =	vmov s7;
	s7 =	smul.f32 s15, s24;
	v40 =	vmov s8;
	v44 =	vld [tilespmem:s2+$0xA0];
	v45, _, _ =	vpop (xrf2);
	[tilespmem:s3+$0xFFFFFF10] =	vst v35;
	v35 =	vmul.f32 v39, v7  }
0x18c: {  	v43 =	vperm.xlane v42, v43;
	v39 =	vshll.u32 v36, $0x6;
	v41 =	vshll.u32 v41, $0x6;
	v46 =	vld [tilespmem:s2+$0x80];
	[tilespmem:s3+$0xFFFFFF20] =	vst v32  }
0x18d: {  	v48 =	vmul.f32 s7, v13;
	v13 =	vmovc v31;
	s8 =	smul.f32 s7, s17;
	v32 =	vor.u32 v0, v39;
	v47 =	vor.u32 v3, v39;
	v36 =	vld [tilespmem:s2+$0x90];
	[tilespmem:s3+$0xA0] =	vst v34  }
0x18e: {  	v31 =	vperm.xlane v42, v40;
	v40 =	vshll.u32 v43, $0x6;
	v43 =	vmul.f32 s7, v15;
	v34 =	vld [tilespmem:s2+$0xFFFFFF00];
	v42, _, _ =	vpop (xrf2);
	s15 =	spop (v2sf)  }
0x18f: {  	v52 =	vmul.f32 s7, v12;
	v12 =	vmovc v29;
	v15 =	vmovc v28;
	v50 =	vor.u32 v1, v39;
	v51 =	vor.u32 v0, v40;
	v49 =	vld [tilespmem:s2+$0xFFFFFF10];
	s29 =	smul.f32 $1.562500000e-02, s15  }
0x190: {  	v54 =	vmul.f32 s7, v14;
	v14 =	vmovc v30;
	v29 =	vor.u32 v2, v40;
	v53 =	vor.u32 v3, v40;
	v28 =	vld [tilespmem:s2+$0xFFFFFF20]  }
0x191: {  	v30 =	vor.u32 v2, v39;
	v55 =	vor.u32 v1, v41;
	v39 =	vld [tilespmem:s2+$0xFFFFFF30];
	s7 =	smul.f32 s29, s29;
	v56, _, _ =	vpop (xrf2);
	(v2sf) =	vpush v42, $0xF;
	s15 =	spop (v2sf)  }
0x192: {  	v31 =	vshll.u32 v31, $0x6;
	v42 =	vld.idx.msk [tilespmem:v47+s14+$0x0], $0xffff;
	v47 =	vor.u32 v0, v41;
	s15 =	smul.f32 $1.562500000e-02, s15;
	(v2sf) =	vpush v45, $0xF  }
0x193: {  	v57 =	vor.u32 v0, v31;
	v58 =	vor.u32 v1, v31;
	v45 =	vld.idx.msk [tilespmem:v32+s14+$0x0], $0xffff;
	v32 =	vadd.f32 s8, v43  }
0x194: {  	v48 =	vadd.f32 s8, v48;
	v59 =	vor.u32 v3, v31;
	v43 =	vor.u32 v2, v31;
	s7 =	ssub.f32 s15, s7  }
0x195: {  	v54 =	vadd.f32 s8, v54;
	v60 =	vld [tilespmem:s2+$0xFFFFFF90];
	(v2sf) =	vpush v56, $0xF;
	s15 =	spop (v2sf);
	v56 =	vmul.f32 v32, v10  }
0x196: {  	v52 =	vadd.f32 s8, v52;
	v48 =	vmul.f32 v48, v6;
	v31 =	vor.u32 v2, v41;
	v51 =	vld.idx.msk [tilespmem:v51+s14+$0x0], $0xffff;
	s17 =	smul.f32 $1.562500000e-02, s15  }
0x197: {  	v35 =	vadd.f32 v35, v4;
	v54 =	vmul.f32 v54, v11;
	v41 =	vor.u32 v3, v41;
	s7 =	sadd.f32 $9.999999740e-06, s7;
	v47 =	vld.idx.msk [tilespmem:v47+s14+$0x0], $0xffff  }
0x198: {  	v37 =	vadd.f32 v37, v5;
	v32 =	vadd.f32 v42, v39;
	v39 =	vmul.f32 v52, v7;
	v30 =	vld.idx.msk [tilespmem:v30+s14+$0x0], $0xffff;
	s8 =	smul.f32 s17, s17;
	s15 =	spop (v2sf)  }
0x199: {  	v40 =	vor.u32 v1, v40;
	v42 =	vadd.f32 v54, v9;
	v52 =	vadd.f32 v56, v8;
	s20 =	sshra.s32 s7, $0x1;
	s7 =	smul.f32 $5.000000000e-01, s7;
	v29 =	vld.idx.msk [tilespmem:v29+s14+$0x0], $0xffff  }
0x19a: {  	v48 =	vadd.f32 v48, v5;
	s15 =	smul.f32 $1.562500000e-02, s15;
	s21 =	ssub.s32 $0x5F3759DF, s20;
	v39 =	vadd.f32 v39, v4;
	v50 =	vld.idx.msk [tilespmem:v50+s14+$0x0], $0xffff;
	[tilespmem:s3+$0xFFFFFF90] =	vst v35  }
0x19b: {  	s7 =	smul.f32 s21, s7;
	v54 =	vld [tilespmem:s2+$0xFFFFFF80];
	[tilespmem:s3+$0xB0] =	vst v37  }
0x19c: {  	v35 =	vadd.f32 v45, v34;
	s8 =	ssub.f32 s15, s8;
	v45 =	vld.idx.msk [tilespmem:v55+s14+$0x0], $0xffff;
	[tilespmem:s3+$0x0] =	vst v42  }
0x19d: {  	v46 =	vadd.f32 v51, v46;
	v42 =	vmul.f32 v32, v32;
	s7 =	smul.f32 s21, s7;
	[tilespmem:s3+$0x20] =	vst v52  }
0x19e: {  	v34 =	vadd.f32 v30, v28;
	s25 =	sadd.f32 $9.999999740e-06, s8;
	v28 =	vld.idx.msk [tilespmem:v40+s14+$0x0], $0xffff;
	[tilespmem:s3+$0x10] =	vst v39  }
0x19f: {  	v30 =	vmul.f32 v35, v35;
	v44 =	vadd.f32 v29, v44;
	s7 =	ssub.f32 $1.500000000e+00, s7;
	v39 =	vld [tilespmem:s2+$0x20];
	[tilespmem:s3+$0x30] =	vst v48;
	s3 =	smov.u32 s4  }
0x1a0: {  	v40 =	vadd.f32 v50, v49;
	s8 =	sshra.s32 s25, $0x1;
	v37 =	vadd.f32 v47, v54;
	v29 =	vld.idx.msk [tilespmem:v53+s14+$0x0], $0xffff;
	s15 =	spop (v2sf)  }
0x1a1: {  	v48 =	vmul.f32 v34, v34;
	v50 =	vmul.f32 v46, v46;
	v47 =	vadd.f32 v32, v34;
	v49 =	vld.idx.msk [tilespmem:v58+s14+$0x0], $0xffff;
	s20 =	smul.f32 $1.562500000e-02, s15;
	s15 =	ssub.s32 $0x5F3759DF, s8;
	s8 =	spop (v2sf)  }
0x1a2: {  	s24 =	ssub.f32 $0.0e+00, s29;
	v51 =	vadd.f32 v40, v35;
	v52 =	vmul.f32 v40, v40;
	v45 =	vadd.f32 v45, v60;
	v53 =	vld.idx.msk [tilespmem:v59+s14+$0x0], $0xffff;
	s8 =	smul.f32 $1.562500000e-02, s8  }
0x1a3: {  	v42 =	vadd.f32 v42, v48;
	v43 =	vld.idx.msk [tilespmem:v43+s14+$0x0], $0xffff;
	s28 =	smul.f32 s20, s20  }
0x1a4: {  	s21 =	smul.f32 s21, s7;
	v48 =	vmul.f32 v45, v45;
	v28 =	vadd.f32 v28, v36;
	v54 =	vld.idx.msk [tilespmem:v57+s14+$0x0], $0xffff;
	s7 =	spop (v2sf)  }
0x1a5: {  	v36 =	vadd.f32 v47, v51;
	v30 =	vadd.f32 v52, v30;
	v47 =	vmul.f32 v37, v37;
	v51 =	vld [tilespmem:s2+$0x10];
	s29 =	smul.f32 $1.562500000e-02, s7;
	s7 =	ssub.f32 s8, s28  }
0x1a6: {  	s24 =	smul.f32 s21, s24;
	v52 =	vadd.f32 v29, v38;
	v38 =	vadd.f32 v28, v46;
	v29 =	vmul.f32 v28, v28  }
0x1a7: {  	v30 =	vadd.f32 v42, v30;
	v42 =	vadd.f32 v48, v47;
	v47 =	vmul.f32 s21, v23;
	v23 =	vmovc v46;
	s8 =	smul.f32 s29, s29;
	s7 =	sadd.f32 $9.999999740e-06, s7  }
0x1a8: {  	v46 =	vadd.f32 v52, v44;
	v48 =	vadd.f32 v29, v50;
	v50 =	vmul.f32 s21, v25;
	v25 =	vmovc v28  }
0x1a9: {  	v28 =	vadd.f32 v43, v39;
	v39 =	vmul.f32 v44, v44;
	v43 =	vmul.f32 v52, v52;
	v55 =	vld [tilespmem:s2+$0xFFFFFFB0];
	(xrf2) =	vadd.scan.msk.f32 $0xffff, v30;
	s8 =	ssub.f32 s18, s8;
	s18 =	sshra.s32 s7, $0x1;
	s7 =	smul.f32 $5.000000000e-01, s7  }
0x1aa: {  	v47 =	vadd.f32 s24, v47;
	v29 =	vadd.f32 v49, v51;
	v49 =	vld [tilespmem:s2+$0x30];
	s18 =	ssub.s32 $0x5F3759DF, s18;
	v51 =	vmul.f32 s21, v22;
	v22 =	vmovc v44  }
0x1ab: {  	s17 =	ssub.f32 $0.0e+00, s17;
	v30 =	vadd.f32 v54, v33;
	v33 =	vmul.f32 v28, v28;
	v39 =	vadd.f32 v43, v39;
	v41 =	vld.idx.msk [tilespmem:v41+s14+$0x0], $0xffff;
	s7 =	smul.f32 s18, s7  }
0x1ac: {  	s8 =	sadd.f32 $9.999999740e-06, s8;
	v43 =	vld.idx.msk [tilespmem:v31+s14+$0x0], $0xffff;
	v44 =	vmul.f32 v29, v29;
	v31 =	vadd.f32 v46, v38;
	v38 =	vadd.f32 s24, v50  }
0x1ad: {  	v47 =	vmul.f32 v47, v11;
	v50 =	vmul.f32 v30, v30;
	v39 =	vadd.f32 v39, v48;
	v46 =	vld [tilespmem:s2+$0xFFFFFFA0];
	s7 =	smul.f32 s18, s7  }
0x1ae: {  	v48 =	vadd.f32 v29, v30;
	s28 =	sshra.s32 s8, $0x1;
	s8 =	smul.f32 $5.000000000e-01, s8;
	(xrf2) =	vadd.scan.msk.f32 $0xffff, v31;
	v54 =	vmul.f32 v38, v7;
	v38 =	vadd.f32 s24, v51  }
0x1af: {  	v44 =	vadd.f32 v44, v50;
	s28 =	ssub.s32 $0x5F3759DF, s28;
	v31 =	vadd.f32 v53, v49;
	s7 =	ssub.f32 $1.500000000e+00, s7;
	v49 =	vmul.f32 s21, v24;
	v24 =	vmovc v52  }
0x1b0: {  	v47 =	vadd.f32 v47, v9;
	s8 =	smul.f32 s28, s8;
	v50 =	vadd.f32 v54, v4  }
0x1b1: {  	v51 =	vadd.f32 v31, v28;
	v52 =	vmul.f32 v31, v31;
	(xrf2) =	vadd.scan.msk.f32 $0xffff, v39;
	s7 =	smul.f32 s18, s7;
	s18 =	ssub.f32 $0.0e+00, s20;
	v49 =	vadd.f32 s24, v49  }
0x1b2: {  	v41 =	vadd.f32 v41, v55;
	s8 =	smul.f32 s28, s8;
	v39 =	vadd.f32 v43, v46;
	[tilespmem:s4+$0x90] =	vst v50  }
0x1b3: {  	v43 =	vadd.f32 v51, v48;
	v33 =	vadd.f32 v52, v33;
	v46, _, _ =	vpop (xrf2);
	s18 =	smul.f32 s7, s18;
	v48 =	vmul.f32 s7, v27;
	[tilespmem:s4+$0x80] =	vst v47  }
0x1b4: {  	v50 =	vmul.f32 v41, v41;
	s8 =	ssub.f32 $1.500000000e+00, s8;
	v27 =	vmovc v41;
	v47 =	vmul.f32 v39, v39;
	(v2sf) =	vpush v46, $0xF  }
0x1b5: {  	v41 =	vmul.f32 s7, v26;
	v26 =	vmovc v39;
	v51 =	vadd.f32 v33, v44;
	(xrf2) =	vadd.scan.msk.f32 $0xffff, v43;
	v43 =	vadd.f32 s18, v48  }
0x1b6: {  	v46 =	vmul.f32 s7, v20;
	v39 =	vmul.f32 s7, v21;
	s7 =	smul.f32 $5.000000000e-01, s25;
	v20 =	vmovc v37;
	v21 =	vmovc v45;
	v44 =	vadd.f32 v50, v47  }
0x1b7: {  	v37 =	vmul.f32 v49, v6;
	v45 =	vadd.f32 v21, v20;
	s8 =	smul.f32 s28, s8;
	v47 =	vadd.f32 v27, v26  }
.Ltmp1:
0x1b8: {  	s20 =	ssub.f32 $0.0e+00, s29;
	v43 =	vmul.f32 v43, v6;
	v44 =	vadd.f32 v44, v42;
	(xrf2) =	vadd.scan.msk.f32 $0xffff, v51;
	v33, _, _ =	vpop (xrf2);
	v42 =	vadd.f32 s18, v41;
	(pc) =	sbr.rel @p0 .LBB2_4-.Ltmp1, $4  }
0x1b9: {  	s7 =	smul.f32 s15, s7;
	v45 =	vadd.f32 v47, v45;
	(v2sf) =	vpush v33, $0xF;
	v33 =	vmul.f32 s8, v17;
	v17 =	vmovc v35  }
0x1ba: {  	s20 =	smul.f32 s8, s20;
	v41 =	vmul.f32 s8, v19;
	v19 =	vmovc v40;
	v35 =	vadd.f32 v43, v5;
	v42 =	vmul.f32 v42, v10  }
0x1bb: {  	v40 =	vadd.f32 s18, v46;
	s25 =	smul.f32 s15, s7;
	v43 =	vmul.f32 s8, v18;
	(xrf2) =	vadd.scan.msk.f32 $0xffff, v44;
	v47, _, _ =	vpop (xrf2);
	v44 =	vmul.f32 s8, v16  }
0x1bc: {  	v18 =	vmovc v34;
	v33 =	vadd.f32 s20, v33;
	v16 =	vmov v32;
	(v2sf) =	vpush v47, $0xF  }
0x1bd: {  	_ = 	snop  }
0x1be: {  	(xrf2) =	vadd.scan.msk.f32 $0xffff, v45;
	_ =	sdelay $0x5  }
0x1bf: {  	(xrf2) =	vadd.scan.msk.f32 $0xffff, v36  }
0x1c0: {  	v32, _, _ =	vpop (xrf2)  }
0x1c1: {  	v34, _, _ =	vpop (xrf2)  }
0x1c2: {  	(v2sf) =	vpush v32, $0xF;
	s2 =	spop (v2sf);
	v56, _, _ =	vpop (xrf2)  }
0x1c3: {  	(v2sf) =	vpush v34, $0xF;
	v57, _, _ =	vpop (xrf2);
	s5 =	spop (v2sf)  }
0x1c4: {  	(v2sf) =	vpush v57, $0xF;
	s24 =	smul.f32 $1.562500000e-02, s5  }
0x1c5: {  	(v2sf) =	vpush v56, $0xF  }
0x1c6: {  	s5 =	smul.f32 s24, s24;
	s7 =	spop (v2sf)  }
0x1c7: {  	s7 =	smul.f32 $1.562500000e-02, s7;
	_ =	sdelay $0x1  }
0x1c8: {  	v58, _, _ =	vpop (xrf2);
	s5 =	ssub.f32 s7, s5  }
0x1c9: {  	(v2sf) =	vpush v58, $0xF  }
0x1ca: {  	s5 =	sadd.f32 $9.999999740e-06, s5;
	_ =	sdelay $0x1  }
0x1cb: {  	s8 =	sshra.s32 s5, $0x1;
	s5 =	smul.f32 $5.000000000e-01, s5  }
0x1cc: {  	s7 =	ssub.s32 $0x5F3759DF, s8  }
0x1cd: {  	s5 =	smul.f32 s7, s5  }
0x1ce: {  	s8 =	ssub.f32 $1.500000000e+00, s25;
	s25 =	smul.f32 $1.562500000e-02, s2  }
0x1cf: {  	s2 =	spop (v2sf);
	s5 =	smul.f32 s7, s5  }
0x1d0: {  	s28 =	spop (v2sf);
	s8 =	smul.f32 s15, s8  }
0x1d1: {  	s21 =	spop (v2sf);
	s5 =	ssub.f32 $1.500000000e+00, s5  }
0x1d2: {  	s21 =	smul.f32 $1.562500000e-02, s21;
	s29 =	spop (v2sf)  }
0x1d3: {  	s29 =	smul.f32 $1.562500000e-02, s29  }
0x1d4: {  	s15 =	smul.f32 s7, s5  }
0x1d5: {  	s5 =	smul.f32 s21, s21  }
0x1d6: {  	s7 =	smul.f32 s8, s17  }
0x1d7: {  	v59 =	vadd.f32 s20, v43;
	s17 =	ssub.f32 s29, s5;
	s29 =	spop (v2sf)  }
0x1d8: {  	v60 =	vadd.f32 s20, v44;
	v61 =	vmul.f32 v40, v11;
	v62 =	vadd.f32 s20, v41;
	s5 =	smul.f32 $1.562500000e-02, s29  }
0x1d9: {  	v63 =	vadd.f32 v42, v8;
	v39 =	vadd.f32 s18, v39;
	v38 =	vmul.f32 v38, v10;
	s2 =	smul.f32 $1.562500000e-02, s2;
	s17 =	sadd.f32 $9.999999740e-06, s17  }
0x1da: {  	v46 =	vadd.f32 v37, v5;
	v33 =	vmul.f32 v33, v11;
	v40 =	vmul.f32 v62, v7;
	s20 =	smul.f32 s5, s5  }
0x1db: {  	v36 =	vadd.f32 v61, v9;
	v43 =	vadd.f32 v38, v8;
	v44 =	vmul.f32 v39, v7;
	s29 =	sshra.s32 s17, $0x1;
	s17 =	smul.f32 $5.000000000e-01, s17  }
0x1dc: {  	v32 =	vmul.f32 v59, v10;
	v33 =	vadd.f32 v33, v9;
	v40 =	vadd.f32 v40, v4;
	s28 =	smul.f32 $1.562500000e-02, s28;
	s20 =	ssub.f32 s25, s20;
	s18 =	ssub.s32 $0x5F3759DF, s29  }
0x1dd: {  	v45 =	vadd.f32 v44, v4;
	v15 =	vmul.f32 s8, v15;
	v14 =	vmul.f32 s8, v14;
	s17 =	smul.f32 s18, s17  }
0x1de: {  	v32 =	vadd.f32 v32, v8;
	v34 =	vmul.f32 v60, v6;
	v12 =	vmul.f32 s8, v12;
	s25 =	smul.f32 s2, s2;
	s20 =	sadd.f32 $9.999999740e-06, s20  }
0x1df: {  	[tilespmem:s3+$0xFFFFFFB0] =	vst v35;
	s24 =	ssub.f32 $0.0e+00, s24;
	v13 =	vmul.f32 s8, v13;
	v15 =	vadd.f32 s7, v15;
	v14 =	vadd.f32 s7, v14;
	s17 =	smul.f32 s18, s17  }
0x1e0: {  	[tilespmem:s3+$0xFFFFFFA0] =	vst v63;
	v12 =	vadd.f32 s7, v12;
	v23 =	vmul.f32 s15, v23;
	v25 =	vmul.f32 s15, v25;
	s29 =	sshra.s32 s20, $0x1;
	s20 =	smul.f32 $5.000000000e-01, s20  }
0x1e1: {  	[tilespmem:s3+$0xB0] =	vst v46;
	v13 =	vadd.f32 s7, v13;
	s7 =	smul.f32 s15, s24;
	v22 =	vmul.f32 s15, v22;
	v24 =	vmul.f32 s15, v24;
	s8 =	ssub.s32 $0x5F3759DF, s29;
	s17 =	ssub.f32 $1.500000000e+00, s17  }
0x1e2: {  	[tilespmem:s3+$0xFFFFFF80] =	vst v36;
	v34 =	vadd.f32 v34, v5;
	v15 =	vmul.f32 v15, v10;
	v14 =	vmul.f32 v14, v11;
	s25 =	ssub.f32 s28, s25;
	s20 =	smul.f32 s8, s20  }
0x1e3: {  	[tilespmem:s3+$0xA0] =	vst v43;
	v12 =	vmul.f32 v12, v7;
	v23 =	vadd.f32 s7, v23;
	v25 =	vadd.f32 s7, v25;
	s28 =	ssub.f32 $0.0e+00, s21;
	s17 =	smul.f32 s18, s17  }
0x1e4: {  	[tilespmem:s3+$0xFFFFFF00] =	vst v33;
	v13 =	vmul.f32 v13, v6;
	v22 =	vadd.f32 s7, v22;
	v14 =	vadd.f32 v14, v9;
	s20 =	smul.f32 s8, s20  }
0x1e5: {  	[tilespmem:s3+$0xFFFFFF10] =	vst v40;
	v15 =	vadd.f32 v15, v8;
	s29 =	sadd.f32 $9.999999740e-06, s25;
	s18 =	smul.f32 s17, s28;
	v27 =	vmul.f32 s17, v27;
	v26 =	vmul.f32 s17, v26  }
0x1e6: {  	v13 =	vadd.f32 v13, v5;
	v23 =	vmul.f32 v23, v11;
	[tilespmem:s3+$0x0] =	vst v14;
	v14 =	vadd.f32 s7, v24;
	s20 =	ssub.f32 $1.500000000e+00, s20  }
0x1e7: {  	v25 =	vmul.f32 v25, v7;
	[tilespmem:s3+$0x20] =	vst v15;
	s24 =	sshra.s32 s29, $0x1;
	s21 =	smul.f32 $5.000000000e-01, s29;
	v27 =	vadd.f32 s18, v27;
	v15 =	vadd.f32 s18, v26  }
0x1e8: {  	[tilespmem:s3+$0xFFFFFF90] =	vst v45;
	s5 =	ssub.f32 $0.0e+00, s5;
	v12 =	vadd.f32 v12, v4;
	v14 =	vmul.f32 v14, v6;
	s25 =	ssub.s32 $0x5F3759DF, s24;
	v20 =	vmul.f32 s17, v20;
	s8 =	smul.f32 s8, s20  }
0x1e9: {  	v23 =	vadd.f32 v23, v9;
	[tilespmem:s3+$0x30] =	vst v13;
	s15 =	smul.f32 s25, s21;
	v24 =	vmul.f32 v27, v6;
	v13 =	vmul.f32 v15, v10  }
0x1ea: {  	[tilespmem:s3+$0xFFFFFF20] =	vst v32;
	v25 =	vadd.f32 v25, v4;
	v17 =	vmul.f32 s8, v17;
	s5 =	smul.f32 s8, s5;
	v18 =	vmul.f32 s8, v18  }
0x1eb: {  	[tilespmem:s3+$0x10] =	vst v12;
	s28 =	smul.f32 s25, s15;
	v12 =	vmul.f32 s8, v16;
	v16 =	vadd.f32 s18, v20;
	v15 =	vadd.f32 v24, v5  }
0x1ec: {  	s4 =	sadd.s32 $0x200, s4;
	[tilespmem:s3+$0xFFFFFF30] =	vst v34;
	v19 =	vmul.f32 s8, v19;
	v17 =	vadd.f32 s5, v17;
	v18 =	vadd.f32 s5, v18  }
0x1ed: {  	[tilespmem:s4+$0x90] =	vst v25;
	s29 =	ssub.f32 $1.500000000e+00, s28;
	v13 =	vadd.f32 v13, v8;
	v12 =	vadd.f32 s5, v12;
	v16 =	vmul.f32 v16, v11  }
0x1ee: {  	[tilespmem:s4+$0x80] =	vst v23;
	v19 =	vadd.f32 s5, v19;
	v17 =	vmul.f32 v17, v11;
	v18 =	vmul.f32 v18, v10  }
0x1ef: {  	s2 =	ssub.f32 $0.0e+00, s2;
	v21 =	vmul.f32 s17, v21;
	s3 =	smul.f32 s25, s29;
	[tilespmem:s4+$0xFFFFFFB0] =	vst v15;
	v12 =	vmul.f32 v12, v6;
	v15 =	vadd.f32 v16, v9  }
0x1f0: {  	[tilespmem:s4+$0xFFFFFFA0] =	vst v13;
	v16 =	vadd.f32 v17, v9;
	v17 =	vmul.f32 v19, v7;
	v13 =	vadd.f32 v18, v8  }
0x1f1: {  	s2 =	smul.f32 s3, s2;
	v12 =	vadd.f32 v12, v5;
	[tilespmem:s4+$0xFFFFFF80] =	vst v15;
	v15 =	vadd.f32 s18, v21;
	v18 =	vmul.f32 s3, v30  }
0x1f2: {  	v19 =	vmul.f32 s3, v28;
	[tilespmem:s4+$0xFFFFFF00] =	vst v16;
	v16 =	vadd.f32 v17, v4;
	v17 =	vmul.f32 v22, v10  }
0x1f3: {  	[tilespmem:s4+$0xFFFFFF30] =	vst v12;
	v12 =	vmul.f32 v15, v7;
	v15 =	vmul.f32 s3, v29;
	v18 =	vadd.f32 s2, v18  }
0x1f4: {  	v19 =	vadd.f32 s2, v19;
	v17 =	vadd.f32 v17, v8;
	[tilespmem:s4+$0xFFFFFF10] =	vst v16;
	v16 =	vmul.f32 s3, v31  }
0x1f5: {  	v14 =	vadd.f32 v14, v5;
	[tilespmem:s4+$0xFFFFFF20] =	vst v13;
	v13 =	vadd.f32 s2, v15;
	v15 =	vmul.f32 v18, v11  }
0x1f6: {  	v12 =	vadd.f32 v12, v4;
	[tilespmem:s4+$0xA0] =	vst v17;
	v16 =	vadd.f32 s2, v16;
	v17 =	vmul.f32 v19, v10  }
0x1f7: {  	[tilespmem:s4+$0xB0] =	vst v14;
	v13 =	vmul.f32 v13, v7;
	v15 =	vadd.f32 v15, v9  }
0x1f8: {  	[tilespmem:s4+$0xFFFFFF90] =	vst v12;
	v12 =	vmul.f32 v16, v6;
	v16 =	vadd.f32 v17, v8  }
0x1f9: {  	v13 =	vadd.f32 v13, v4;
	[tilespmem:s4+$0x0] =	vst v15  }
0x1fa: {  	v12 =	vadd.f32 v12, v5;
	[tilespmem:s4+$0x20] =	vst v16  }
0x1fb: {  	[tilespmem:s4+$0x10] =	vst v13  }
0x1fc: {  	s3 =	simm.s32 $0x14400;
	[tilespmem:s4+$0x30] =	vst v12  }
0x1fd: {  	[hbm4b:s10+s6] =	stream.linear.scatter [tilespmem:s3], [sflag:$0x5], $0x4000, $0x38;
	[tilespmem:$0x18500] =	vst v63  }
0x1fe: {  	s5 =	simm.s32 $0x180;
	s4 =	simm.s32 $0x4400  }
0x1ff: {  	[tilespmem:s4], [sflag:$0x2] =	stream.indirect.gather [hbm4b:s1+s19], $0x80, s5, s19, $0xb8;
	[tilespmem:$0x18500] =	vst v63  }
0x200: {  	_ =	swait.ge [sflag:s23], $0x4000  }
0x201: {  	[sflag:s23] =	ssyncset.done $0x0  }
0x202: {  	[sflag:s23] =	ssyncadd.s32 $0xFFFFC000  }
0x203: {  	_ =	swait.ge [sflag:s30], $0x4000  }
0x204: {  	s7 =	simm.s32 $0x0;
	[sflag:s30] =	ssyncset.done $0x0  }
0x205: {  	s8 =	sand.u32 $0x70, s7;
	[sflag:s30] =	ssyncadd.s32 $0xFFFFC000  }
0x206: {  	v12 =	vld [tilespmem:s8+$0x300]  }
0x207: {  	s15 =	simm.s32 $0x500  }
0x208: {  	v14 =	vld [tilespmem:s15+$0x0]  }
0x209: {  	s3 =	sand.u32 $0xC, s7;
	v15 =	vld [tilespmem:s15+$0xB0]  }
0x20a: {  	s17 =	simm.s32 $0x1;
	v13 =	vmov s3;
	v16 =	vld [tilespmem:s15+$0xA0]  }
0x20b: {  	s3 =	sand.u32 $0xD, s17;
	v18 =	vld [tilespmem:s15+$0x80];
	v13 =	vperm.xlane v12, v13  }
0x20c: {  	v19 =	vmov s3;
	v21 =	vld [tilespmem:s15+$0x90]  }
0x20d: {  	v23 =	vld [tilespmem:s15+$0xFFFFFF00];
	v19 =	vperm.xlane v12, v19;
	v13 =	vshll.u32 v13, $0x6  }
0x20e: {  	v24 =	vld [tilespmem:s15+$0xFFFFFF10];
	v20 =	vor.u32 v3, v13  }
0x20f: {  	s18 =	simm.s32 $0x3;
	v26 =	vld [tilespmem:s15+$0xFFFFFF20];
	v19 =	vshll.u32 v19, $0x6;
	v22 =	vor.u32 v0, v13  }
0x210: {  	v17 =	vmov s18;
	v27 =	vld [tilespmem:s15+$0xFFFFFF30];
	v28 =	vor.u32 v0, v19  }
0x211: {  	v31 =	vld [tilespmem:s15+$0xFFFFFF90];
	v17 =	vperm.xlane v12, v17;
	v29 =	vor.u32 v2, v13  }
0x212: {  	v51 =	vld [tilespmem:s15+$0xFFFFFF80];
	v13 =	vor.u32 v1, v13  }
0x213: {  	s20 =	simm.s32 $0x2;
	v17 =	vshll.u32 v17, $0x6;
	v20 =	vld.idx.msk [tilespmem:v20+s14+$0x0], $0xffff  }
0x214: {  	s3 =	sand.u32 $0xE, s20;
	v25 =	vor.u32 v0, v17;
	v22 =	vld.idx.msk [tilespmem:v22+s14+$0x0], $0xffff  }
0x215: {  	v47 =	vmov s3;
	v30 =	vor.u32 v2, v17;
	v49 =	vld.idx.msk [tilespmem:v28+s14+$0x0], $0xffff  }
0x216: {  	v12 =	vperm.xlane v12, v47;
	v28 =	vld.idx.msk [tilespmem:v29+s14+$0x0], $0xffff;
	v29 =	vor.u32 v1, v17  }
0x217: {  	v17 =	vor.u32 v3, v17;
	v13 =	vld.idx.msk [tilespmem:v13+s14+$0x0], $0xffff  }
0x218: {  	v57 =	vld [tilespmem:s15+$0x30];
	v12 =	vshll.u32 v12, $0x6;
	v48 =	vor.u32 v1, v19  }
0x219: {  	v50 =	vor.u32 v1, v12;
	v25 =	vld.idx.msk [tilespmem:v25+s14+$0x0], $0xffff  }
0x21a: {  	v52 =	vor.u32 v3, v12;
	v30 =	vld.idx.msk [tilespmem:v30+s14+$0x0], $0xffff  }
0x21b: {  	v54 =	vor.u32 v2, v12;
	v32 =	vadd.f32 v20, v27;
	v35 =	vadd.f32 v22, v23;
	v20 =	vld.idx.msk [tilespmem:v29+s14+$0x0], $0xffff  }
0x21c: {  	v12 =	vor.u32 v0, v12;
	v33 =	vadd.f32 v28, v26;
	v34 =	vadd.f32 v13, v24;
	v13 =	vld.idx.msk [tilespmem:v17+s14+$0x0], $0xffff  }
0x21d: {  	v53 =	vld.idx.msk [tilespmem:v48+s14+$0x0], $0xffff;
	v17 =	vmul.f32 v32, v32;
	v22 =	vmul.f32 v35, v35  }
0x21e: {  	v55 =	vld.idx.msk [tilespmem:v50+s14+$0x0], $0xffff;
	v24 =	vmul.f32 v33, v33;
	v26 =	vmul.f32 v34, v34  }
0x21f: {  	v23 =	vld [tilespmem:s15+$0x20];
	v28 =	vadd.f32 v25, v18;
	v27 =	vadd.f32 v30, v16;
	v18 =	vor.u32 v3, v19  }
0x220: {  	v16 =	vld.idx.msk [tilespmem:v52+s14+$0x0], $0xffff;
	v17 =	vadd.f32 v17, v24;
	v22 =	vadd.f32 v26, v22  }
0x221: {  	v19 =	vor.u32 v2, v19;
	v25 =	vld.idx.msk [tilespmem:v12+s14+$0x0], $0xffff;
	v29 =	vadd.f32 v20, v21;
	v26 =	vadd.f32 v13, v15  }
0x222: {  	v12 =	vmul.f32 v28, v28;
	v24 =	vld.idx.msk [tilespmem:v54+s14+$0x0], $0xffff;
	v15 =	vadd.f32 v17, v22  }
0x223: {  	v30 =	vmul.f32 v27, v27;
	v13 =	vld [tilespmem:s15+$0x10];
	v17 =	vadd.f32 v29, v28;
	v21 =	vadd.f32 v26, v27  }
0x224: {  	v18 =	vld.idx.msk [tilespmem:v18+s14+$0x0], $0xffff;
	v20 =	vmul.f32 v29, v29;
	v56 =	vmul.f32 v26, v26  }
0x225: {  	v37 =	vadd.f32 v49, v51;
	v22 =	vld [tilespmem:s15+$0xFFFFFFB0];
	(xrf2) =	vadd.scan.msk.f32 $0xffff, v15;
	v15 =	vadd.f32 v21, v17  }
0x226: {  	v19 =	vld.idx.msk [tilespmem:v19+s14+$0x0], $0xffff;
	v12 =	vadd.f32 v20, v12;
	v17 =	vadd.f32 v56, v30  }
0x227: {  	v39 =	vadd.f32 v53, v31;
	v14 =	vadd.f32 v25, v14;
	v21 =	vld [tilespmem:s15+$0xFFFFFFA0]  }
0x228: {  	v17 =	vadd.f32 v17, v12;
	v12 =	vadd.f32 v55, v13  }
0x229: {  	v20 =	vmul.f32 v39, v39;
	(xrf2) =	vadd.scan.msk.f32 $0xffff, v15;
	v15 =	vadd.f32 v24, v23;
	v13 =	vadd.f32 v16, v57  }
0x22a: {  	v41 =	vadd.f32 v18, v22;
	(xrf2) =	vadd.scan.msk.f32 $0xffff, v17;
	v16 =	vmul.f32 v12, v12;
	v17 =	vmul.f32 v14, v14  }
0x22b: {  	v23 =	vmul.f32 v15, v15;
	v24 =	vadd.f32 v12, v14;
	v25 =	vmul.f32 v13, v13  }
0x22c: {  	v30 =	vmul.f32 v37, v37;
	v40 =	vadd.f32 v19, v21;
	v16 =	vadd.f32 v16, v17  }
0x22d: {  	v17 =	vadd.f32 v13, v15;
	v18 =	vadd.f32 v25, v23  }
0x22e: {  	v20 =	vadd.f32 v20, v30;
	v22 =	vmul.f32 v41, v41;
	v21 =	vmul.f32 v40, v40  }
0x22f: {  	v17 =	vadd.f32 v17, v24;
	v16 =	vadd.f32 v18, v16  }
0x230: {  	v19, _, _ =	vpop (xrf2);
	v18 =	vadd.f32 v22, v21;
	v21 =	vadd.f32 v41, v40  }
0x231: {  	(v2sf) =	vpush v19, $0xF;
	v19 =	vadd.f32 v39, v37  }
0x232: {  	(xrf2) =	vadd.scan.msk.f32 $0xffff, v17;
	v17 =	vadd.f32 v18, v20  }
0x233: {  	(xrf2) =	vadd.scan.msk.f32 $0xffff, v16;
	v22, _, _ =	vpop (xrf2);
	v16 =	vadd.f32 v21, v19  }
0x234: {  	(v2sf) =	vpush v22, $0xF;
	(xrf2) =	vadd.scan.msk.f32 $0xffff, v17  }
0x235: {  	s5 =	simm.s32 $0x4;
	(xrf2) =	vadd.scan.msk.f32 $0xffff, v16  }
0x236: {  	s21 =	sand.u32 $0x70, s5;
	v17, _, _ =	vpop (xrf2)  }
0x237: {  	v18 =	vld [tilespmem:s21+$0x300];
	(v2sf) =	vpush v17, $0xF  }
0x238: {  	v16 =	vadd.f32 v32, v33;
	v17 =	vadd.f32 v34, v35  }
0x239: {  	s25 =	simm.s32 $0x5  }
0x23a: {  	s3 =	sand.u32 $0xD, s25;
	v16 =	vadd.f32 v16, v17  }
0x23b: {  	s2 =	simm.s32 $0x700;
	v19 =	vmov s3  }
0x23c: {  	s24 =	sand.u32 $0xC, s5;
	v36 =	vld [tilespmem:s2+$0xFFFFFF00];
	v19 =	vperm.xlane v18, v19;
	(xrf2) =	vadd.scan.msk.f32 $0xffff, v16;
	v17, _, _ =	vpop (xrf2)  }
0x23d: {  	v38 =	vld [tilespmem:s2+$0xFFFFFF20];
	v16 =	vmov s24;
	(v2sf) =	vpush v17, $0xF;
	v17, _, _ =	vpop (xrf2)  }
0x23e: {  	v58 =	vld [tilespmem:s2+$0xFFFFFF30];
	v19 =	vshll.u32 v19, $0x6;
	v16 =	vperm.xlane v18, v16;
	v22, _, _ =	vpop (xrf2)  }
0x23f: {  	v45 =	vld [tilespmem:s2+$0xFFFFFF90];
	v59 =	vor.u32 v0, v19;
	(v2sf) =	vpush v17, $0xF;
	v25, _, _ =	vpop (xrf2)  }
0x240: {  	s28 =	simm.s32 $0x7;
	v52 =	vld [tilespmem:s2+$0xFFFFFF80];
	v16 =	vshll.u32 v16, $0x6;
	s29 =	spop (v2sf);
	(v2sf) =	vpush v25, $0xF  }
0x241: {  	v24 =	vld [tilespmem:s2+$0xB0];
	v20 =	vmov s28;
	v23 =	vor.u32 v3, v16  }
0x242: {  	v21 =	vld [tilespmem:s2+$0xA0];
	v17 =	vperm.xlane v18, v20;
	v31 =	vor.u32 v0, v16  }
0x243: {  	v20 =	vld [tilespmem:s2+$0x80];
	v60 =	vor.u32 v2, v16;
	s17 =	spop (v2sf);
	(v2sf) =	vpush v22, $0xF  }
0x244: {  	v17 =	vshll.u32 v17, $0x6;
	v16 =	vor.u32 v1, v16;
	v43 =	vld.idx.msk [tilespmem:v59+s14+$0x0], $0xffff;
	s4 =	smul.f32 $1.562500000e-02, s17  }
0x245: {  	v25 =	vld [tilespmem:s2+$0xFFFFFF10];
	v49 =	vor.u32 v3, v17  }
0x246: {  	s21 =	simm.s32 $0x6;
	v46 =	vor.u32 v2, v17;
	v23 =	vld.idx.msk [tilespmem:v23+s14+$0x0], $0xffff;
	v61, _, _ =	vpop (xrf2);
	s18 =	smul.f32 s4, s4;
	s20 =	spop (v2sf)  }
0x247: {  	s15 =	sand.u32 $0xE, s21;
	v22 =	vor.u32 v0, v17;
	v31 =	vld.idx.msk [tilespmem:v31+s14+$0x0], $0xffff;
	(v2sf) =	vpush v61, $0xF;
	s8 =	smul.f32 $1.562500000e-02, s20  }
0x248: {  	v47 =	vmov s15;
	v48 =	vor.u32 v1, v19;
	v44 =	vld.idx.msk [tilespmem:v60+s14+$0x0], $0xffff  }
0x249: {  	v18 =	vperm.xlane v18, v47;
	v50 =	vld.idx.msk [tilespmem:v16+s14+$0x0], $0xffff;
	s7 =	ssub.f32 s8, s18  }
0x24a: {  	v62 =	vor.u32 v1, v17;
	v60 =	vld.idx.msk [tilespmem:v49+s14+$0x0], $0xffff  }
0x24b: {  	v56 =	vor.u32 v2, v19;
	v17 =	vshll.u32 v18, $0x6;
	v46 =	vld.idx.msk [tilespmem:v46+s14+$0x0], $0xffff;
	s7 =	sadd.f32 $9.999999740e-06, s7  }
0x24c: {  	v51 =	vor.u32 v0, v17;
	v53 =	vor.u32 v1, v17;
	v54 =	vor.u32 v2, v17;
	v22 =	vld.idx.msk [tilespmem:v22+s14+$0x0], $0xffff  }
0x24d: {  	v63 =	vld.idx.msk [tilespmem:v48+s14+$0x0], $0xffff;
	v55 =	vor.u32 v3, v17;
	v16 =	vadd.f32 v23, v58;
	v17 =	vadd.f32 v31, v36;
	s20 =	spop (v2sf);
	s24 =	sshra.s32 s7, $0x1;
	s7 =	smul.f32 $5.000000000e-01, s7  }
0x24e: {  	v48 =	vld [tilespmem:s2+$0x90];
	v31 =	vor.u32 v3, v19;
	v18 =	vadd.f32 v44, v38;
	v19 =	vadd.f32 v50, v25;
	s15 =	spop (v2sf);
	s8 =	ssub.s32 $0x5F3759DF, s24  }
0x24f: {  	v58 =	vld.idx.msk [tilespmem:v62+s14+$0x0], $0xffff;
	v24 =	vadd.f32 v60, v24;
	v57 =	vmul.f32 v16, v16;
	s7 =	smul.f32 s8, s7;
	s25 =	spop (v2sf)  }
0x250: {  	v30 =	vld [tilespmem:s2+$0x0];
	v59 =	vmul.f32 v17, v17;
	v61 =	vadd.f32 v16, v18;
	v62 =	vadd.f32 v19, v17;
	s3 =	smul.f32 $1.562500000e-02, s25  }
0x251: {  	v49 =	vld [tilespmem:s2+$0x20];
	v25 =	vmul.f32 v18, v18;
	v23 =	vadd.f32 v22, v20;
	v22 =	vadd.f32 v46, v21;
	s7 =	smul.f32 s8, s7  }
0x252: {  	s18 =	smul.f32 $1.562500000e-02, s29;
	v44 =	vld [tilespmem:s2+$0x10];
	v50 =	vmul.f32 v19, v19;
	v20 =	vadd.f32 v43, v52;
	v21 =	vadd.f32 v63, v45;
	s28 =	spop (v2sf)  }
0x253: {  	v46 =	vld.idx.msk [tilespmem:v53+s14+$0x0], $0xffff;
	v63 =	vadd.f32 v57, v25;
	v36 =	vadd.f32 v61, v62;
	s29 =	smul.f32 s3, s3;
	s7 =	ssub.f32 $1.500000000e+00, s7  }
0x254: {  	v25 =	vadd.f32 v58, v48;
	v58 =	vadd.f32 v50, v59;
	v48 =	vld.idx.msk [tilespmem:v51+s14+$0x0], $0xffff;
	v42 =	vmul.f32 v23, v23;
	s17 =	smul.f32 $1.562500000e-02, s28  }
0x255: {  	s4 =	ssub.f32 $0.0e+00, s4;
	v53 =	vld.idx.msk [tilespmem:v54+s14+$0x0], $0xffff;
	v57 =	vmul.f32 v21, v21;
	v59 =	vmul.f32 v20, v20;
	v62 =	vadd.f32 v24, v22;
	s21 =	smul.f32 s8, s7  }
0x256: {  	v52 =	vld [tilespmem:s2+$0xFFFFFFA0];
	v45 =	vadd.f32 v25, v23;
	v60 =	vmul.f32 v25, v25;
	v38 =	vadd.f32 v63, v58;
	s8 =	spop (v2sf);
	s25 =	ssub.f32 s17, s29  }
0x257: {  	v50 =	vld.idx.msk [tilespmem:v55+s14+$0x0], $0xffff;
	v58 =	vmul.f32 v24, v24;
	v43 =	vadd.f32 v57, v59;
	v57 =	vmul.f32 v22, v22;
	s17 =	smul.f32 $1.562500000e-02, s8  }
0x258: {  	v42 =	vadd.f32 v60, v42;
	(xrf2) =	vadd.scan.msk.f32 $0xffff, v38;
	s24 =	smul.f32 s21, s4;
	s28 =	sadd.f32 $9.999999740e-06, s25;
	v63 =	vmul.f32 s21, v29;
	v29 =	vadd.f32 v46, v44;
	v44 =	vld [tilespmem:s2+$0x30]  }
0x259: {  	v45 =	vadd.f32 v62, v45;
	v30 =	vadd.f32 v48, v30;
	v61 =	vmul.f32 s21, v28;
	v46 =	vld.idx.msk [tilespmem:v31+s14+$0x0], $0xffff;
	s7 =	smul.f32 s17, s17  }
0x25a: {  	v28 =	vadd.f32 v53, v49;
	v31 =	vadd.f32 v58, v57;
	v49 =	vld.idx.msk [tilespmem:v56+s14+$0x0], $0xffff;
	s8 =	sshra.s32 s28, $0x1;
	s29 =	smul.f32 $5.000000000e-01, s28  }
0x25b: {  	v54 =	vld [tilespmem:s2+$0xFFFFFFB0];
	s15 =	smul.f32 $1.562500000e-02, s15;
	v27 =	vmul.f32 s21, v27;
	v59 =	vadd.f32 s24, v61;
	v60 =	vmul.f32 v29, v29;
	s7 =	ssub.f32 s18, s7;
	s8 =	ssub.s32 $0x5F3759DF, s8  }
0x25c: {  	v47 =	vadd.f32 s24, v63;
	v61 =	vmul.f32 v30, v30;
	v42 =	vadd.f32 v31, v42;
	s28 =	smul.f32 s8, s29  }
0x25d: {  	(xrf2) =	vadd.scan.msk.f32 $0xffff, v45;
	s4 =	smul.f32 $1.562500000e-02, s20;
	v58 =	vmul.f32 s21, v26;
	v56 =	vadd.f32 v29, v30;
	v38 =	vadd.f32 s24, v27;
	s7 =	sadd.f32 $9.999999740e-06, s7  }
0x25e: {  	v62 =	vmul.f32 v59, v11;
	v57 =	vadd.f32 v60, v61;
	v31 =	vadd.f32 v50, v44;
	s18 =	smul.f32 s8, s28  }
0x25f: {  	v63 =	vmul.f32 v47, v7;
	v61 =	vadd.f32 s24, v58;
	v26 =	vadd.f32 v49, v52;
	s29 =	sshra.s32 s7, $0x1;
	s7 =	smul.f32 $5.000000000e-01, s7  }
0x260: {  	s20 =	smul.f32 s4, s4;
	v48 =	vmul.f32 v28, v28;
	(xrf2) =	vadd.scan.msk.f32 $0xffff, v42;
	v27 =	vadd.f32 v46, v54;
	v59 =	vadd.f32 v31, v28;
	s25 =	ssub.s32 $0x5F3759DF, s29;
	s18 =	ssub.f32 $1.500000000e+00, s18  }
0x261: {  	s3 =	ssub.f32 $0.0e+00, s3;
	v50 =	vadd.f32 v62, v9;
	v45 =	vadd.f32 v63, v4;
	v60 =	vmul.f32 v31, v31;
	s7 =	smul.f32 s25, s7  }
0x262: {  	s15 =	ssub.f32 s15, s20;
	v54, _, _ =	vpop (xrf2);
	v49 =	vmul.f32 v26, v26;
	v55 =	vmul.f32 v27, v27;
	v63 =	vadd.f32 v59, v56;
	s8 =	smul.f32 s8, s18  }
0x263: {  	(v2sf) =	vpush v54, $0xF;
	v62 =	vadd.f32 v60, v48;
	s7 =	smul.f32 s25, s7  }
0x264: {  	v58 =	vadd.f32 v21, v20;
	s15 =	sadd.f32 $9.999999740e-06, s15;
	v56 =	vadd.f32 v55, v49;
	(xrf2) =	vadd.scan.msk.f32 $0xffff, v63;
	v41 =	vmul.f32 s8, v41;
	s18 =	smul.f32 s8, s3  }
0x265: {  	v59 =	vadd.f32 v27, v26;
	v44 =	vadd.f32 v62, v57;
	v40 =	vmul.f32 s8, v40;
	s7 =	ssub.f32 $1.500000000e+00, s7  }
0x266: {  	s28 =	ssub.f32 $0.0e+00, s17;
	s24 =	smul.f32 $5.000000000e-01, s15;
	s15 =	sshra.s32 s15, $0x1;
	v46 =	vadd.f32 v56, v43;
	v57 =	vmul.f32 s8, v37;
	v41 =	vadd.f32 s18, v41  }
0x267: {  	s15 =	ssub.s32 $0x5F3759DF, s15;
	v60, _, _ =	vpop (xrf2);
	s3 =	simm.s32 $0x10500;
	v39 =	vmul.f32 s8, v39;
	v37 =	vmul.f32 v61, v6;
	(xrf2) =	vadd.scan.msk.f32 $0xffff, v44;
	v40 =	vadd.f32 s18, v40;
	s7 =	smul.f32 s25, s7  }
0x268: {  	s29 =	smul.f32 s15, s24;
	(v2sf) =	vpush v60, $0xF;
	[tilespmem:s3+$0x90] =	vst v45;
	v45 =	vadd.f32 v59, v58;
	v61 =	vmul.f32 v41, v6  }
0x269: {  	v42 =	vmul.f32 v40, v10;
	v40 =	vadd.f32 s18, v57;
	v62 =	vmul.f32 s7, v35;
	s20 =	smul.f32 s7, s28  }
0x26a: {  	v63, _, _ =	vpop (xrf2);
	(xrf2) =	vadd.scan.msk.f32 $0xffff, v46;
	v43 =	vmul.f32 s7, v33;
	v44 =	vmul.f32 s7, v32;
	v35 =	vadd.f32 v61, v5  }
0x26b: {  	s17 =	ssub.f32 $0.0e+00, s4;
	s4 =	simm.s32 $0x10500;
	[tilespmem:s3+$0x80] =	vst v50;
	s25 =	smul.f32 s15, s29;
	(v2sf) =	vpush v63, $0xF;
	v41 =	vmul.f32 s7, v34;
	v33 =	vadd.f32 s20, v62  }
.LBB2_6:
0x26c: {  	v32 =	vadd.f32 s20, v43;
	v34 =	vadd.f32 s20, v44;
	v40 =	vmul.f32 v40, v11;
	[tilespmem:s3+$0xFFFFFFB0] =	vst v35;
	s4 =	sadd.s32 $0x200, s4;
	s7 =	smov.u32 s5;
	s5 =	sadd.s32 $0x4, s5  }
0x26d: {  	v35 =	vadd.f32 s20, v41;
	v41 =	vadd.f32 v42, v8;
	s8 =	sand.u32 $0x70, s5;
	s21 =	sand.u32 $0xC, s5;
	p0 =	slt.u32 s5, $0x7C;
	(xrf2) =	vadd.scan.msk.f32 $0xffff, v45;
	v33 =	vmul.f32 v33, v11  }
0x26e: {  	v42 =	vld [tilespmem:s8+$0x300];
	v43, _, _ =	vpop (xrf2);
	v32 =	vmul.f32 v32, v10;
	v34 =	vmul.f32 v34, v6;
	v40 =	vadd.f32 v40, v9  }
0x26f: {  	v35 =	vmul.f32 v35, v7;
	(v2sf) =	vpush v43, $0xF;
	v33 =	vadd.f32 v33, v9;
	[tilespmem:s3+$0xFFFFFFA0] =	vst v41  }
0x270: {  	s2 =	sadd.s32 $0x200, s2;
	s8 =	sadd.s32 $0x5, s7;
	(xrf2) =	vadd.scan.msk.f32 $0xffff, v36;
	v32 =	vadd.f32 v32, v8;
	v34 =	vadd.f32 v34, v5;
	[tilespmem:s3+$0xFFFFFF80] =	vst v40  }
0x271: {  	v39 =	vadd.f32 s18, v39;
	s24 =	ssub.f32 $1.500000000e+00, s25;
	s20 =	sadd.s32 $0x6, s7;
	s8 =	sand.u32 $0xD, s8;
	v35 =	vadd.f32 v35, v4;
	v40 =	vmul.f32 v38, v10;
	v36, _, _ =	vpop (xrf2);
	[tilespmem:s3+$0xFFFFFF00] =	vst v33  }
0x272: {  	s7 =	sadd.s32 $0x7, s7;
	v38 =	vmov s21;
	v41 =	vmov s8;
	s8 =	sand.u32 $0xE, s20;
	v33 =	vld [tilespmem:s2+$0x0];
	s18 =	spop (v2sf);
	(v2sf) =	vpush v36, $0xF  }
0x273: {  	v36 =	vperm.xlane v42, v38;
	v41 =	vperm.xlane v42, v41;
	v38 =	vld [tilespmem:s2+$0xB0];
	s18 =	smul.f32 $1.562500000e-02, s18;
	[tilespmem:s3+$0xFFFFFF30] =	vst v34;
	v34 =	vadd.f32 v40, v8  }
0x274: {  	v43 =	vmov s7;
	s7 =	smul.f32 s15, s24;
	v40 =	vmov s8;
	v44 =	vld [tilespmem:s2+$0xA0];
	v45, _, _ =	vpop (xrf2);
	[tilespmem:s3+$0xFFFFFF10] =	vst v35;
	v35 =	vmul.f32 v39, v7  }
0x275: {  	v43 =	vperm.xlane v42, v43;
	v39 =	vshll.u32 v36, $0x6;
	v41 =	vshll.u32 v41, $0x6;
	v46 =	vld [tilespmem:s2+$0x80];
	[tilespmem:s3+$0xFFFFFF20] =	vst v32  }
0x276: {  	v48 =	vmul.f32 s7, v13;
	v13 =	vmovc v31;
	s8 =	smul.f32 s7, s17;
	v32 =	vor.u32 v0, v39;
	v47 =	vor.u32 v3, v39;
	v36 =	vld [tilespmem:s2+$0x90];
	[tilespmem:s3+$0xA0] =	vst v34  }
0x277: {  	v31 =	vperm.xlane v42, v40;
	v40 =	vshll.u32 v43, $0x6;
	v43 =	vmul.f32 s7, v15;
	v34 =	vld [tilespmem:s2+$0xFFFFFF00];
	v42, _, _ =	vpop (xrf2);
	s15 =	spop (v2sf)  }
0x278: {  	v52 =	vmul.f32 s7, v12;
	v12 =	vmovc v29;
	v15 =	vmovc v28;
	v50 =	vor.u32 v1, v39;
	v51 =	vor.u32 v0, v40;
	v49 =	vld [tilespmem:s2+$0xFFFFFF10];
	s29 =	smul.f32 $1.562500000e-02, s15  }
0x279: {  	v54 =	vmul.f32 s7, v14;
	v14 =	vmovc v30;
	v29 =	vor.u32 v2, v40;
	v53 =	vor.u32 v3, v40;
	v28 =	vld [tilespmem:s2+$0xFFFFFF20]  }
0x27a: {  	v30 =	vor.u32 v2, v39;
	v55 =	vor.u32 v1, v41;
	v39 =	vld [tilespmem:s2+$0xFFFFFF30];
	s7 =	smul.f32 s29, s29;
	v56, _, _ =	vpop (xrf2);
	(v2sf) =	vpush v42, $0xF;
	s15 =	spop (v2sf)  }
0x27b: {  	v31 =	vshll.u32 v31, $0x6;
	v42 =	vld.idx.msk [tilespmem:v47+s14+$0x0], $0xffff;
	v47 =	vor.u32 v0, v41;
	s15 =	smul.f32 $1.562500000e-02, s15;
	(v2sf) =	vpush v45, $0xF  }
0x27c: {  	v57 =	vor.u32 v0, v31;
	v58 =	vor.u32 v1, v31;
	v45 =	vld.idx.msk [tilespmem:v32+s14+$0x0], $0xffff;
	v32 =	vadd.f32 s8, v43  }
0x27d: {  	v48 =	vadd.f32 s8, v48;
	v59 =	vor.u32 v3, v31;
	v43 =	vor.u32 v2, v31;
	s7 =	ssub.f32 s15, s7  }
0x27e: {  	v54 =	vadd.f32 s8, v54;
	v60 =	vld [tilespmem:s2+$0xFFFFFF90];
	(v2sf) =	vpush v56, $0xF;
	s15 =	spop (v2sf);
	v56 =	vmul.f32 v32, v10  }
0x27f: {  	v52 =	vadd.f32 s8, v52;
	v48 =	vmul.f32 v48, v6;
	v31 =	vor.u32 v2, v41;
	v51 =	vld.idx.msk [tilespmem:v51+s14+$0x0], $0xffff;
	s17 =	smul.f32 $1.562500000e-02, s15  }
0x280: {  	v35 =	vadd.f32 v35, v4;
	v54 =	vmul.f32 v54, v11;
	v41 =	vor.u32 v3, v41;
	s7 =	sadd.f32 $9.999999740e-06, s7;
	v47 =	vld.idx.msk [tilespmem:v47+s14+$0x0], $0xffff  }
0x281: {  	v37 =	vadd.f32 v37, v5;
	v32 =	vadd.f32 v42, v39;
	v39 =	vmul.f32 v52, v7;
	v30 =	vld.idx.msk [tilespmem:v30+s14+$0x0], $0xffff;
	s8 =	smul.f32 s17, s17;
	s15 =	spop (v2sf)  }
0x282: {  	v40 =	vor.u32 v1, v40;
	v42 =	vadd.f32 v54, v9;
	v52 =	vadd.f32 v56, v8;
	s20 =	sshra.s32 s7, $0x1;
	s7 =	smul.f32 $5.000000000e-01, s7;
	v29 =	vld.idx.msk [tilespmem:v29+s14+$0x0], $0xffff  }
0x283: {  	v48 =	vadd.f32 v48, v5;
	s15 =	smul.f32 $1.562500000e-02, s15;
	s21 =	ssub.s32 $0x5F3759DF, s20;
	v39 =	vadd.f32 v39, v4;
	v50 =	vld.idx.msk [tilespmem:v50+s14+$0x0], $0xffff;
	[tilespmem:s3+$0xFFFFFF90] =	vst v35  }
0x284: {  	s7 =	smul.f32 s21, s7;
	v54 =	vld [tilespmem:s2+$0xFFFFFF80];
	[tilespmem:s3+$0xB0] =	vst v37  }
0x285: {  	v35 =	vadd.f32 v45, v34;
	s8 =	ssub.f32 s15, s8;
	v45 =	vld.idx.msk [tilespmem:v55+s14+$0x0], $0xffff;
	[tilespmem:s3+$0x0] =	vst v42  }
0x286: {  	v46 =	vadd.f32 v51, v46;
	v42 =	vmul.f32 v32, v32;
	s7 =	smul.f32 s21, s7;
	[tilespmem:s3+$0x20] =	vst v52  }
0x287: {  	v34 =	vadd.f32 v30, v28;
	s25 =	sadd.f32 $9.999999740e-06, s8;
	v28 =	vld.idx.msk [tilespmem:v40+s14+$0x0], $0xffff;
	[tilespmem:s3+$0x10] =	vst v39  }
0x288: {  	v30 =	vmul.f32 v35, v35;
	v44 =	vadd.f32 v29, v44;
	s7 =	ssub.f32 $1.500000000e+00, s7;
	v39 =	vld [tilespmem:s2+$0x20];
	[tilespmem:s3+$0x30] =	vst v48;
	s3 =	smov.u32 s4  }
0x289: {  	v40 =	vadd.f32 v50, v49;
	s8 =	sshra.s32 s25, $0x1;
	v37 =	vadd.f32 v47, v54;
	v29 =	vld.idx.msk [tilespmem:v53+s14+$0x0], $0xffff;
	s15 =	spop (v2sf)  }
0x28a: {  	v48 =	vmul.f32 v34, v34;
	v50 =	vmul.f32 v46, v46;
	v47 =	vadd.f32 v32, v34;
	v49 =	vld.idx.msk [tilespmem:v58+s14+$0x0], $0xffff;
	s20 =	smul.f32 $1.562500000e-02, s15;
	s15 =	ssub.s32 $0x5F3759DF, s8;
	s8 =	spop (v2sf)  }
0x28b: {  	s24 =	ssub.f32 $0.0e+00, s29;
	v51 =	vadd.f32 v40, v35;
	v52 =	vmul.f32 v40, v40;
	v45 =	vadd.f32 v45, v60;
	v53 =	vld.idx.msk [tilespmem:v59+s14+$0x0], $0xffff;
	s8 =	smul.f32 $1.562500000e-02, s8  }
0x28c: {  	v42 =	vadd.f32 v42, v48;
	v43 =	vld.idx.msk [tilespmem:v43+s14+$0x0], $0xffff;
	s28 =	smul.f32 s20, s20  }
0x28d: {  	s21 =	smul.f32 s21, s7;
	v48 =	vmul.f32 v45, v45;
	v28 =	vadd.f32 v28, v36;
	v54 =	vld.idx.msk [tilespmem:v57+s14+$0x0], $0xffff;
	s7 =	spop (v2sf)  }
0x28e: {  	v36 =	vadd.f32 v47, v51;
	v30 =	vadd.f32 v52, v30;
	v47 =	vmul.f32 v37, v37;
	v51 =	vld [tilespmem:s2+$0x10];
	s29 =	smul.f32 $1.562500000e-02, s7;
	s7 =	ssub.f32 s8, s28  }
0x28f: {  	s24 =	smul.f32 s21, s24;
	v52 =	vadd.f32 v29, v38;
	v38 =	vadd.f32 v28, v46;
	v29 =	vmul.f32 v28, v28  }
0x290: {  	v30 =	vadd.f32 v42, v30;
	v42 =	vadd.f32 v48, v47;
	v47 =	vmul.f32 s21, v23;
	v23 =	vmovc v46;
	s8 =	smul.f32 s29, s29;
	s7 =	sadd.f32 $9.999999740e-06, s7  }
0x291: {  	v46 =	vadd.f32 v52, v44;
	v48 =	vadd.f32 v29, v50;
	v50 =	vmul.f32 s21, v25;
	v25 =	vmovc v28  }
0x292: {  	v28 =	vadd.f32 v43, v39;
	v39 =	vmul.f32 v44, v44;
	v43 =	vmul.f32 v52, v52;
	v55 =	vld [tilespmem:s2+$0xFFFFFFB0];
	(xrf2) =	vadd.scan.msk.f32 $0xffff, v30;
	s8 =	ssub.f32 s18, s8;
	s18 =	sshra.s32 s7, $0x1;
	s7 =	smul.f32 $5.000000000e-01, s7  }
0x293: {  	v47 =	vadd.f32 s24, v47;
	v29 =	vadd.f32 v49, v51;
	v49 =	vld [tilespmem:s2+$0x30];
	s18 =	ssub.s32 $0x5F3759DF, s18;
	v51 =	vmul.f32 s21, v22;
	v22 =	vmovc v44  }
0x294: {  	s17 =	ssub.f32 $0.0e+00, s17;
	v30 =	vadd.f32 v54, v33;
	v33 =	vmul.f32 v28, v28;
	v39 =	vadd.f32 v43, v39;
	v41 =	vld.idx.msk [tilespmem:v41+s14+$0x0], $0xffff;
	s7 =	smul.f32 s18, s7  }
0x295: {  	s8 =	sadd.f32 $9.999999740e-06, s8;
	v43 =	vld.idx.msk [tilespmem:v31+s14+$0x0], $0xffff;
	v44 =	vmul.f32 v29, v29;
	v31 =	vadd.f32 v46, v38;
	v38 =	vadd.f32 s24, v50  }
0x296: {  	v47 =	vmul.f32 v47, v11;
	v50 =	vmul.f32 v30, v30;
	v39 =	vadd.f32 v39, v48;
	v46 =	vld [tilespmem:s2+$0xFFFFFFA0];
	s7 =	smul.f32 s18, s7  }
0x297: {  	v48 =	vadd.f32 v29, v30;
	s28 =	sshra.s32 s8, $0x1;
	s8 =	smul.f32 $5.000000000e-01, s8;
	(xrf2) =	vadd.scan.msk.f32 $0xffff, v31;
	v54 =	vmul.f32 v38, v7;
	v38 =	vadd.f32 s24, v51  }
0x298: {  	v44 =	vadd.f32 v44, v50;
	s28 =	ssub.s32 $0x5F3759DF, s28;
	v31 =	vadd.f32 v53, v49;
	s7 =	ssub.f32 $1.500000000e+00, s7;
	v49 =	vmul.f32 s21, v24;
	v24 =	vmovc v52  }
0x299: {  	v47 =	vadd.f32 v47, v9;
	s8 =	smul.f32 s28, s8;
	v50 =	vadd.f32 v54, v4  }
0x29a: {  	v51 =	vadd.f32 v31, v28;
	v52 =	vmul.f32 v31, v31;
	(xrf2) =	vadd.scan.msk.f32 $0xffff, v39;
	s7 =	smul.f32 s18, s7;
	s18 =	ssub.f32 $0.0e+00, s20;
	v49 =	vadd.f32 s24, v49  }
0x29b: {  	v41 =	vadd.f32 v41, v55;
	s8 =	smul.f32 s28, s8;
	v39 =	vadd.f32 v43, v46;
	[tilespmem:s4+$0x90] =	vst v50  }
0x29c: {  	v43 =	vadd.f32 v51, v48;
	v33 =	vadd.f32 v52, v33;
	v46, _, _ =	vpop (xrf2);
	s18 =	smul.f32 s7, s18;
	v48 =	vmul.f32 s7, v27;
	[tilespmem:s4+$0x80] =	vst v47  }
0x29d: {  	v50 =	vmul.f32 v41, v41;
	s8 =	ssub.f32 $1.500000000e+00, s8;
	v27 =	vmovc v41;
	v47 =	vmul.f32 v39, v39;
	(v2sf) =	vpush v46, $0xF  }
0x29e: {  	v41 =	vmul.f32 s7, v26;
	v26 =	vmovc v39;
	v51 =	vadd.f32 v33, v44;
	(xrf2) =	vadd.scan.msk.f32 $0xffff, v43;
	v43 =	vadd.f32 s18, v48  }
0x29f: {  	v46 =	vmul.f32 s7, v20;
	v39 =	vmul.f32 s7, v21;
	s7 =	smul.f32 $5.000000000e-01, s25;
	v20 =	vmovc v37;
	v21 =	vmovc v45;
	v44 =	vadd.f32 v50, v47  }
0x2a0: {  	v37 =	vmul.f32 v49, v6;
	v45 =	vadd.f32 v21, v20;
	s8 =	smul.f32 s28, s8;
	v47 =	vadd.f32 v27, v26  }
.Ltmp2:
0x2a1: {  	s20 =	ssub.f32 $0.0e+00, s29;
	v43 =	vmul.f32 v43, v6;
	v44 =	vadd.f32 v44, v42;
	(xrf2) =	vadd.scan.msk.f32 $0xffff, v51;
	v33, _, _ =	vpop (xrf2);
	v42 =	vadd.f32 s18, v41;
	(pc) =	sbr.rel @p0 .LBB2_6-.Ltmp2, $4  }
0x2a2: {  	s7 =	smul.f32 s15, s7;
	v45 =	vadd.f32 v47, v45;
	(v2sf) =	vpush v33, $0xF;
	v33 =	vmul.f32 s8, v17;
	v17 =	vmovc v35  }
0x2a3: {  	s20 =	smul.f32 s8, s20;
	v41 =	vmul.f32 s8, v19;
	v19 =	vmovc v40;
	v35 =	vadd.f32 v43, v5;
	v42 =	vmul.f32 v42, v10  }
0x2a4: {  	v40 =	vadd.f32 s18, v46;
	s25 =	smul.f32 s15, s7;
	v43 =	vmul.f32 s8, v18;
	(xrf2) =	vadd.scan.msk.f32 $0xffff, v44;
	v47, _, _ =	vpop (xrf2);
	v44 =	vmul.f32 s8, v16  }
0x2a5: {  	v18 =	vmovc v34;
	v33 =	vadd.f32 s20, v33;
	v16 =	vmov v32;
	(v2sf) =	vpush v47, $0xF  }
0x2a6: {  	_ = 	snop  }
0x2a7: {  	(xrf2) =	vadd.scan.msk.f32 $0xffff, v45;
	_ =	sdelay $0x5  }
0x2a8: {  	(xrf2) =	vadd.scan.msk.f32 $0xffff, v36  }
0x2a9: {  	v32, _, _ =	vpop (xrf2)  }
0x2aa: {  	v34, _, _ =	vpop (xrf2)  }
0x2ab: {  	(v2sf) =	vpush v32, $0xF;
	s2 =	spop (v2sf);
	v56, _, _ =	vpop (xrf2)  }
0x2ac: {  	(v2sf) =	vpush v34, $0xF;
	v57, _, _ =	vpop (xrf2);
	s5 =	spop (v2sf)  }
0x2ad: {  	(v2sf) =	vpush v57, $0xF;
	s24 =	smul.f32 $1.562500000e-02, s5  }
0x2ae: {  	(v2sf) =	vpush v56, $0xF  }
0x2af: {  	s5 =	smul.f32 s24, s24;
	s7 =	spop (v2sf)  }
0x2b0: {  	s7 =	smul.f32 $1.562500000e-02, s7;
	_ =	sdelay $0x1  }
0x2b1: {  	v58, _, _ =	vpop (xrf2);
	s5 =	ssub.f32 s7, s5  }
0x2b2: {  	(v2sf) =	vpush v58, $0xF  }
0x2b3: {  	s5 =	sadd.f32 $9.999999740e-06, s5;
	_ =	sdelay $0x1  }
0x2b4: {  	s8 =	sshra.s32 s5, $0x1;
	s5 =	smul.f32 $5.000000000e-01, s5  }
0x2b5: {  	s7 =	ssub.s32 $0x5F3759DF, s8  }
0x2b6: {  	s5 =	smul.f32 s7, s5  }
0x2b7: {  	s8 =	ssub.f32 $1.500000000e+00, s25;
	s25 =	smul.f32 $1.562500000e-02, s2  }
0x2b8: {  	s2 =	spop (v2sf);
	s5 =	smul.f32 s7, s5  }
0x2b9: {  	s28 =	spop (v2sf);
	s8 =	smul.f32 s15, s8  }
0x2ba: {  	s21 =	spop (v2sf);
	s5 =	ssub.f32 $1.500000000e+00, s5  }
0x2bb: {  	s21 =	smul.f32 $1.562500000e-02, s21;
	s29 =	spop (v2sf)  }
0x2bc: {  	s29 =	smul.f32 $1.562500000e-02, s29  }
0x2bd: {  	s15 =	smul.f32 s7, s5  }
0x2be: {  	s5 =	smul.f32 s21, s21  }
0x2bf: {  	s7 =	smul.f32 s8, s17  }
0x2c0: {  	v59 =	vadd.f32 s20, v43;
	s17 =	ssub.f32 s29, s5;
	s29 =	spop (v2sf)  }
0x2c1: {  	v60 =	vadd.f32 s20, v44;
	v61 =	vmul.f32 v40, v11;
	v62 =	vadd.f32 s20, v41;
	s5 =	smul.f32 $1.562500000e-02, s29  }
0x2c2: {  	v63 =	vadd.f32 v42, v8;
	v39 =	vadd.f32 s18, v39;
	v38 =	vmul.f32 v38, v10;
	s2 =	smul.f32 $1.562500000e-02, s2;
	s17 =	sadd.f32 $9.999999740e-06, s17  }
0x2c3: {  	v47 =	vadd.f32 v37, v5;
	v33 =	vmul.f32 v33, v11;
	v40 =	vmul.f32 v62, v7;
	s20 =	smul.f32 s5, s5  }
0x2c4: {  	v36 =	vadd.f32 v61, v9;
	v44 =	vadd.f32 v38, v8;
	v45 =	vmul.f32 v39, v7;
	s29 =	sshra.s32 s17, $0x1;
	s17 =	smul.f32 $5.000000000e-01, s17  }
0x2c5: {  	v32 =	vmul.f32 v59, v10;
	v33 =	vadd.f32 v33, v9;
	v40 =	vadd.f32 v40, v4;
	s28 =	smul.f32 $1.562500000e-02, s28;
	s20 =	ssub.f32 s25, s20;
	s18 =	ssub.s32 $0x5F3759DF, s29  }
0x2c6: {  	v46 =	vadd.f32 v45, v4;
	v15 =	vmul.f32 s8, v15;
	v14 =	vmul.f32 s8, v14;
	s17 =	smul.f32 s18, s17  }
0x2c7: {  	v32 =	vadd.f32 v32, v8;
	v34 =	vmul.f32 v60, v6;
	v12 =	vmul.f32 s8, v12;
	s25 =	smul.f32 s2, s2;
	s20 =	sadd.f32 $9.999999740e-06, s20  }
0x2c8: {  	[tilespmem:s3+$0xFFFFFFB0] =	vst v35;
	s24 =	ssub.f32 $0.0e+00, s24;
	v13 =	vmul.f32 s8, v13;
	v15 =	vadd.f32 s7, v15;
	v14 =	vadd.f32 s7, v14;
	s17 =	smul.f32 s18, s17  }
0x2c9: {  	[tilespmem:s3+$0xFFFFFFA0] =	vst v63;
	v12 =	vadd.f32 s7, v12;
	v23 =	vmul.f32 s15, v23;
	v25 =	vmul.f32 s15, v25;
	s29 =	sshra.s32 s20, $0x1;
	s20 =	smul.f32 $5.000000000e-01, s20  }
0x2ca: {  	[tilespmem:s3+$0xB0] =	vst v47;
	v13 =	vadd.f32 s7, v13;
	s7 =	smul.f32 s15, s24;
	v22 =	vmul.f32 s15, v22;
	v24 =	vmul.f32 s15, v24;
	s8 =	ssub.s32 $0x5F3759DF, s29;
	s17 =	ssub.f32 $1.500000000e+00, s17  }
0x2cb: {  	[tilespmem:s3+$0xFFFFFF80] =	vst v36;
	v34 =	vadd.f32 v34, v5;
	v15 =	vmul.f32 v15, v10;
	v14 =	vmul.f32 v14, v11;
	s25 =	ssub.f32 s28, s25;
	s20 =	smul.f32 s8, s20  }
0x2cc: {  	[tilespmem:s3+$0xA0] =	vst v44;
	v12 =	vmul.f32 v12, v7;
	v23 =	vadd.f32 s7, v23;
	v25 =	vadd.f32 s7, v25;
	s28 =	ssub.f32 $0.0e+00, s21;
	s17 =	smul.f32 s18, s17  }
0x2cd: {  	[tilespmem:s3+$0xFFFFFF00] =	vst v33;
	v13 =	vmul.f32 v13, v6;
	v22 =	vadd.f32 s7, v22;
	v14 =	vadd.f32 v14, v9;
	s20 =	smul.f32 s8, s20  }
0x2ce: {  	[tilespmem:s3+$0xFFFFFF10] =	vst v40;
	v15 =	vadd.f32 v15, v8;
	s29 =	sadd.f32 $9.999999740e-06, s25;
	s18 =	smul.f32 s17, s28;
	v27 =	vmul.f32 s17, v27;
	v26 =	vmul.f32 s17, v26  }
0x2cf: {  	v13 =	vadd.f32 v13, v5;
	v23 =	vmul.f32 v23, v11;
	[tilespmem:s3+$0x0] =	vst v14;
	v14 =	vadd.f32 s7, v24;
	s20 =	ssub.f32 $1.500000000e+00, s20  }
0x2d0: {  	v25 =	vmul.f32 v25, v7;
	[tilespmem:s3+$0x20] =	vst v15;
	s24 =	sshra.s32 s29, $0x1;
	s21 =	smul.f32 $5.000000000e-01, s29;
	v27 =	vadd.f32 s18, v27;
	v15 =	vadd.f32 s18, v26  }
0x2d1: {  	[tilespmem:s3+$0xFFFFFF90] =	vst v46;
	s5 =	ssub.f32 $0.0e+00, s5;
	v12 =	vadd.f32 v12, v4;
	v14 =	vmul.f32 v14, v6;
	s25 =	ssub.s32 $0x5F3759DF, s24;
	v20 =	vmul.f32 s17, v20;
	s8 =	smul.f32 s8, s20  }
0x2d2: {  	v23 =	vadd.f32 v23, v9;
	[tilespmem:s3+$0x30] =	vst v13;
	s15 =	smul.f32 s25, s21;
	v24 =	vmul.f32 v27, v6;
	v13 =	vmul.f32 v15, v10  }
0x2d3: {  	[tilespmem:s3+$0xFFFFFF20] =	vst v32;
	v25 =	vadd.f32 v25, v4;
	v17 =	vmul.f32 s8, v17;
	s5 =	smul.f32 s8, s5;
	v18 =	vmul.f32 s8, v18  }
0x2d4: {  	[tilespmem:s3+$0x10] =	vst v12;
	s28 =	smul.f32 s25, s15;
	v12 =	vmul.f32 s8, v16;
	v16 =	vadd.f32 s18, v20;
	v15 =	vadd.f32 v24, v5  }
0x2d5: {  	s4 =	sadd.s32 $0x200, s4;
	[tilespmem:s3+$0xFFFFFF30] =	vst v34;
	v19 =	vmul.f32 s8, v19;
	v17 =	vadd.f32 s5, v17;
	v18 =	vadd.f32 s5, v18  }
0x2d6: {  	[tilespmem:s4+$0x90] =	vst v25;
	s29 =	ssub.f32 $1.500000000e+00, s28;
	v13 =	vadd.f32 v13, v8;
	v12 =	vadd.f32 s5, v12;
	v16 =	vmul.f32 v16, v11  }
0x2d7: {  	[tilespmem:s4+$0x80] =	vst v23;
	v19 =	vadd.f32 s5, v19;
	v17 =	vmul.f32 v17, v11;
	v18 =	vmul.f32 v18, v10  }
0x2d8: {  	s2 =	ssub.f32 $0.0e+00, s2;
	v21 =	vmul.f32 s17, v21;
	s3 =	smul.f32 s25, s29;
	[tilespmem:s4+$0xFFFFFFB0] =	vst v15;
	v12 =	vmul.f32 v12, v6;
	v15 =	vadd.f32 v16, v9  }
0x2d9: {  	[tilespmem:s4+$0xFFFFFFA0] =	vst v13;
	v16 =	vadd.f32 v17, v9;
	v17 =	vmul.f32 v19, v7;
	v13 =	vadd.f32 v18, v8  }
0x2da: {  	s2 =	smul.f32 s3, s2;
	v12 =	vadd.f32 v12, v5;
	[tilespmem:s4+$0xFFFFFF80] =	vst v15;
	v15 =	vadd.f32 s18, v21;
	v18 =	vmul.f32 s3, v30  }
0x2db: {  	v19 =	vmul.f32 s3, v28;
	[tilespmem:s4+$0xFFFFFF00] =	vst v16;
	v16 =	vadd.f32 v17, v4;
	v17 =	vmul.f32 v22, v10  }
0x2dc: {  	[tilespmem:s4+$0xFFFFFF30] =	vst v12;
	v12 =	vmul.f32 v15, v7;
	v15 =	vmul.f32 s3, v29;
	v18 =	vadd.f32 s2, v18  }
0x2dd: {  	v19 =	vadd.f32 s2, v19;
	v17 =	vadd.f32 v17, v8;
	[tilespmem:s4+$0xFFFFFF10] =	vst v16;
	v16 =	vmul.f32 s3, v31  }
0x2de: {  	v14 =	vadd.f32 v14, v5;
	[tilespmem:s4+$0xFFFFFF20] =	vst v13;
	v13 =	vadd.f32 s2, v15;
	v15 =	vmul.f32 v18, v11  }
0x2df: {  	v12 =	vadd.f32 v12, v4;
	[tilespmem:s4+$0xA0] =	vst v17;
	v16 =	vadd.f32 s2, v16;
	v17 =	vmul.f32 v19, v10  }
0x2e0: {  	[tilespmem:s4+$0xB0] =	vst v14;
	v13 =	vmul.f32 v13, v7;
	v15 =	vadd.f32 v15, v9  }
0x2e1: {  	[tilespmem:s4+$0xFFFFFF90] =	vst v12;
	v12 =	vmul.f32 v16, v6;
	v16 =	vadd.f32 v17, v8  }
0x2e2: {  	v13 =	vadd.f32 v13, v4;
	[tilespmem:s4+$0x0] =	vst v15  }
0x2e3: {  	v12 =	vadd.f32 v12, v5;
	[tilespmem:s4+$0x20] =	vst v16  }
0x2e4: {  	[tilespmem:s4+$0x10] =	vst v13  }
0x2e5: {  	s5 =	simm.s32 $0x10400;
	[tilespmem:s4+$0x30] =	vst v12  }
0x2e6: {  	[hbm4b:s11+s6] =	stream.linear.scatter [tilespmem:s5], [sflag:$0x4], $0x4000, $0x38;
	[tilespmem:$0x18500] =	vst v63  }
0x2e7: {  	_ =	swait.ge [sflag:s26], $0x4000  }
0x2e8: {  	[sflag:s26] =	ssyncset.done $0x0  }
0x2e9: {  	[sflag:s26] =	ssyncadd.s32 $0xFFFFC000  }
0x2ea: {  	_ =	swait.ge [sflag:s31], $0x4000  }
0x2eb: {  	s7 =	simm.s32 $0x0;
	[sflag:s31] =	ssyncset.done $0x0  }
0x2ec: {  	s8 =	sand.u32 $0x70, s7;
	[sflag:s31] =	ssyncadd.s32 $0xFFFFC000  }
0x2ed: {  	v12 =	vld [tilespmem:s8+$0x380];
	_ =	sdelay $0x1  }
0x2ee: {  	s15 =	simm.s32 $0x4500  }
0x2ef: {  	s3 =	sand.u32 $0xC, s7;
	v15 =	vld [tilespmem:s15+$0x0]  }
0x2f0: {  	s17 =	simm.s32 $0x1;
	v13 =	vmov s3;
	v14 =	vld [tilespmem:s15+$0xB0]  }
0x2f1: {  	s3 =	sand.u32 $0xD, s17;
	v16 =	vld [tilespmem:s15+$0xA0];
	v13 =	vperm.xlane v12, v13  }
0x2f2: {  	v19 =	vmov s3;
	v18 =	vld [tilespmem:s15+$0x80]  }
0x2f3: {  	v21 =	vld [tilespmem:s15+$0x90];
	v19 =	vperm.xlane v12, v19;
	v13 =	vshll.u32 v13, $0x6  }
0x2f4: {  	v23 =	vld [tilespmem:s15+$0xFFFFFF00];
	v20 =	vor.u32 v3, v13  }
0x2f5: {  	s18 =	simm.s32 $0x3;
	v24 =	vld [tilespmem:s15+$0xFFFFFF10];
	v19 =	vshll.u32 v19, $0x6;
	v22 =	vor.u32 v0, v13  }
0x2f6: {  	v17 =	vmov s18;
	v26 =	vld [tilespmem:s15+$0xFFFFFF20];
	v28 =	vor.u32 v0, v19  }
0x2f7: {  	v27 =	vld [tilespmem:s15+$0xFFFFFF30];
	v17 =	vperm.xlane v12, v17;
	v29 =	vor.u32 v2, v13  }
0x2f8: {  	v31 =	vld [tilespmem:s15+$0xFFFFFF90];
	v13 =	vor.u32 v1, v13  }
0x2f9: {  	v17 =	vshll.u32 v17, $0x6;
	v20 =	vld.idx.msk [tilespmem:v20+s14+$0x0], $0xffff  }
0x2fa: {  	s20 =	simm.s32 $0x2;
	v25 =	vor.u32 v0, v17;
	v22 =	vld.idx.msk [tilespmem:v22+s14+$0x0], $0xffff  }
0x2fb: {  	s3 =	sand.u32 $0xE, s20;
	v30 =	vor.u32 v2, v17;
	v50 =	vld.idx.msk [tilespmem:v28+s14+$0x0], $0xffff  }
0x2fc: {  	v48 =	vmov s3;
	v28 =	vld.idx.msk [tilespmem:v29+s14+$0x0], $0xffff;
	v29 =	vor.u32 v1, v17  }
0x2fd: {  	v12 =	vperm.xlane v12, v48;
	v17 =	vor.u32 v3, v17;
	v13 =	vld.idx.msk [tilespmem:v13+s14+$0x0], $0xffff  }
0x2fe: {  	v52 =	vld [tilespmem:s15+$0xFFFFFF80]  }
0x2ff: {  	v12 =	vshll.u32 v12, $0x6;
	v49 =	vor.u32 v1, v19;
	v25 =	vld.idx.msk [tilespmem:v25+s14+$0x0], $0xffff  }
0x300: {  	v51 =	vor.u32 v1, v12;
	v30 =	vld.idx.msk [tilespmem:v30+s14+$0x0], $0xffff  }
0x301: {  	v53 =	vor.u32 v3, v12;
	v32 =	vadd.f32 v20, v27;
	v36 =	vadd.f32 v22, v23;
	v20 =	vld.idx.msk [tilespmem:v29+s14+$0x0], $0xffff  }
0x302: {  	v55 =	vor.u32 v2, v12;
	v33 =	vadd.f32 v28, v26;
	v34 =	vadd.f32 v13, v24;
	v13 =	vld.idx.msk [tilespmem:v17+s14+$0x0], $0xffff  }
0x303: {  	v57 =	vld [tilespmem:s15+$0x30];
	v12 =	vor.u32 v0, v12;
	v17 =	vmul.f32 v32, v32;
	v22 =	vmul.f32 v36, v36  }
0x304: {  	v54 =	vld.idx.msk [tilespmem:v49+s14+$0x0], $0xffff;
	v24 =	vmul.f32 v33, v33;
	v26 =	vmul.f32 v34, v34  }
0x305: {  	v37 =	vld.idx.msk [tilespmem:v51+s14+$0x0], $0xffff;
	v28 =	vadd.f32 v25, v18;
	v27 =	vadd.f32 v30, v16  }
0x306: {  	v23 =	vld [tilespmem:s15+$0x20];
	v18 =	vor.u32 v3, v19;
	v17 =	vadd.f32 v17, v24;
	v22 =	vadd.f32 v26, v22  }
0x307: {  	v16 =	vld.idx.msk [tilespmem:v53+s14+$0x0], $0xffff;
	v29 =	vadd.f32 v20, v21;
	v26 =	vadd.f32 v13, v14  }
0x308: {  	v19 =	vor.u32 v2, v19;
	v25 =	vld.idx.msk [tilespmem:v12+s14+$0x0], $0xffff;
	v12 =	vmul.f32 v28, v28;
	v14 =	vadd.f32 v17, v22  }
0x309: {  	v30 =	vmul.f32 v27, v27;
	v24 =	vld.idx.msk [tilespmem:v55+s14+$0x0], $0xffff;
	v17 =	vadd.f32 v29, v28;
	v21 =	vadd.f32 v26, v27  }
0x30a: {  	v13 =	vld [tilespmem:s15+$0x10];
	v20 =	vmul.f32 v29, v29;
	v56 =	vmul.f32 v26, v26  }
0x30b: {  	v18 =	vld.idx.msk [tilespmem:v18+s14+$0x0], $0xffff;
	(xrf2) =	vadd.scan.msk.f32 $0xffff, v14;
	v14 =	vadd.f32 v21, v17  }
0x30c: {  	v22 =	vld [tilespmem:s15+$0xFFFFFFB0];
	v12 =	vadd.f32 v20, v12;
	v17 =	vadd.f32 v56, v30  }
0x30d: {  	v35 =	vadd.f32 v50, v52;
	v19 =	vld.idx.msk [tilespmem:v19+s14+$0x0], $0xffff  }
0x30e: {  	v39 =	vadd.f32 v54, v31;
	v21 =	vld [tilespmem:s15+$0xFFFFFFA0];
	v17 =	vadd.f32 v17, v12  }
0x30f: {  	v12 =	vadd.f32 v37, v13;
	v13 =	vadd.f32 v25, v15  }
0x310: {  	v20 =	vmul.f32 v39, v39;
	(xrf2) =	vadd.scan.msk.f32 $0xffff, v14;
	v14 =	vadd.f32 v24, v23;
	v15 =	vadd.f32 v16, v57  }
0x311: {  	v41 =	vadd.f32 v18, v22;
	(xrf2) =	vadd.scan.msk.f32 $0xffff, v17;
	v16 =	vmul.f32 v12, v12;
	v17 =	vmul.f32 v13, v13  }
0x312: {  	v23 =	vmul.f32 v14, v14;
	v24 =	vadd.f32 v12, v13;
	v25 =	vmul.f32 v15, v15  }
0x313: {  	v30 =	vmul.f32 v35, v35;
	v40 =	vadd.f32 v19, v21;
	v16 =	vadd.f32 v16, v17  }
0x314: {  	v17 =	vadd.f32 v15, v14;
	v18 =	vadd.f32 v25, v23  }
0x315: {  	v20 =	vadd.f32 v20, v30;
	v22 =	vmul.f32 v41, v41;
	v21 =	vmul.f32 v40, v40  }
0x316: {  	v17 =	vadd.f32 v17, v24;
	v16 =	vadd.f32 v18, v16  }
0x317: {  	v19, _, _ =	vpop (xrf2);
	v18 =	vadd.f32 v22, v21;
	v21 =	vadd.f32 v41, v40  }
0x318: {  	(v2sf) =	vpush v19, $0xF;
	v19 =	vadd.f32 v39, v35  }
0x319: {  	(xrf2) =	vadd.scan.msk.f32 $0xffff, v17;
	v17 =	vadd.f32 v18, v20  }
0x31a: {  	(xrf2) =	vadd.scan.msk.f32 $0xffff, v16;
	v22, _, _ =	vpop (xrf2);
	v16 =	vadd.f32 v21, v19  }
0x31b: {  	(v2sf) =	vpush v22, $0xF;
	(xrf2) =	vadd.scan.msk.f32 $0xffff, v17  }
0x31c: {  	s5 =	simm.s32 $0x4;
	(xrf2) =	vadd.scan.msk.f32 $0xffff, v16  }
0x31d: {  	s21 =	sand.u32 $0x70, s5;
	v17, _, _ =	vpop (xrf2)  }
0x31e: {  	v18 =	vld [tilespmem:s21+$0x380];
	(v2sf) =	vpush v17, $0xF  }
0x31f: {  	v16 =	vadd.f32 v32, v33;
	v17 =	vadd.f32 v34, v36  }
0x320: {  	s25 =	simm.s32 $0x5  }
0x321: {  	s3 =	sand.u32 $0xD, s25;
	v16 =	vadd.f32 v16, v17  }
0x322: {  	s2 =	simm.s32 $0x4700;
	v19 =	vmov s3  }
0x323: {  	s24 =	sand.u32 $0xC, s5;
	v38 =	vld [tilespmem:s2+$0xFFFFFF20];
	v19 =	vperm.xlane v18, v19;
	(xrf2) =	vadd.scan.msk.f32 $0xffff, v16;
	v17, _, _ =	vpop (xrf2)  }
0x324: {  	v58 =	vld [tilespmem:s2+$0xFFFFFF30];
	v16 =	vmov s24;
	(v2sf) =	vpush v17, $0xF;
	v17, _, _ =	vpop (xrf2)  }
0x325: {  	v45 =	vld [tilespmem:s2+$0xFFFFFF90];
	v19 =	vshll.u32 v19, $0x6;
	v16 =	vperm.xlane v18, v16;
	v22, _, _ =	vpop (xrf2)  }
0x326: {  	v52 =	vld [tilespmem:s2+$0xFFFFFF80];
	v59 =	vor.u32 v0, v19;
	(v2sf) =	vpush v17, $0xF;
	v25, _, _ =	vpop (xrf2)  }
0x327: {  	s28 =	simm.s32 $0x7;
	v37 =	vld [tilespmem:s2+$0xFFFFFF00];
	v16 =	vshll.u32 v16, $0x6;
	s29 =	spop (v2sf);
	(v2sf) =	vpush v25, $0xF  }
0x328: {  	v24 =	vld [tilespmem:s2+$0xB0];
	v20 =	vmov s28;
	v23 =	vor.u32 v3, v16  }
0x329: {  	v21 =	vld [tilespmem:s2+$0xA0];
	v17 =	vperm.xlane v18, v20;
	v31 =	vor.u32 v0, v16  }
0x32a: {  	v20 =	vld [tilespmem:s2+$0x80];
	v60 =	vor.u32 v2, v16;
	s17 =	spop (v2sf);
	(v2sf) =	vpush v22, $0xF  }
0x32b: {  	v17 =	vshll.u32 v17, $0x6;
	v16 =	vor.u32 v1, v16;
	v43 =	vld.idx.msk [tilespmem:v59+s14+$0x0], $0xffff;
	s4 =	smul.f32 $1.562500000e-02, s17  }
0x32c: {  	v25 =	vld [tilespmem:s2+$0xFFFFFF10];
	v49 =	vor.u32 v3, v17  }
0x32d: {  	s21 =	simm.s32 $0x6;
	v46 =	vor.u32 v2, v17;
	v23 =	vld.idx.msk [tilespmem:v23+s14+$0x0], $0xffff;
	v61, _, _ =	vpop (xrf2);
	s18 =	smul.f32 s4, s4;
	s20 =	spop (v2sf)  }
0x32e: {  	s15 =	sand.u32 $0xE, s21;
	v22 =	vor.u32 v0, v17;
	v31 =	vld.idx.msk [tilespmem:v31+s14+$0x0], $0xffff;
	(v2sf) =	vpush v61, $0xF;
	s8 =	smul.f32 $1.562500000e-02, s20  }
0x32f: {  	v47 =	vmov s15;
	v48 =	vor.u32 v1, v19;
	v44 =	vld.idx.msk [tilespmem:v60+s14+$0x0], $0xffff  }
0x330: {  	v18 =	vperm.xlane v18, v47;
	v50 =	vld.idx.msk [tilespmem:v16+s14+$0x0], $0xffff;
	s7 =	ssub.f32 s8, s18  }
0x331: {  	v62 =	vor.u32 v1, v17;
	v60 =	vld.idx.msk [tilespmem:v49+s14+$0x0], $0xffff  }
0x332: {  	v56 =	vor.u32 v2, v19;
	v17 =	vshll.u32 v18, $0x6;
	v46 =	vld.idx.msk [tilespmem:v46+s14+$0x0], $0xffff;
	s7 =	sadd.f32 $9.999999740e-06, s7  }
0x333: {  	v51 =	vor.u32 v0, v17;
	v53 =	vor.u32 v1, v17;
	v54 =	vor.u32 v2, v17;
	v22 =	vld.idx.msk [tilespmem:v22+s14+$0x0], $0xffff  }
0x334: {  	v63 =	vld.idx.msk [tilespmem:v48+s14+$0x0], $0xffff;
	v55 =	vor.u32 v3, v17;
	v16 =	vadd.f32 v23, v58;
	v17 =	vadd.f32 v31, v37;
	s20 =	spop (v2sf);
	s24 =	sshra.s32 s7, $0x1;
	s7 =	smul.f32 $5.000000000e-01, s7  }
0x335: {  	v48 =	vld [tilespmem:s2+$0x90];
	v31 =	vor.u32 v3, v19;
	v18 =	vadd.f32 v44, v38;
	v19 =	vadd.f32 v50, v25;
	s15 =	spop (v2sf);
	s8 =	ssub.s32 $0x5F3759DF, s24  }
0x336: {  	v58 =	vld.idx.msk [tilespmem:v62+s14+$0x0], $0xffff;
	v24 =	vadd.f32 v60, v24;
	v57 =	vmul.f32 v16, v16;
	s7 =	smul.f32 s8, s7;
	s25 =	spop (v2sf)  }
0x337: {  	v30 =	vld [tilespmem:s2+$0x0];
	v59 =	vmul.f32 v17, v17;
	v61 =	vadd.f32 v16, v18;
	v62 =	vadd.f32 v19, v17;
	s3 =	smul.f32 $1.562500000e-02, s25  }
0x338: {  	v49 =	vld [tilespmem:s2+$0x20];
	v25 =	vmul.f32 v18, v18;
	v23 =	vadd.f32 v22, v20;
	v22 =	vadd.f32 v46, v21;
	s7 =	smul.f32 s8, s7  }
0x339: {  	s18 =	smul.f32 $1.562500000e-02, s29;
	v44 =	vld [tilespmem:s2+$0x10];
	v50 =	vmul.f32 v19, v19;
	v20 =	vadd.f32 v43, v52;
	v21 =	vadd.f32 v63, v45;
	s28 =	spop (v2sf)  }
0x33a: {  	v46 =	vld.idx.msk [tilespmem:v53+s14+$0x0], $0xffff;
	v63 =	vadd.f32 v57, v25;
	v37 =	vadd.f32 v61, v62;
	s29 =	smul.f32 s3, s3;
	s7 =	ssub.f32 $1.500000000e+00, s7  }
0x33b: {  	v25 =	vadd.f32 v58, v48;
	v58 =	vadd.f32 v50, v59;
	v48 =	vld.idx.msk [tilespmem:v51+s14+$0x0], $0xffff;
	v42 =	vmul.f32 v23, v23;
	s17 =	smul.f32 $1.562500000e-02, s28  }
0x33c: {  	s4 =	ssub.f32 $0.0e+00, s4;
	v53 =	vld.idx.msk [tilespmem:v54+s14+$0x0], $0xffff;
	v57 =	vmul.f32 v21, v21;
	v59 =	vmul.f32 v20, v20;
	v62 =	vadd.f32 v24, v22;
	s21 =	smul.f32 s8, s7  }
0x33d: {  	v52 =	vld [tilespmem:s2+$0xFFFFFFA0];
	v45 =	vadd.f32 v25, v23;
	v60 =	vmul.f32 v25, v25;
	v38 =	vadd.f32 v63, v58;
	s8 =	spop (v2sf);
	s25 =	ssub.f32 s17, s29  }
0x33e: {  	v50 =	vld.idx.msk [tilespmem:v55+s14+$0x0], $0xffff;
	v58 =	vmul.f32 v24, v24;
	v43 =	vadd.f32 v57, v59;
	v57 =	vmul.f32 v22, v22;
	s17 =	smul.f32 $1.562500000e-02, s8  }
0x33f: {  	v42 =	vadd.f32 v60, v42;
	(xrf2) =	vadd.scan.msk.f32 $0xffff, v38;
	s24 =	smul.f32 s21, s4;
	s28 =	sadd.f32 $9.999999740e-06, s25;
	v63 =	vmul.f32 s21, v29;
	v29 =	vadd.f32 v46, v44;
	v44 =	vld [tilespmem:s2+$0x30]  }
0x340: {  	v45 =	vadd.f32 v62, v45;
	v30 =	vadd.f32 v48, v30;
	v61 =	vmul.f32 s21, v28;
	v46 =	vld.idx.msk [tilespmem:v31+s14+$0x0], $0xffff;
	s7 =	smul.f32 s17, s17  }
0x341: {  	v28 =	vadd.f32 v53, v49;
	v31 =	vadd.f32 v58, v57;
	v49 =	vld.idx.msk [tilespmem:v56+s14+$0x0], $0xffff;
	s8 =	sshra.s32 s28, $0x1;
	s29 =	smul.f32 $5.000000000e-01, s28  }
0x342: {  	v54 =	vld [tilespmem:s2+$0xFFFFFFB0];
	s15 =	smul.f32 $1.562500000e-02, s15;
	v27 =	vmul.f32 s21, v27;
	v59 =	vadd.f32 s24, v61;
	v60 =	vmul.f32 v29, v29;
	s7 =	ssub.f32 s18, s7;
	s8 =	ssub.s32 $0x5F3759DF, s8  }
0x343: {  	v47 =	vadd.f32 s24, v63;
	v61 =	vmul.f32 v30, v30;
	v42 =	vadd.f32 v31, v42;
	s28 =	smul.f32 s8, s29  }
0x344: {  	(xrf2) =	vadd.scan.msk.f32 $0xffff, v45;
	s4 =	smul.f32 $1.562500000e-02, s20;
	v58 =	vmul.f32 s21, v26;
	v56 =	vadd.f32 v29, v30;
	v38 =	vadd.f32 s24, v27;
	s7 =	sadd.f32 $9.999999740e-06, s7  }
0x345: {  	v62 =	vmul.f32 v59, v11;
	v57 =	vadd.f32 v60, v61;
	v31 =	vadd.f32 v50, v44;
	s18 =	smul.f32 s8, s28  }
0x346: {  	v63 =	vmul.f32 v47, v7;
	v61 =	vadd.f32 s24, v58;
	v26 =	vadd.f32 v49, v52;
	s29 =	sshra.s32 s7, $0x1;
	s7 =	smul.f32 $5.000000000e-01, s7  }
0x347: {  	s20 =	smul.f32 s4, s4;
	v48 =	vmul.f32 v28, v28;
	(xrf2) =	vadd.scan.msk.f32 $0xffff, v42;
	v27 =	vadd.f32 v46, v54;
	v59 =	vadd.f32 v31, v28;
	s25 =	ssub.s32 $0x5F3759DF, s29;
	s18 =	ssub.f32 $1.500000000e+00, s18  }
0x348: {  	s3 =	ssub.f32 $0.0e+00, s3;
	v50 =	vadd.f32 v62, v9;
	v45 =	vadd.f32 v63, v4;
	v60 =	vmul.f32 v31, v31;
	s7 =	smul.f32 s25, s7  }
0x349: {  	s15 =	ssub.f32 s15, s20;
	v54, _, _ =	vpop (xrf2);
	v49 =	vmul.f32 v26, v26;
	v55 =	vmul.f32 v27, v27;
	v63 =	vadd.f32 v59, v56;
	s8 =	smul.f32 s8, s18  }
0x34a: {  	(v2sf) =	vpush v54, $0xF;
	v62 =	vadd.f32 v60, v48;
	s7 =	smul.f32 s25, s7  }
0x34b: {  	v58 =	vadd.f32 v21, v20;
	s15 =	sadd.f32 $9.999999740e-06, s15;
	v56 =	vadd.f32 v55, v49;
	(xrf2) =	vadd.scan.msk.f32 $0xffff, v63;
	v41 =	vmul.f32 s8, v41;
	s18 =	smul.f32 s8, s3  }
0x34c: {  	v59 =	vadd.f32 v27, v26;
	v44 =	vadd.f32 v62, v57;
	v40 =	vmul.f32 s8, v40;
	s7 =	ssub.f32 $1.500000000e+00, s7  }
0x34d: {  	s28 =	ssub.f32 $0.0e+00, s17;
	s24 =	smul.f32 $5.000000000e-01, s15;
	s15 =	sshra.s32 s15, $0x1;
	v46 =	vadd.f32 v56, v43;
	v57 =	vmul.f32 s8, v35;
	v41 =	vadd.f32 s18, v41  }
0x34e: {  	s15 =	ssub.s32 $0x5F3759DF, s15;
	v60, _, _ =	vpop (xrf2);
	s3 =	simm.s32 $0x14500;
	v39 =	vmul.f32 s8, v39;
	v35 =	vmul.f32 v61, v6;
	(xrf2) =	vadd.scan.msk.f32 $0xffff, v44;
	v40 =	vadd.f32 s18, v40;
	s7 =	smul.f32 s25, s7  }
0x34f: {  	s29 =	smul.f32 s15, s24;
	(v2sf) =	vpush v60, $0xF;
	[tilespmem:s3+$0x90] =	vst v45;
	v45 =	vadd.f32 v59, v58;
	v61 =	vmul.f32 v41, v6  }
0x350: {  	v42 =	vmul.f32 v40, v10;
	v40 =	vadd.f32 s18, v57;
	v62 =	vmul.f32 s7, v36;
	s20 =	smul.f32 s7, s28  }
0x351: {  	v63, _, _ =	vpop (xrf2);
	(xrf2) =	vadd.scan.msk.f32 $0xffff, v46;
	v43 =	vmul.f32 s7, v33;
	v44 =	vmul.f32 s7, v32;
	v36 =	vadd.f32 v61, v5  }
0x352: {  	s17 =	ssub.f32 $0.0e+00, s4;
	s4 =	simm.s32 $0x14500;
	[tilespmem:s3+$0x80] =	vst v50;
	s25 =	smul.f32 s15, s29;
	(v2sf) =	vpush v63, $0xF;
	v41 =	vmul.f32 s7, v34;
	v33 =	vadd.f32 s20, v62  }
.LBB2_8:
0x353: {  	v32 =	vadd.f32 s20, v43;
	v34 =	vadd.f32 s20, v44;
	v40 =	vmul.f32 v40, v11;
	[tilespmem:s3+$0xFFFFFFB0] =	vst v36;
	s4 =	sadd.s32 $0x200, s4;
	s7 =	smov.u32 s5;
	s5 =	sadd.s32 $0x4, s5  }
0x354: {  	v36 =	vadd.f32 s20, v41;
	v41 =	vadd.f32 v42, v8;
	s8 =	sand.u32 $0x70, s5;
	s21 =	sand.u32 $0xC, s5;
	p0 =	slt.u32 s5, $0x7C;
	(xrf2) =	vadd.scan.msk.f32 $0xffff, v45;
	v33 =	vmul.f32 v33, v11  }
0x355: {  	v42 =	vld [tilespmem:s8+$0x380];
	v43, _, _ =	vpop (xrf2);
	v32 =	vmul.f32 v32, v10;
	v34 =	vmul.f32 v34, v6;
	v40 =	vadd.f32 v40, v9  }
0x356: {  	v36 =	vmul.f32 v36, v7;
	(v2sf) =	vpush v43, $0xF;
	v33 =	vadd.f32 v33, v9;
	[tilespmem:s3+$0xFFFFFFA0] =	vst v41  }
0x357: {  	s2 =	sadd.s32 $0x200, s2;
	s8 =	sadd.s32 $0x5, s7;
	(xrf2) =	vadd.scan.msk.f32 $0xffff, v37;
	v32 =	vadd.f32 v32, v8;
	v34 =	vadd.f32 v34, v5;
	[tilespmem:s3+$0xFFFFFF80] =	vst v40  }
0x358: {  	v39 =	vadd.f32 s18, v39;
	s24 =	ssub.f32 $1.500000000e+00, s25;
	s20 =	sadd.s32 $0x6, s7;
	s8 =	sand.u32 $0xD, s8;
	v36 =	vadd.f32 v36, v4;
	v40 =	vmul.f32 v38, v10;
	v37, _, _ =	vpop (xrf2);
	[tilespmem:s3+$0xFFFFFF00] =	vst v33  }
0x359: {  	s7 =	sadd.s32 $0x7, s7;
	v38 =	vmov s21;
	v41 =	vmov s8;
	s8 =	sand.u32 $0xE, s20;
	v33 =	vld [tilespmem:s2+$0x0];
	s18 =	spop (v2sf);
	(v2sf) =	vpush v37, $0xF  }
0x35a: {  	v37 =	vperm.xlane v42, v38;
	v41 =	vperm.xlane v42, v41;
	v38 =	vld [tilespmem:s2+$0xB0];
	s18 =	smul.f32 $1.562500000e-02, s18;
	[tilespmem:s3+$0xFFFFFF30] =	vst v34;
	v34 =	vadd.f32 v40, v8  }
0x35b: {  	v43 =	vmov s7;
	s7 =	smul.f32 s15, s24;
	v40 =	vmov s8;
	v44 =	vld [tilespmem:s2+$0xA0];
	v45, _, _ =	vpop (xrf2);
	[tilespmem:s3+$0xFFFFFF10] =	vst v36;
	v36 =	vmul.f32 v39, v7  }
0x35c: {  	v43 =	vperm.xlane v42, v43;
	v39 =	vshll.u32 v37, $0x6;
	v41 =	vshll.u32 v41, $0x6;
	v46 =	vld [tilespmem:s2+$0x80];
	[tilespmem:s3+$0xFFFFFF20] =	vst v32  }
0x35d: {  	v48 =	vmul.f32 s7, v15;
	v15 =	vmovc v31;
	s8 =	smul.f32 s7, s17;
	v32 =	vor.u32 v0, v39;
	v47 =	vor.u32 v3, v39;
	v37 =	vld [tilespmem:s2+$0x90];
	[tilespmem:s3+$0xA0] =	vst v34  }
0x35e: {  	v31 =	vperm.xlane v42, v40;
	v40 =	vshll.u32 v43, $0x6;
	v43 =	vmul.f32 s7, v14;
	v34 =	vld [tilespmem:s2+$0xFFFFFF00];
	v42, _, _ =	vpop (xrf2);
	s15 =	spop (v2sf)  }
0x35f: {  	v52 =	vmul.f32 s7, v12;
	v12 =	vmovc v29;
	v14 =	vmovc v28;
	v50 =	vor.u32 v1, v39;
	v51 =	vor.u32 v0, v40;
	v49 =	vld [tilespmem:s2+$0xFFFFFF10];
	s29 =	smul.f32 $1.562500000e-02, s15  }
0x360: {  	v54 =	vmul.f32 s7, v13;
	v13 =	vmovc v30;
	v29 =	vor.u32 v2, v40;
	v53 =	vor.u32 v3, v40;
	v28 =	vld [tilespmem:s2+$0xFFFFFF20]  }
0x361: {  	v30 =	vor.u32 v2, v39;
	v55 =	vor.u32 v1, v41;
	v39 =	vld [tilespmem:s2+$0xFFFFFF30];
	s7 =	smul.f32 s29, s29;
	v56, _, _ =	vpop (xrf2);
	(v2sf) =	vpush v42, $0xF;
	s15 =	spop (v2sf)  }
0x362: {  	v31 =	vshll.u32 v31, $0x6;
	v42 =	vld.idx.msk [tilespmem:v47+s14+$0x0], $0xffff;
	v47 =	vor.u32 v0, v41;
	s15 =	smul.f32 $1.562500000e-02, s15;
	(v2sf) =	vpush v45, $0xF  }
0x363: {  	v57 =	vor.u32 v0, v31;
	v58 =	vor.u32 v1, v31;
	v45 =	vld.idx.msk [tilespmem:v32+s14+$0x0], $0xffff;
	v32 =	vadd.f32 s8, v43  }
0x364: {  	v48 =	vadd.f32 s8, v48;
	v59 =	vor.u32 v3, v31;
	v43 =	vor.u32 v2, v31;
	s7 =	ssub.f32 s15, s7  }
0x365: {  	v54 =	vadd.f32 s8, v54;
	v60 =	vld [tilespmem:s2+$0xFFFFFF90];
	(v2sf) =	vpush v56, $0xF;
	s15 =	spop (v2sf);
	v56 =	vmul.f32 v32, v10  }
0x366: {  	v52 =	vadd.f32 s8, v52;
	v48 =	vmul.f32 v48, v6;
	v31 =	vor.u32 v2, v41;
	v51 =	vld.idx.msk [tilespmem:v51+s14+$0x0], $0xffff;
	s17 =	smul.f32 $1.562500000e-02, s15  }
0x367: {  	v36 =	vadd.f32 v36, v4;
	v54 =	vmul.f32 v54, v11;
	v41 =	vor.u32 v3, v41;
	s7 =	sadd.f32 $9.999999740e-06, s7;
	v47 =	vld.idx.msk [tilespmem:v47+s14+$0x0], $0xffff  }
0x368: {  	v35 =	vadd.f32 v35, v5;
	v32 =	vadd.f32 v42, v39;
	v39 =	vmul.f32 v52, v7;
	v30 =	vld.idx.msk [tilespmem:v30+s14+$0x0], $0xffff;
	s8 =	smul.f32 s17, s17;
	s15 =	spop (v2sf)  }
0x369: {  	v40 =	vor.u32 v1, v40;
	v42 =	vadd.f32 v54, v9;
	v52 =	vadd.f32 v56, v8;
	s20 =	sshra.s32 s7, $0x1;
	s7 =	smul.f32 $5.000000000e-01, s7;
	v29 =	vld.idx.msk [tilespmem:v29+s14+$0x0], $0xffff  }
0x36a: {  	v48 =	vadd.f32 v48, v5;
	s15 =	smul.f32 $1.562500000e-02, s15;
	s21 =	ssub.s32 $0x5F3759DF, s20;
	v39 =	vadd.f32 v39, v4;
	v50 =	vld.idx.msk [tilespmem:v50+s14+$0x0], $0xffff;
	[tilespmem:s3+$0xFFFFFF90] =	vst v36  }
0x36b: {  	s7 =	smul.f32 s21, s7;
	v54 =	vld [tilespmem:s2+$0xFFFFFF80];
	[tilespmem:s3+$0xB0] =	vst v35  }
0x36c: {  	v36 =	vadd.f32 v45, v34;
	s8 =	ssub.f32 s15, s8;
	v45 =	vld.idx.msk [tilespmem:v55+s14+$0x0], $0xffff;
	[tilespmem:s3+$0x0] =	vst v42  }
0x36d: {  	v46 =	vadd.f32 v51, v46;
	v42 =	vmul.f32 v32, v32;
	s7 =	smul.f32 s21, s7;
	[tilespmem:s3+$0x20] =	vst v52  }
0x36e: {  	v34 =	vadd.f32 v30, v28;
	s25 =	sadd.f32 $9.999999740e-06, s8;
	v28 =	vld.idx.msk [tilespmem:v40+s14+$0x0], $0xffff;
	[tilespmem:s3+$0x10] =	vst v39  }
0x36f: {  	v30 =	vmul.f32 v36, v36;
	v44 =	vadd.f32 v29, v44;
	s7 =	ssub.f32 $1.500000000e+00, s7;
	v39 =	vld [tilespmem:s2+$0x20];
	[tilespmem:s3+$0x30] =	vst v48;
	s3 =	smov.u32 s4  }
0x370: {  	v40 =	vadd.f32 v50, v49;
	s8 =	sshra.s32 s25, $0x1;
	v35 =	vadd.f32 v47, v54;
	v29 =	vld.idx.msk [tilespmem:v53+s14+$0x0], $0xffff;
	s15 =	spop (v2sf)  }
0x371: {  	v48 =	vmul.f32 v34, v34;
	v50 =	vmul.f32 v46, v46;
	v47 =	vadd.f32 v32, v34;
	v49 =	vld.idx.msk [tilespmem:v58+s14+$0x0], $0xffff;
	s20 =	smul.f32 $1.562500000e-02, s15;
	s15 =	ssub.s32 $0x5F3759DF, s8;
	s8 =	spop (v2sf)  }
0x372: {  	s24 =	ssub.f32 $0.0e+00, s29;
	v51 =	vadd.f32 v40, v36;
	v52 =	vmul.f32 v40, v40;
	v45 =	vadd.f32 v45, v60;
	v53 =	vld.idx.msk [tilespmem:v59+s14+$0x0], $0xffff;
	s8 =	smul.f32 $1.562500000e-02, s8  }
0x373: {  	v42 =	vadd.f32 v42, v48;
	v43 =	vld.idx.msk [tilespmem:v43+s14+$0x0], $0xffff;
	s28 =	smul.f32 s20, s20  }
0x374: {  	s21 =	smul.f32 s21, s7;
	v48 =	vmul.f32 v45, v45;
	v28 =	vadd.f32 v28, v37;
	v54 =	vld.idx.msk [tilespmem:v57+s14+$0x0], $0xffff;
	s7 =	spop (v2sf)  }
0x375: {  	v37 =	vadd.f32 v47, v51;
	v30 =	vadd.f32 v52, v30;
	v47 =	vmul.f32 v35, v35;
	v51 =	vld [tilespmem:s2+$0x10];
	s29 =	smul.f32 $1.562500000e-02, s7;
	s7 =	ssub.f32 s8, s28  }
0x376: {  	s24 =	smul.f32 s21, s24;
	v52 =	vadd.f32 v29, v38;
	v38 =	vadd.f32 v28, v46;
	v29 =	vmul.f32 v28, v28  }
0x377: {  	v30 =	vadd.f32 v42, v30;
	v42 =	vadd.f32 v48, v47;
	v47 =	vmul.f32 s21, v23;
	v23 =	vmovc v46;
	s8 =	smul.f32 s29, s29;
	s7 =	sadd.f32 $9.999999740e-06, s7  }
0x378: {  	v46 =	vadd.f32 v52, v44;
	v48 =	vadd.f32 v29, v50;
	v50 =	vmul.f32 s21, v25;
	v25 =	vmovc v28  }
0x379: {  	v28 =	vadd.f32 v43, v39;
	v39 =	vmul.f32 v44, v44;
	v43 =	vmul.f32 v52, v52;
	v55 =	vld [tilespmem:s2+$0xFFFFFFB0];
	(xrf2) =	vadd.scan.msk.f32 $0xffff, v30;
	s8 =	ssub.f32 s18, s8;
	s18 =	sshra.s32 s7, $0x1;
	s7 =	smul.f32 $5.000000000e-01, s7  }
0x37a: {  	v47 =	vadd.f32 s24, v47;
	v29 =	vadd.f32 v49, v51;
	v49 =	vld [tilespmem:s2+$0x30];
	s18 =	ssub.s32 $0x5F3759DF, s18;
	v51 =	vmul.f32 s21, v22;
	v22 =	vmovc v44  }
0x37b: {  	s17 =	ssub.f32 $0.0e+00, s17;
	v30 =	vadd.f32 v54, v33;
	v33 =	vmul.f32 v28, v28;
	v39 =	vadd.f32 v43, v39;
	v41 =	vld.idx.msk [tilespmem:v41+s14+$0x0], $0xffff;
	s7 =	smul.f32 s18, s7  }
0x37c: {  	s8 =	sadd.f32 $9.999999740e-06, s8;
	v43 =	vld.idx.msk [tilespmem:v31+s14+$0x0], $0xffff;
	v44 =	vmul.f32 v29, v29;
	v31 =	vadd.f32 v46, v38;
	v38 =	vadd.f32 s24, v50  }
0x37d: {  	v47 =	vmul.f32 v47, v11;
	v50 =	vmul.f32 v30, v30;
	v39 =	vadd.f32 v39, v48;
	v46 =	vld [tilespmem:s2+$0xFFFFFFA0];
	s7 =	smul.f32 s18, s7  }
0x37e: {  	v48 =	vadd.f32 v29, v30;
	s28 =	sshra.s32 s8, $0x1;
	s8 =	smul.f32 $5.000000000e-01, s8;
	(xrf2) =	vadd.scan.msk.f32 $0xffff, v31;
	v54 =	vmul.f32 v38, v7;
	v38 =	vadd.f32 s24, v51  }
0x37f: {  	v44 =	vadd.f32 v44, v50;
	s28 =	ssub.s32 $0x5F3759DF, s28;
	v31 =	vadd.f32 v53, v49;
	s7 =	ssub.f32 $1.500000000e+00, s7;
	v49 =	vmul.f32 s21, v24;
	v24 =	vmovc v52  }
0x380: {  	v47 =	vadd.f32 v47, v9;
	s8 =	smul.f32 s28, s8;
	v50 =	vadd.f32 v54, v4  }
0x381: {  	v51 =	vadd.f32 v31, v28;
	v52 =	vmul.f32 v31, v31;
	(xrf2) =	vadd.scan.msk.f32 $0xffff, v39;
	s7 =	smul.f32 s18, s7;
	s18 =	ssub.f32 $0.0e+00, s20;
	v49 =	vadd.f32 s24, v49  }
0x382: {  	v41 =	vadd.f32 v41, v55;
	s8 =	smul.f32 s28, s8;
	v39 =	vadd.f32 v43, v46;
	[tilespmem:s4+$0x90] =	vst v50  }
0x383: {  	v43 =	vadd.f32 v51, v48;
	v33 =	vadd.f32 v52, v33;
	v46, _, _ =	vpop (xrf2);
	s18 =	smul.f32 s7, s18;
	v48 =	vmul.f32 s7, v27;
	[tilespmem:s4+$0x80] =	vst v47  }
0x384: {  	v50 =	vmul.f32 v41, v41;
	s8 =	ssub.f32 $1.500000000e+00, s8;
	v27 =	vmovc v41;
	v47 =	vmul.f32 v39, v39;
	(v2sf) =	vpush v46, $0xF  }
0x385: {  	v41 =	vmul.f32 s7, v26;
	v26 =	vmovc v39;
	v51 =	vadd.f32 v33, v44;
	(xrf2) =	vadd.scan.msk.f32 $0xffff, v43;
	v43 =	vadd.f32 s18, v48  }
0x386: {  	v46 =	vmul.f32 s7, v20;
	v39 =	vmul.f32 s7, v21;
	s7 =	smul.f32 $5.000000000e-01, s25;
	v20 =	vmovc v35;
	v21 =	vmovc v45;
	v44 =	vadd.f32 v50, v47  }
0x387: {  	v35 =	vmul.f32 v49, v6;
	v45 =	vadd.f32 v21, v20;
	s8 =	smul.f32 s28, s8;
	v47 =	vadd.f32 v27, v26  }
.Ltmp3:
0x388: {  	s20 =	ssub.f32 $0.0e+00, s29;
	v43 =	vmul.f32 v43, v6;
	v44 =	vadd.f32 v44, v42;
	(xrf2) =	vadd.scan.msk.f32 $0xffff, v51;
	v33, _, _ =	vpop (xrf2);
	v42 =	vadd.f32 s18, v41;
	(pc) =	sbr.rel @p0 .LBB2_8-.Ltmp3, $4  }
0x389: {  	s7 =	smul.f32 s15, s7;
	v45 =	vadd.f32 v47, v45;
	(v2sf) =	vpush v33, $0xF;
	v33 =	vmul.f32 s8, v17;
	v17 =	vmovc v36  }
0x38a: {  	s20 =	smul.f32 s8, s20;
	v41 =	vmul.f32 s8, v19;
	v19 =	vmovc v40;
	v36 =	vadd.f32 v43, v5;
	v42 =	vmul.f32 v42, v10  }
0x38b: {  	v40 =	vadd.f32 s18, v46;
	s25 =	smul.f32 s15, s7;
	v43 =	vmul.f32 s8, v18;
	(xrf2) =	vadd.scan.msk.f32 $0xffff, v44;
	v47, _, _ =	vpop (xrf2);
	v44 =	vmul.f32 s8, v16  }
0x38c: {  	v18 =	vmovc v34;
	v33 =	vadd.f32 s20, v33;
	v16 =	vmov v32;
	(v2sf) =	vpush v47, $0xF  }
0x38d: {  	_ = 	snop  }
0x38e: {  	(xrf2) =	vadd.scan.msk.f32 $0xffff, v45;
	_ =	sdelay $0x5  }
0x38f: {  	(xrf2) =	vadd.scan.msk.f32 $0xffff, v37;
	v32, _, _ =	vpop (xrf2)  }
0x390: {  	(v2sf) =	vpush v32, $0xF  }
0x391: {  	v34, _, _ =	vpop (xrf2)  }
0x392: {  	s2 =	spop (v2sf);
	v55, _, _ =	vpop (xrf2)  }
0x393: {  	(v2sf) =	vpush v34, $0xF;
	v56, _, _ =	vpop (xrf2);
	s5 =	spop (v2sf)  }
0x394: {  	(v2sf) =	vpush v56, $0xF;
	s24 =	smul.f32 $1.562500000e-02, s5  }
0x395: {  	(v2sf) =	vpush v55, $0xF  }
0x396: {  	s5 =	smul.f32 s24, s24;
	s7 =	spop (v2sf)  }
0x397: {  	s7 =	smul.f32 $1.562500000e-02, s7;
	_ =	sdelay $0x1  }
0x398: {  	v57, _, _ =	vpop (xrf2);
	s5 =	ssub.f32 s7, s5  }
0x399: {  	(v2sf) =	vpush v57, $0xF  }
0x39a: {  	s5 =	sadd.f32 $9.999999740e-06, s5;
	_ =	sdelay $0x1  }
0x39b: {  	s8 =	sshra.s32 s5, $0x1;
	s5 =	smul.f32 $5.000000000e-01, s5  }
0x39c: {  	s7 =	ssub.s32 $0x5F3759DF, s8;
	s8 =	ssub.f32 $1.500000000e+00, s25;
	s25 =	smul.f32 $1.562500000e-02, s2  }
0x39d: {  	s2 =	spop (v2sf);
	s5 =	smul.f32 s7, s5  }
0x39e: {  	s2 =	smul.f32 $1.562500000e-02, s2  }
0x39f: {  	s5 =	smul.f32 s7, s5  }
0x3a0: {  	s28 =	spop (v2sf);
	s8 =	smul.f32 s15, s8  }
0x3a1: {  	s21 =	spop (v2sf);
	s5 =	ssub.f32 $1.500000000e+00, s5  }
0x3a2: {  	s21 =	smul.f32 $1.562500000e-02, s21;
	s29 =	spop (v2sf)  }
0x3a3: {  	s29 =	smul.f32 $1.562500000e-02, s29  }
0x3a4: {  	s15 =	smul.f32 s7, s5  }
0x3a5: {  	s5 =	smul.f32 s21, s21  }
0x3a6: {  	s7 =	smul.f32 s8, s17  }
0x3a7: {  	v58 =	vadd.f32 s20, v43;
	v59 =	vadd.f32 s20, v44;
	s17 =	ssub.f32 s29, s5;
	s29 =	spop (v2sf)  }
0x3a8: {  	v60 =	vmul.f32 v40, v11;
	v61 =	vadd.f32 s20, v41;
	v39 =	vadd.f32 s18, v39;
	s5 =	smul.f32 $1.562500000e-02, s29  }
0x3a9: {  	v62 =	vadd.f32 v42, v8;
	v38 =	vmul.f32 v38, v10;
	v33 =	vmul.f32 v33, v11;
	s28 =	smul.f32 $1.562500000e-02, s28;
	s17 =	sadd.f32 $9.999999740e-06, s17  }
0x3aa: {  	v37 =	vadd.f32 v60, v9;
	v40 =	vmul.f32 v61, v7;
	v63 =	vmul.f32 v39, v7;
	s20 =	smul.f32 s5, s5  }
0x3ab: {  	v38 =	vadd.f32 v38, v8;
	v33 =	vadd.f32 v33, v9;
	s29 =	sshra.s32 s17, $0x1;
	s17 =	smul.f32 $5.000000000e-01, s17  }
0x3ac: {  	[tilespmem:s3+$0xFFFFFFB0] =	vst v36;
	v32 =	vmul.f32 v58, v10;
	v40 =	vadd.f32 v40, v4;
	v36 =	vadd.f32 v63, v4;
	s20 =	ssub.f32 s25, s20;
	s25 =	smul.f32 s2, s2;
	s18 =	ssub.s32 $0x5F3759DF, s29  }
0x3ad: {  	[tilespmem:s3+$0xFFFFFF80] =	vst v37;
	v37 =	vadd.f32 v35, v5;
	s24 =	ssub.f32 $0.0e+00, s24;
	v14 =	vmul.f32 s8, v14;
	v13 =	vmul.f32 s8, v13;
	s17 =	smul.f32 s18, s17  }
0x3ae: {  	v32 =	vadd.f32 v32, v8;
	v34 =	vmul.f32 v59, v6;
	v15 =	vmul.f32 s8, v15;
	s20 =	sadd.f32 $9.999999740e-06, s20  }
0x3af: {  	v12 =	vmul.f32 s8, v12;
	v14 =	vadd.f32 s7, v14;
	v13 =	vadd.f32 s7, v13;
	s8 =	ssub.f32 s28, s25;
	s17 =	smul.f32 s18, s17  }
0x3b0: {  	v15 =	vadd.f32 s7, v15;
	v23 =	vmul.f32 s15, v23;
	v25 =	vmul.f32 s15, v25;
	s29 =	sshra.s32 s20, $0x1;
	s20 =	smul.f32 $5.000000000e-01, s20  }
0x3b1: {  	[tilespmem:s3+$0xFFFFFFA0] =	vst v62;
	v12 =	vadd.f32 s7, v12;
	s24 =	smul.f32 s15, s24;
	v22 =	vmul.f32 s15, v22;
	v24 =	vmul.f32 s15, v24;
	s8 =	sadd.f32 $9.999999740e-06, s8;
	s7 =	ssub.s32 $0x5F3759DF, s29  }
0x3b2: {  	[tilespmem:s3+$0xA0] =	vst v38;
	v34 =	vadd.f32 v34, v5;
	v14 =	vmul.f32 v14, v10;
	v13 =	vmul.f32 v13, v11;
	s17 =	ssub.f32 $1.500000000e+00, s17;
	s20 =	smul.f32 s7, s20  }
0x3b3: {  	[tilespmem:s3+$0xFFFFFF00] =	vst v33;
	v12 =	vmul.f32 v12, v7;
	v23 =	vadd.f32 s24, v23;
	v25 =	vadd.f32 s24, v25;
	s29 =	sshra.s32 s8, $0x1;
	s8 =	smul.f32 $5.000000000e-01, s8  }
0x3b4: {  	[tilespmem:s3+$0xFFFFFF10] =	vst v40;
	v15 =	vmul.f32 v15, v6;
	v22 =	vadd.f32 s24, v22;
	v38 =	vadd.f32 s24, v24;
	s28 =	ssub.f32 $0.0e+00, s21;
	s17 =	smul.f32 s18, s17  }
0x3b5: {  	[tilespmem:s3+$0xFFFFFF90] =	vst v36;
	v13 =	vadd.f32 v13, v9;
	v14 =	vadd.f32 v14, v8;
	v23 =	vmul.f32 v23, v11;
	s20 =	smul.f32 s7, s20  }
0x3b6: {  	[tilespmem:s3+$0xB0] =	vst v37;
	v12 =	vadd.f32 v12, v4;
	v25 =	vmul.f32 v25, v7;
	s18 =	smul.f32 s17, s28;
	v27 =	vmul.f32 s17, v27  }
0x3b7: {  	[tilespmem:s3+$0xFFFFFF20] =	vst v32;
	v15 =	vadd.f32 v15, v5;
	v51 =	vmul.f32 v22, v10;
	s21 =	ssub.s32 $0x5F3759DF, s29;
	v26 =	vmul.f32 s17, v26;
	s20 =	ssub.f32 $1.500000000e+00, s20  }
0x3b8: {  	[tilespmem:s3+$0xFFFFFF30] =	vst v34;
	v23 =	vadd.f32 v23, v9;
	s8 =	smul.f32 s21, s8;
	v21 =	vmul.f32 s17, v21;
	v27 =	vadd.f32 s18, v27  }
0x3b9: {  	s5 =	ssub.f32 $0.0e+00, s5;
	v25 =	vadd.f32 v25, v4;
	[tilespmem:s3+$0x0] =	vst v13;
	v13 =	vmul.f32 v38, v6;
	v40 =	vadd.f32 s18, v26;
	s7 =	smul.f32 s7, s20  }
0x3ba: {  	[tilespmem:s3+$0x20] =	vst v14;
	v20 =	vmul.f32 s17, v20;
	s25 =	smul.f32 s21, s8;
	v48 =	vadd.f32 s18, v21;
	v39 =	vmul.f32 v27, v6  }
0x3bb: {  	[tilespmem:s3+$0x10] =	vst v12;
	v13 =	vadd.f32 v13, v5;
	v14 =	vmul.f32 v40, v10;
	v17 =	vmul.f32 s7, v17;
	s5 =	smul.f32 s7, s5  }
0x3bc: {  	s4 =	sadd.s32 $0x200, s4;
	[tilespmem:s3+$0x30] =	vst v15;
	v42 =	vadd.f32 s18, v20;
	v53 =	vmul.f32 v48, v7;
	v41 =	vmul.f32 s7, v16  }
0x3bd: {  	[tilespmem:s4+$0x90] =	vst v25;
	s28 =	ssub.f32 $1.500000000e+00, s25;
	v19 =	vmul.f32 s7, v19;
	v18 =	vmul.f32 s7, v18;
	v17 =	vadd.f32 s5, v17  }
0x3be: {  	[tilespmem:s4+$0x80] =	vst v23;
	v16 =	vmul.f32 v42, v11;
	v43 =	vadd.f32 v39, v5;
	v12 =	vadd.f32 s5, v41  }
0x3bf: {  	s2 =	ssub.f32 $0.0e+00, s2;
	[tilespmem:s4+$0xB0] =	vst v13;
	s3 =	smul.f32 s21, s28;
	v14 =	vadd.f32 v14, v8;
	v19 =	vadd.f32 s5, v19;
	v17 =	vmul.f32 v17, v11  }
0x3c0: {  	v18 =	vadd.f32 s5, v18;
	v44 =	vadd.f32 v16, v9;
	[tilespmem:s4+$0xFFFFFFB0] =	vst v43;
	v12 =	vmul.f32 v12, v6  }
0x3c1: {  	s2 =	smul.f32 s3, s2;
	v52 =	vmul.f32 s3, v28;
	[tilespmem:s4+$0xFFFFFFA0] =	vst v14;
	v46 =	vmul.f32 v19, v7;
	v45 =	vadd.f32 v17, v9  }
0x3c2: {  	v54 =	vmul.f32 s3, v29;
	v18 =	vmul.f32 v18, v10;
	[tilespmem:s4+$0xFFFFFF80] =	vst v44;
	v12 =	vadd.f32 v12, v5  }
0x3c3: {  	v55 =	vmul.f32 s3, v31;
	v19 =	vadd.f32 s2, v52;
	v50 =	vadd.f32 v46, v4;
	[tilespmem:s4+$0xFFFFFF00] =	vst v45  }
0x3c4: {  	v49 =	vmul.f32 s3, v30;
	v56 =	vadd.f32 s2, v54;
	v47 =	vadd.f32 v18, v8;
	[tilespmem:s4+$0xFFFFFF30] =	vst v12  }
0x3c5: {  	v58 =	vadd.f32 s2, v55;
	v17 =	vadd.f32 v51, v8;
	v59 =	vmul.f32 v19, v10;
	[tilespmem:s4+$0xFFFFFF10] =	vst v50  }
0x3c6: {  	v18 =	vadd.f32 s2, v49;
	v60 =	vmul.f32 v56, v7;
	[tilespmem:s4+$0xFFFFFF20] =	vst v47;
	v12 =	vadd.f32 v53, v4  }
0x3c7: {  	v62 =	vmul.f32 v58, v6;
	[tilespmem:s4+$0xA0] =	vst v17;
	v63 =	vadd.f32 v59, v8  }
0x3c8: {  	v57 =	vmul.f32 v18, v11;
	v4 =	vadd.f32 v60, v4;
	[tilespmem:s4+$0xFFFFFF90] =	vst v12  }
0x3c9: {  	v5 =	vadd.f32 v62, v5;
	[tilespmem:s4+$0x20] =	vst v63  }
0x3ca: {  	v61 =	vadd.f32 v57, v9;
	[tilespmem:s4+$0x10] =	vst v4  }
0x3cb: {  	[tilespmem:s4+$0x30] =	vst v5  }
0x3cc: {  	s0 =	sadd.s32 $0x1, s0;
	s29 =	simm.s32 $0x14400;
	[tilespmem:s4+$0x0] =	vst v61  }
0x3cd: {  	[hbm4b:s12+s6] =	stream.linear.scatter [tilespmem:s29], [sflag:$0x5], $0x4000, $0x38;
	[tilespmem:$0x18500] =	vst v63  }
0x3ce: {  	p0 =	sne.s32 s0, s13;
	_ =	swait.ge [sflag:s30], $0x4000  }
.Ltmp4:
0x3cf: {  	[sflag:s30] =	ssyncset.done $0x0;
	(pc) =	sbr.rel @p0 .LBB2_1-.Ltmp4, $4  }
0x3d0: {  	[sflag:s30] =	ssyncadd.s32 $0xFFFFC000  }
0x3d1: {  	_ =	swait.ge [sflag:s31], $0x4000  }
0x3d2: {  	[sflag:s31] =	ssyncset.done $0x0  }
0x3d3: {  	[sflag:s31] =	ssyncadd.s32 $0xFFFFC000  }
0x3d4: {  	_ =	sfence.sel $0x180000  }
0x3d5: {  	[bflag:$0x0] =	sbarrier.arrive $0xFFFF  }
0x3d6: {  	_ =	strace $0x90000047  }
0x3d7: {  	s0 =	stileid.u32;
	[bflag:$0x2] =	sbarrier.arrive $0xFFFF  }
0x3d8: {  	p0 =	sne.s32 s0, $0x0;
	s0 =	rddreg [dreg:$0x7]  }
0x3d9: {  	s0 =	sadd.s32 @!p0 $0x100000, s0  }
0x3da: {  	[sflag:s0] =	ssyncadd.tile.s32 @!p0 $0x1;
	_ =	shalt  }
.Lfunc_end2:
_tile_overlayer_lowered:
.L_overlay_start_2:
0x3db: {  	(tag) =	ssettag $0x2  }
0x3dc: {  	s0 =	rddreg [dreg:$0x0];
	s2 =	stileid.u32  }
0x3dd: {  	s1 =	rddreg [dreg:$0x1];
	p0 =	sne.s32 s2, $0x0  }
0x3de: {  	s3 =	rddreg [dreg:$0x2];
	[bflag:$0x3] =	sbarrier.arrive $0xFFFF;
	s2 =	simm.s32 @!p0 $0x1C06  }
0x3df: {  	[timem:s3], [sflag:s2] =	dma.local @!p0 [hbm:s0], s1  }
0x3e0: {  	s0 =	simm.s32 @!p0 $0x6  }
0x3e1: {  	_ =	swait.ge @!p0 [sflag:s0], s1  }
0x3e2: {  	s1 =	ssub.s32 @!p0 $0x0, s1;
	[sflag:s0] =	ssyncset.done @!p0 $0x0  }
0x3e3: {  	[sflag:s0] =	ssyncadd.s32 @!p0 s1  }
0x3e4: {  	[bflag:$0x3] =	sbarrier.arrive $0xFFFF  }
0x3e5: {  	_ =	shalt  }

</sc_bundles>
